<compile_context>
chip_gen: v7x
topology: tpu7x:2x2x1
jax: 0.10.2.dev20260603
libtpu: 0.0.44.dev20260713+nightly
codegen_flags: <defaults>
</compile_context>

<pallas_src>
import functools

import jax
import jax.numpy as jnp
from jax import lax
from jax.experimental import pallas as pl
from jax.experimental.pallas import tpu as pltpu
from jax.experimental.pallas import tpu_sc as plsc

N = 10000
E = 160000
IN_CH, HID_CH, OUT_CH = 256, 512, 256

NC, NS, L = 2, 16, 16
CH = 128
NPAD = 10240
B = 128
NB = 84
NBUF = 1
ET = NB * B
EEPAD = NS * ET
EW = EEPAD // (NC * NS)
RPT = NPAD // NS
ZR = 32

_mesh = lambda: plsc.VectorSubcoreMesh(core_axis_name="c", subcore_axis_name="s")
_SC_PARAMS = pltpu.CompilerParams(needs_layout_passes=False)


@functools.partial(
    pl.kernel,
    out_type=jax.ShapeDtypeStruct((NC * NS, NPAD), jnp.float32),
    mesh=_mesh(),
    compiler_params=_SC_PARAMS,
    scratch_types=[
        pltpu.VMEM((EW,), jnp.int32),
        pltpu.VMEM((NPAD,), jnp.float32),
    ],
)
def _sc_hist(dst_hbm, out_hbm, dst_v, hist_v):
    c = lax.axis_index("c")
    s = lax.axis_index("s")
    w = s * NC + c
    pltpu.sync_copy(dst_hbm.at[pl.ds(w * EW, EW)], dst_v)

    zeros16 = jnp.zeros((L,), jnp.float32)

    @pl.loop(0, NPAD // L)
    def _zero(i):
        hist_v[pl.ds(i * L, L)] = zeros16

    ones16 = jnp.ones((L,), jnp.float32)

    @pl.loop(0, EW // L)
    def _acc(i):
        idx = dst_v[pl.ds(i * L, L)]
        plsc.addupdate_scatter(hist_v, [idx], ones16)

    pltpu.sync_copy(hist_v, out_hbm.at[w])


def _make_sc_agg(nc):
    passes = nc // NC

    @functools.partial(
        pl.kernel,
        out_type=jax.ShapeDtypeStruct((nc * NPAD, CH), jnp.float32),
        mesh=_mesh(),
        compiler_params=_SC_PARAMS,
        scratch_types=[
            pltpu.VMEM((NB, B), jnp.int32),
            pltpu.VMEM((NB, B), jnp.int32),
            pltpu.VMEM((NBUF, B, CH), jnp.float32),
            pltpu.VMEM((ZR, CH), jnp.float32),
            pltpu.VMEM_SHARED((NPAD, CH), jnp.float32),
        ]
        + [pltpu.SemaphoreType.DMA] * NBUF,
    )
    def agg(xs_hbm, src_hbm, dst_hbm, out_hbm,
            src_v, dst_v, rowbuf, zbuf, acc, *sems):
        c = lax.axis_index("c")
        s = lax.axis_index("s")
        pltpu.sync_copy(src_hbm.at[s], src_v)
        pltpu.sync_copy(dst_hbm.at[s], dst_v)

        zeros16 = jnp.zeros((L,), jnp.float32)
        cpr = CH // L

        @pl.loop(0, ZR * cpr)
        def _zero(k):
            zbuf[k // cpr, pl.ds((k % cpr) * L, L)] = zeros16

        off0 = c * NPAD

        @pl.loop(0, NB * (B // L))
        def _adj0(k):
            row = k // (B // L)
            col = (k % (B // L)) * L
            src_v[row, pl.ds(col, L)] = src_v[row, pl.ds(col, L)] + off0

        for p in range(passes):
            if p > 0:
                @pl.loop(0, NB * (B // L))
                def _adj(k):
                    row = k // (B // L)
                    col = (k % (B // L)) * L
                    src_v[row, pl.ds(col, L)] = (
                        src_v[row, pl.ds(col, L)] + NC * NPAD)

            for z in range(RPT // ZR):
                pltpu.sync_copy(zbuf, acc.at[pl.ds(s * RPT + z * ZR, ZR)])
            plsc.subcore_barrier()

            for b in range(NBUF):
                pltpu.make_async_copy(
                    xs_hbm.at[src_v.at[b]], rowbuf.at[b], sems[b]).start()

            @pl.loop(0, NB // NBUF - 1)
            def _main(g):
                for b in range(NBUF):
                    j = g * NBUF + b
                    pltpu.make_async_copy(
                        xs_hbm.at[src_v.at[j]], rowbuf.at[b], sems[b]).wait()
                    pltpu.sync_copy(rowbuf.at[b], acc.at[dst_v.at[j]], add=True)
                    pltpu.make_async_copy(
                        xs_hbm.at[src_v.at[j + NBUF]], rowbuf.at[b],
                        sems[b]).start()

            for b in range(NBUF):
                j = NB - NBUF + b
                pltpu.make_async_copy(
                    xs_hbm.at[src_v.at[j]], rowbuf.at[b], sems[b]).wait()
                pltpu.sync_copy(rowbuf.at[b], acc.at[dst_v.at[j]], add=True)

            plsc.subcore_barrier()
            pltpu.sync_copy(
                acc.at[pl.ds(s * RPT, RPT)],
                out_hbm.at[pl.ds((p * NC + c) * NPAD + s * RPT, RPT)])
            if p + 1 < passes:
                plsc.subcore_barrier()

    return agg


_sc_agg1 = _make_sc_agg(HID_CH // CH)
_sc_agg2 = _make_sc_agg(OUT_CH // CH)


_BN = 512


def _tc1_body(deg_ref, x_ref, w_ref, dinv_ref, xs_ref):
    deg = jnp.sum(deg_ref[...], axis=0)
    dinv = jnp.where(deg > 0, lax.rsqrt(deg), 0.0)
    dinv_ref[0] = dinv
    xw = jnp.dot(x_ref[...], w_ref[...], preferred_element_type=jnp.float32)
    for cidx in range(HID_CH // CH):
        xs_ref[cidx] = xw[:, cidx * CH:(cidx + 1) * CH] * dinv[:, None]


def _tc2_body(agg_ref, dinv_ref, b1_ref, w_ref, xs_ref):
    dinv = dinv_ref[0]
    a = jnp.concatenate([agg_ref[cidx] for cidx in range(HID_CH // CH)], axis=1)
    h = jnp.maximum(a * dinv[:, None] + b1_ref[...], 0.0)
    xw = jnp.dot(h, w_ref[...], preferred_element_type=jnp.float32)
    for cidx in range(OUT_CH // CH):
        xs_ref[cidx] = xw[:, cidx * CH:(cidx + 1) * CH] * dinv[:, None]


def _tc3_body(agg_ref, dinv_ref, b2_ref, out_ref):
    dinv = dinv_ref[0]
    a = jnp.concatenate([agg_ref[cidx] for cidx in range(OUT_CH // CH)], axis=1)
    out_ref[...] = a * dinv[:, None] + b2_ref[...]


def _tc1(deg_parts, xpad, W1):
    grid = (NPAD // _BN,)
    return pl.pallas_call(
        _tc1_body,
        grid=grid,
        in_specs=[
            pl.BlockSpec((NC * NS, _BN), lambda i: (0, i)),
            pl.BlockSpec((_BN, IN_CH), lambda i: (i, 0)),
            pl.BlockSpec((IN_CH, HID_CH), lambda i: (0, 0)),
        ],
        out_specs=[
            pl.BlockSpec((1, _BN), lambda i: (0, i)),
            pl.BlockSpec((HID_CH // CH, _BN, CH), lambda i: (0, i, 0)),
        ],
        out_shape=[
            jax.ShapeDtypeStruct((1, NPAD), jnp.float32),
            jax.ShapeDtypeStruct((HID_CH // CH, NPAD, CH), jnp.float32),
        ],
    )(deg_parts, xpad, W1)


def _tc2(agg1, dinv, b1, W2):
    grid = (NPAD // _BN,)
    return pl.pallas_call(
        _tc2_body,
        grid=grid,
        in_specs=[
            pl.BlockSpec((HID_CH // CH, _BN, CH), lambda i: (0, i, 0)),
            pl.BlockSpec((1, _BN), lambda i: (0, i)),
            pl.BlockSpec((1, HID_CH), lambda i: (0, 0)),
            pl.BlockSpec((HID_CH, OUT_CH), lambda i: (0, 0)),
        ],
        out_specs=pl.BlockSpec((OUT_CH // CH, _BN, CH), lambda i: (0, i, 0)),
        out_shape=jax.ShapeDtypeStruct((OUT_CH // CH, NPAD, CH), jnp.float32),
    )(agg1, dinv, b1, W2)


def _tc3(agg2, dinv, b2):
    grid = (NPAD // _BN,)
    return pl.pallas_call(
        _tc3_body,
        grid=grid,
        in_specs=[
            pl.BlockSpec((OUT_CH // CH, _BN, CH), lambda i: (0, i, 0)),
            pl.BlockSpec((1, _BN), lambda i: (0, i)),
            pl.BlockSpec((1, OUT_CH), lambda i: (0, 0)),
        ],
        out_specs=pl.BlockSpec((_BN, OUT_CH), lambda i: (i, 0)),
        out_shape=jax.ShapeDtypeStruct((NPAD, OUT_CH), jnp.float32),
    )(agg2, dinv, b2)


def kernel(x, edge_index, W1, b1, W2, b2):
    n = x.shape[0]
    e = edge_index.shape[1]
    pad = EEPAD - (e + n)

    loop = jnp.arange(n, dtype=jnp.int32)
    padv = jnp.full((pad,), n, dtype=jnp.int32)
    src_ext = jnp.concatenate([edge_index[0], loop, padv])
    dst_ext = jnp.concatenate([edge_index[1], loop, padv])
    src3 = src_ext.reshape(NS, NB, B)
    dst3 = dst_ext.reshape(NS, NB, B)

    xpad = jnp.pad(x, ((0, NPAD - n), (0, 0)))

    deg_parts = _sc_hist(dst_ext)
    dinv, xs1 = _tc1(deg_parts, xpad, W1)
    agg1 = _sc_agg1(xs1.reshape((HID_CH // CH) * NPAD, CH), src3, dst3)
    xs2 = _tc2(agg1.reshape(HID_CH // CH, NPAD, CH), dinv,
               b1.reshape(1, HID_CH), W2)
    agg2 = _sc_agg2(xs2.reshape((OUT_CH // CH) * NPAD, CH), src3, dst3)
    out = _tc3(agg2.reshape(OUT_CH // CH, NPAD, CH), dinv,
               b2.reshape(1, OUT_CH))
    return out[:n]

# --- scband reference (transcript-rebuilt; emitter-appended) ---
"""Pipeline reference for scband-gcnencoder-11836929868098 (READ-ONLY COPY).

The authoritative reference and input builder live on the scoring server;
editing this copy changes nothing except your own understanding.
"""

import jax, jax.numpy as jnp
import numpy as np

N = 10000
E = 160000
IN_CH, HID_CH, OUT_CH = 256, 512, 256


def gcn_layer(x, edge_index, W, b):
    n = x.shape[0]
    loop = jnp.arange(n, dtype=edge_index.dtype)
    src = jnp.concatenate([edge_index[0], loop])
    dst = jnp.concatenate([edge_index[1], loop])
    deg = jnp.zeros((n,), x.dtype).at[dst].add(1.0)
    deg_inv_sqrt = jnp.where(deg > 0, 1.0 / jnp.sqrt(deg), 0.0)
    norm = deg_inv_sqrt[src] * deg_inv_sqrt[dst]
    xw = x @ W
    msgs = xw[src] * norm[:, None]
    out = jnp.zeros((n, W.shape[1]), x.dtype).at[dst].add(msgs)
    return out + b


def setup_inputs(seed: int = 0) -> dict:
    key = jax.random.key(seed)
    ks = jax.random.split(key, 6)
    x = jax.random.normal(ks[0], (N, IN_CH), dtype=jnp.float32)
    edge_index = jax.random.randint(ks[1], (2, E), 0, N, dtype=jnp.int32)
    W1 = jax.random.normal(ks[2], (IN_CH, HID_CH), dtype=jnp.float32) * (1.0 / np.sqrt(IN_CH))
    b1 = jnp.zeros((HID_CH,), dtype=jnp.float32)
    W2 = jax.random.normal(ks[3], (HID_CH, OUT_CH), dtype=jnp.float32) * (1.0 / np.sqrt(HID_CH))
    b2 = jnp.zeros((OUT_CH,), dtype=jnp.float32)
    return {"x": x, "edge_index": edge_index, "W1": W1, "b1": b1, "W2": W2, "b2": b2}


def reference(x, edge_index, W1, b1, W2, b2):
    h = jax.nn.relu(gcn_layer(x, edge_index, W1, b1))
    out = gcn_layer(h, edge_index, W2, b2)
    return out

if __name__ == "__main__":
    import jax
    _d = setup_inputs()
    print(jax.jit(kernel)(*tuple(_d.values())))

</pallas_src>

<mosaic_0001>
#map = affine_map<(d0, d1) -> (0)>
#map1 = affine_map<(d0, d1) -> (0, 0)>
module attributes {stable_mosaic.version = 14 : i64} {
  func.func @_sc_hist(%arg0: i32, %arg1: i32, %arg2: memref<172032xi32, #tpu.memory_space<hbm>>, %arg3: memref<32x10240xf32, #tpu.memory_space<hbm>>, %arg4: memref<5376xi32, #tpu.memory_space<vmem>>, %arg5: memref<10240xf32, #tpu.memory_space<vmem>>) attributes {dimension_semantics = [#tpu.dimension_semantics<core_parallel>, #tpu.dimension_semantics<subcore_parallel>], iteration_bounds = array<i64: 2, 16>, scalar_prefetch = 0 : i64, scratch_operands = 2 : i64, tpu.core_type = #tpu.core_type<sc_vector_subcore>, window_params = [{transform_indices = #map}, {transform_indices = #map1}]} {
    %mul3A = arith.constant 2 : i32
    %mul3A_0 = arith.muli %arg1, %mul3A : i32
    %add3A = arith.addi %mul3A_0, %arg0 : i32
    %mul3A_1 = arith.constant 5376 : i32
    %mul3A_2 = arith.muli %add3A, %mul3A_1 : i32
    "tpu.region"() ({
      %run_scoped3A = tpu.sem_alloc : memref<!tpu.dma_semaphore, #tpu.memory_space<semaphore_mem>>
      %dma_start3A = tpu.memref_slice %arg2[%mul3A_2] : memref<172032xi32, #tpu.memory_space<hbm>> -> memref<5376xi32, #tpu.memory_space<hbm>>
      %dma_start3A_15 = tpu.memref_slice %arg2[%mul3A_2] : memref<172032xi32, #tpu.memory_space<hbm>> -> memref<5376xi32, #tpu.memory_space<hbm>>
      tpu.enqueue_dma source(%dma_start3A_15 : memref<5376xi32, #tpu.memory_space<hbm>>) target(%arg4 : memref<5376xi32, #tpu.memory_space<vmem>>) target_semaphore(%run_scoped3A : memref<!tpu.dma_semaphore, #tpu.memory_space<semaphore_mem>>)
      %dma_wait3A = tpu.memref_slice %arg2[%mul3A_2] : memref<172032xi32, #tpu.memory_space<hbm>> -> memref<5376xi32, #tpu.memory_space<hbm>>
      %dma_wait3A_16 = tpu.memref_slice %arg2[%mul3A_2] : memref<172032xi32, #tpu.memory_space<hbm>> -> memref<5376xi32, #tpu.memory_space<hbm>>
      tpu.wait_dma2 semaphore(%run_scoped3A : memref<!tpu.dma_semaphore, #tpu.memory_space<semaphore_mem>>) src(%dma_wait3A_16 : memref<5376xi32, #tpu.memory_space<hbm>>) dst(%arg4 : memref<5376xi32, #tpu.memory_space<vmem>>)
      tpu.yield
    }) : () -> ()
    %broadcast_in_dim3A = arith.constant 0.000000e+00 : f32
    %broadcast_in_dim3A_3 = vector.broadcast %broadcast_in_dim3A : f32 to vector<16xf32>
    %scan3A = arith.constant 0 : i32
    %scan3A_4 = arith.constant 640 : i32
    %scan3A_5 = arith.addi %scan3A, %scan3A_4 : i32
    %scan3A_6 = arith.constant 1 : i32
    scf.for %scan3A_15 = %scan3A to %scan3A_5 step %scan3A_6  : i32 {
      %mul3A_16 = arith.constant 1 : i32
      %mul3A_17 = arith.muli %scan3A_15, %mul3A_16 : i32
      %add3A_18 = arith.constant 0 : i32
      %add3A_19 = arith.addi %add3A_18, %mul3A_17 : i32
      %mul3A_20 = arith.constant 16 : i32
      %mul3A_21 = arith.muli %add3A_19, %mul3A_20 : i32
      %swap3A = arith.index_cast %mul3A_21 : i32 to index
      %swap3A_22 = tpu.vector_load %arg5[%swap3A] {strides = array<i32>} : memref<10240xf32, #tpu.memory_space<vmem>>, vector<16xf32>,
      tpu.vector_store %arg5[%swap3A], %broadcast_in_dim3A_3 {strides = array<i32>} : memref<10240xf32, #tpu.memory_space<vmem>>, vector<16xf32>,
    }
    %scan3A_7 = arith.constant 640 : i32
    %broadcast_in_dim3A_8 = arith.constant 1.000000e+00 : f32
    %broadcast_in_dim3A_9 = vector.broadcast %broadcast_in_dim3A_8 : f32 to vector<16xf32>
    %scan3A_10 = arith.constant 0 : i32
    %scan3A_11 = arith.constant 336 : i32
    %scan3A_12 = arith.addi %scan3A_10, %scan3A_11 : i32
    %scan3A_13 = arith.constant 1 : i32
    scf.for %scan3A_15 = %scan3A_10 to %scan3A_12 step %scan3A_13  : i32 {
      %mul3A_16 = arith.constant 1 : i32
      %mul3A_17 = arith.muli %scan3A_15, %mul3A_16 : i32
      %add3A_18 = arith.constant 0 : i32
      %add3A_19 = arith.addi %add3A_18, %mul3A_17 : i32
      %mul3A_20 = arith.constant 16 : i32
      %mul3A_21 = arith.muli %add3A_19, %mul3A_20 : i32
      %get3A = arith.index_cast %mul3A_21 : i32 to index
      %get3A_22 = tpu.vector_load %arg4[%get3A] {strides = array<i32>} : memref<5376xi32, #tpu.memory_space<vmem>>, vector<16xi32>,
      tpu.vector_store_idx %arg5[%get3A_22], %broadcast_in_dim3A_9 {add = true} : memref<10240xf32, #tpu.memory_space<vmem>>[vector<16xi32>], vector<16xf32>,
    }
    %scan3A_14 = arith.constant 336 : i32
    "tpu.region"() ({
      %run_scoped3A = tpu.sem_alloc : memref<!tpu.dma_semaphore, #tpu.memory_space<semaphore_mem>>
      %dma_start3A = arith.constant 0 : i32
      %dma_start3A_15 = tpu.memref_slice %arg3[%add3A, %dma_start3A] : memref<32x10240xf32, #tpu.memory_space<hbm>> -> memref<1x10240xf32, #tpu.memory_space<hbm>>
      %dma_start3A_16 = tpu.memref_squeeze %dma_start3A_15 : memref<1x10240xf32, #tpu.memory_space<hbm>> -> memref<10240xf32, #tpu.memory_space<hbm>>
      %dma_start3A_17 = arith.constant 0 : i32
      %dma_start3A_18 = tpu.memref_slice %arg3[%add3A, %dma_start3A_17] : memref<32x10240xf32, #tpu.memory_space<hbm>> -> memref<1x10240xf32, #tpu.memory_space<hbm>>
      %dma_start3A_19 = tpu.memref_squeeze %dma_start3A_18 : memref<1x10240xf32, #tpu.memory_space<hbm>> -> memref<10240xf32, #tpu.memory_space<hbm>>
      tpu.enqueue_dma source(%arg5 : memref<10240xf32, #tpu.memory_space<vmem>>) target(%dma_start3A_19 : memref<10240xf32, #tpu.memory_space<hbm>>) target_semaphore(%run_scoped3A : memref<!tpu.dma_semaphore, #tpu.memory_space<semaphore_mem>>)
      %dma_wait3A = arith.constant 0 : i32
      %dma_wait3A_20 = tpu.memref_slice %arg3[%add3A, %dma_wait3A] : memref<32x10240xf32, #tpu.memory_space<hbm>> -> memref<1x10240xf32, #tpu.memory_space<hbm>>
      %dma_wait3A_21 = tpu.memref_squeeze %dma_wait3A_20 : memref<1x10240xf32, #tpu.memory_space<hbm>> -> memref<10240xf32, #tpu.memory_space<hbm>>
      %dma_wait3A_22 = arith.constant 0 : i32
      %dma_wait3A_23 = tpu.memref_slice %arg3[%add3A, %dma_wait3A_22] : memref<32x10240xf32, #tpu.memory_space<hbm>> -> memref<1x10240xf32, #tpu.memory_space<hbm>>
      %dma_wait3A_24 = tpu.memref_squeeze %dma_wait3A_23 : memref<1x10240xf32, #tpu.memory_space<hbm>> -> memref<10240xf32, #tpu.memory_space<hbm>>
      tpu.wait_dma2 semaphore(%run_scoped3A : memref<!tpu.dma_semaphore, #tpu.memory_space<semaphore_mem>>) src(%arg5 : memref<10240xf32, #tpu.memory_space<vmem>>) dst(%dma_wait3A_24 : memref<10240xf32, #tpu.memory_space<hbm>>)
      tpu.yield
    }) : () -> ()
    return
  }
}

#map = affine_map<(d0, d1) -> (0, 0)>
#map1 = affine_map<(d0, d1) -> (0, 0, 0)>
module attributes {stable_mosaic.version = 14 : i64} {
  func.func @agg(%arg0: i32, %arg1: i32, %arg2: memref<20480x128xf32, #tpu.memory_space<hbm>>, %arg3: memref<16x84x128xi32, #tpu.memory_space<hbm>>, %arg4: memref<16x84x128xi32, #tpu.memory_space<hbm>>, %arg5: memref<20480x128xf32, #tpu.memory_space<hbm>>, %arg6: memref<84x128xi32, #tpu.memory_space<vmem>>, %arg7: memref<84x128xi32, #tpu.memory_space<vmem>>, %arg8: memref<1x128x128xf32, #tpu.memory_space<vmem>>, %arg9: memref<32x128xf32, #tpu.memory_space<vmem>>, %arg10: memref<10240x128xf32, #tpu.memory_space<vmem_shared>>, %arg11: memref<!tpu.dma_semaphore, #tpu.memory_space<semaphore_mem>>) attributes {dimension_semantics = [#tpu.dimension_semantics<core_parallel>, #tpu.dimension_semantics<subcore_parallel>], iteration_bounds = array<i64: 2, 16>, scalar_prefetch = 0 : i64, scratch_operands = 6 : i64, tpu.core_type = #tpu.core_type<sc_vector_subcore>, window_params = [{transform_indices = #map}, {transform_indices = #map1}, {transform_indices = #map1}, {transform_indices = #map}]} {
    "tpu.region"() ({
      %run_scoped3A_128 = tpu.sem_alloc : memref<!tpu.dma_semaphore, #tpu.memory_space<semaphore_mem>>
      %dma_start3A_129 = arith.constant 0 : i32
      %dma_start3A_130 = arith.constant 0 : i32
      %dma_start3A_131 = tpu.memref_slice %arg3[%arg1, %dma_start3A_129, %dma_start3A_130] : memref<16x84x128xi32, #tpu.memory_space<hbm>> -> memref<1x84x128xi32, #tpu.memory_space<hbm>>
      %dma_start3A_132 = tpu.memref_squeeze %dma_start3A_131 : memref<1x84x128xi32, #tpu.memory_space<hbm>> -> memref<84x128xi32, #tpu.memory_space<hbm>>
      %dma_start3A_133 = arith.constant 0 : i32
      %dma_start3A_134 = arith.constant 0 : i32
      %dma_start3A_135 = tpu.memref_slice %arg3[%arg1, %dma_start3A_133, %dma_start3A_134] : memref<16x84x128xi32, #tpu.memory_space<hbm>> -> memref<1x84x128xi32, #tpu.memory_space<hbm>>
      %dma_start3A_136 = tpu.memref_squeeze %dma_start3A_135 : memref<1x84x128xi32, #tpu.memory_space<hbm>> -> memref<84x128xi32, #tpu.memory_space<hbm>>
      tpu.enqueue_dma source(%dma_start3A_136 : memref<84x128xi32, #tpu.memory_space<hbm>>) target(%arg6 : memref<84x128xi32, #tpu.memory_space<vmem>>) target_semaphore(%run_scoped3A_128 : memref<!tpu.dma_semaphore, #tpu.memory_space<semaphore_mem>>)
      %dma_wait3A_137 = arith.constant 0 : i32
      %dma_wait3A_138 = arith.constant 0 : i32
      %dma_wait3A_139 = tpu.memref_slice %arg3[%arg1, %dma_wait3A_137, %dma_wait3A_138] : memref<16x84x128xi32, #tpu.memory_space<hbm>> -> memref<1x84x128xi32, #tpu.memory_space<hbm>>
      %dma_wait3A_140 = tpu.memref_squeeze %dma_wait3A_139 : memref<1x84x128xi32, #tpu.memory_space<hbm>> -> memref<84x128xi32, #tpu.memory_space<hbm>>
      %dma_wait3A_141 = arith.constant 0 : i32
      %dma_wait3A_142 = arith.constant 0 : i32
      %dma_wait3A_143 = tpu.memref_slice %arg3[%arg1, %dma_wait3A_141, %dma_wait3A_142] : memref<16x84x128xi32, #tpu.memory_space<hbm>> -> memref<1x84x128xi32, #tpu.memory_space<hbm>>
      %dma_wait3A_144 = tpu.memref_squeeze %dma_wait3A_143 : memref<1x84x128xi32, #tpu.memory_space<hbm>> -> memref<84x128xi32, #tpu.memory_space<hbm>>
      tpu.wait_dma2 semaphore(%run_scoped3A_128 : memref<!tpu.dma_semaphore, #tpu.memory_space<semaphore_mem>>) src(%dma_wait3A_144 : memref<84x128xi32, #tpu.memory_space<hbm>>) dst(%arg6 : memref<84x128xi32, #tpu.memory_space<vmem>>)
      tpu.yield
    }) : () -> ()
    "tpu.region"() ({
      %run_scoped3A_128 = tpu.sem_alloc : memref<!tpu.dma_semaphore, #tpu.memory_space<semaphore_mem>>
      %dma_start3A_129 = arith.constant 0 : i32
      %dma_start3A_130 = arith.constant 0 : i32
      %dma_start3A_131 = tpu.memref_slice %arg4[%arg1, %dma_start3A_129, %dma_start3A_130] : memref<16x84x128xi32, #tpu.memory_space<hbm>> -> memref<1x84x128xi32, #tpu.memory_space<hbm>>
      %dma_start3A_132 = tpu.memref_squeeze %dma_start3A_131 : memref<1x84x128xi32, #tpu.memory_space<hbm>> -> memref<84x128xi32, #tpu.memory_space<hbm>>
      %dma_start3A_133 = arith.constant 0 : i32
      %dma_start3A_134 = arith.constant 0 : i32
      %dma_start3A_135 = tpu.memref_slice %arg4[%arg1, %dma_start3A_133, %dma_start3A_134] : memref<16x84x128xi32, #tpu.memory_space<hbm>> -> memref<1x84x128xi32, #tpu.memory_space<hbm>>
      %dma_start3A_136 = tpu.memref_squeeze %dma_start3A_135 : memref<1x84x128xi32, #tpu.memory_space<hbm>> -> memref<84x128xi32, #tpu.memory_space<hbm>>
      tpu.enqueue_dma source(%dma_start3A_136 : memref<84x128xi32, #tpu.memory_space<hbm>>) target(%arg7 : memref<84x128xi32, #tpu.memory_space<vmem>>) target_semaphore(%run_scoped3A_128 : memref<!tpu.dma_semaphore, #tpu.memory_space<semaphore_mem>>)
      %dma_wait3A_137 = arith.constant 0 : i32
      %dma_wait3A_138 = arith.constant 0 : i32
      %dma_wait3A_139 = tpu.memref_slice %arg4[%arg1, %dma_wait3A_137, %dma_wait3A_138] : memref<16x84x128xi32, #tpu.memory_space<hbm>> -> memref<1x84x128xi32, #tpu.memory_space<hbm>>
      %dma_wait3A_140 = tpu.memref_squeeze %dma_wait3A_139 : memref<1x84x128xi32, #tpu.memory_space<hbm>> -> memref<84x128xi32, #tpu.memory_space<hbm>>
      %dma_wait3A_141 = arith.constant 0 : i32
      %dma_wait3A_142 = arith.constant 0 : i32
      %dma_wait3A_143 = tpu.memref_slice %arg4[%arg1, %dma_wait3A_141, %dma_wait3A_142] : memref<16x84x128xi32, #tpu.memory_space<hbm>> -> memref<1x84x128xi32, #tpu.memory_space<hbm>>
      %dma_wait3A_144 = tpu.memref_squeeze %dma_wait3A_143 : memref<1x84x128xi32, #tpu.memory_space<hbm>> -> memref<84x128xi32, #tpu.memory_space<hbm>>
      tpu.wait_dma2 semaphore(%run_scoped3A_128 : memref<!tpu.dma_semaphore, #tpu.memory_space<semaphore_mem>>) src(%dma_wait3A_144 : memref<84x128xi32, #tpu.memory_space<hbm>>) dst(%arg7 : memref<84x128xi32, #tpu.memory_space<vmem>>)
      tpu.yield
    }) : () -> ()
    %broadcast_in_dim3A = arith.constant 0.000000e+00 : f32
    %broadcast_in_dim3A_0 = vector.broadcast %broadcast_in_dim3A : f32 to vector<16xf32>
    %scan3A = arith.constant 0 : i32
    %scan3A_1 = arith.constant 256 : i32
    %scan3A_2 = arith.addi %scan3A, %scan3A_1 : i32
    %scan3A_3 = arith.constant 1 : i32
    scf.for %scan3A_128 = %scan3A to %scan3A_2 step %scan3A_3  : i32 {
      %mul3A_129 = arith.constant 1 : i32
      %mul3A_130 = arith.muli %scan3A_128, %mul3A_129 : i32
      %add3A_131 = arith.constant 0 : i32
      %add3A_132 = arith.addi %add3A_131, %mul3A_130 : i32
      %jit3A = arith.constant 8 : i32
      %div3A = arith.divsi %add3A_132, %jit3A : i32
      %sign3A = arith.constant 0 : i32
      %sign3A_133 = arith.cmpi sgt, %add3A_132, %sign3A : i32
      %sign3A_134 = arith.extui %sign3A_133 : i1 to i32
      %sign3A_135 = arith.constant 0 : i32
      %sign3A_136 = arith.cmpi slt, %add3A_132, %sign3A_135 : i32
      %sign3A_137 = arith.extui %sign3A_136 : i1 to i32
      %sign3A_138 = arith.subi %sign3A_134, %sign3A_137 : i32
      %sign3A_139 = arith.constant 0 : i32
      %sign3A_140 = arith.cmpi sgt, %jit3A, %sign3A_139 : i32
      %sign3A_141 = arith.extui %sign3A_140 : i1 to i32
      %sign3A_142 = arith.constant 0 : i32
      %sign3A_143 = arith.cmpi slt, %jit3A, %sign3A_142 : i32
      %sign3A_144 = arith.extui %sign3A_143 : i1 to i32
      %sign3A_145 = arith.subi %sign3A_141, %sign3A_144 : i32
      %ne3A = arith.cmpi ne, %sign3A_138, %sign3A_145 : i32
      %rem3A = arith.remsi %add3A_132, %jit3A : i32
      %ne3A_146 = arith.constant 0 : i32
      %ne3A_147 = arith.cmpi ne, %rem3A, %ne3A_146 : i32
      %and3A = arith.andi %ne3A, %ne3A_147 : i1
      %sub3A = arith.constant 1 : i32
      %sub3A_148 = arith.subi %div3A, %sub3A : i32
      %select_n3A = arith.select %and3A, %sub3A_148, %div3A : i32
      %jit3A_149 = arith.constant 8 : i32
      %eq3A = arith.constant 0 : i32
      %eq3A_150 = arith.cmpi eq, %jit3A_149, %eq3A : i32
      %jit3A_151 = arith.constant 1 : i32
      %select_n3A_152 = arith.select %eq3A_150, %jit3A_151, %jit3A_149 : i32
      %rem3A_153 = arith.remsi %add3A_132, %select_n3A_152 : i32
      %ne3A_154 = arith.constant 0 : i32
      %ne3A_155 = arith.cmpi ne, %rem3A_153, %ne3A_154 : i32
      %lt3A = arith.constant 0 : i32
      %lt3A_156 = arith.cmpi slt, %rem3A_153, %lt3A : i32
      %lt3A_157 = arith.constant 0 : i32
      %lt3A_158 = arith.cmpi slt, %select_n3A_152, %lt3A_157 : i32
      %ne3A_159 = arith.xori %lt3A_156, %lt3A_158 : i1
      %and3A_160 = arith.andi %ne3A_159, %ne3A_155 : i1
      %add3A_161 = arith.addi %rem3A_153, %select_n3A_152 : i32
      %select_n3A_162 = arith.select %and3A_160, %add3A_161, %rem3A_153 : i32
      %mul3A_163 = arith.constant 16 : i32
      %mul3A_164 = arith.muli %select_n3A_162, %mul3A_163 : i32
      %swap3A = arith.index_cast %select_n3A : i32 to index
      %swap3A_165 = arith.index_cast %mul3A_164 : i32 to index
      %swap3A_166 = tpu.vector_load %arg9[%swap3A, %swap3A_165] {strides = array<i32>} : memref<32x128xf32, #tpu.memory_space<vmem>>, vector<16xf32>,
      tpu.vector_store %arg9[%swap3A, %swap3A_165], %broadcast_in_dim3A_0 {strides = array<i32>} : memref<32x128xf32, #tpu.memory_space<vmem>>, vector<16xf32>,
    }
    %scan3A_4 = arith.constant 256 : i32
    %mul3A = arith.constant 10240 : i32
    %mul3A_5 = arith.muli %arg0, %mul3A : i32
    %scan3A_6 = arith.constant 0 : i32
    %scan3A_7 = arith.constant 672 : i32
    %scan3A_8 = arith.addi %scan3A_6, %scan3A_7 : i32
    %scan3A_9 = arith.constant 1 : i32
    scf.for %scan3A_128 = %scan3A_6 to %scan3A_8 step %scan3A_9  : i32 {
      %mul3A_129 = arith.constant 1 : i32
      %mul3A_130 = arith.muli %scan3A_128, %mul3A_129 : i32
      %add3A_131 = arith.constant 0 : i32
      %add3A_132 = arith.addi %add3A_131, %mul3A_130 : i32
      %jit3A = arith.constant 8 : i32
      %div3A = arith.divsi %add3A_132, %jit3A : i32
      %sign3A = arith.constant 0 : i32
      %sign3A_133 = arith.cmpi sgt, %add3A_132, %sign3A : i32
      %sign3A_134 = arith.extui %sign3A_133 : i1 to i32
      %sign3A_135 = arith.constant 0 : i32
      %sign3A_136 = arith.cmpi slt, %add3A_132, %sign3A_135 : i32
      %sign3A_137 = arith.extui %sign3A_136 : i1 to i32
      %sign3A_138 = arith.subi %sign3A_134, %sign3A_137 : i32
      %sign3A_139 = arith.constant 0 : i32
      %sign3A_140 = arith.cmpi sgt, %jit3A, %sign3A_139 : i32
      %sign3A_141 = arith.extui %sign3A_140 : i1 to i32
      %sign3A_142 = arith.constant 0 : i32
      %sign3A_143 = arith.cmpi slt, %jit3A, %sign3A_142 : i32
      %sign3A_144 = arith.extui %sign3A_143 : i1 to i32
      %sign3A_145 = arith.subi %sign3A_141, %sign3A_144 : i32
      %ne3A = arith.cmpi ne, %sign3A_138, %sign3A_145 : i32
      %rem3A = arith.remsi %add3A_132, %jit3A : i32
      %ne3A_146 = arith.constant 0 : i32
      %ne3A_147 = arith.cmpi ne, %rem3A, %ne3A_146 : i32
      %and3A = arith.andi %ne3A, %ne3A_147 : i1
      %sub3A = arith.constant 1 : i32
      %sub3A_148 = arith.subi %div3A, %sub3A : i32
      %select_n3A = arith.select %and3A, %sub3A_148, %div3A : i32
      %jit3A_149 = arith.constant 8 : i32
      %eq3A = arith.constant 0 : i32
      %eq3A_150 = arith.cmpi eq, %jit3A_149, %eq3A : i32
      %jit3A_151 = arith.constant 1 : i32
      %select_n3A_152 = arith.select %eq3A_150, %jit3A_151, %jit3A_149 : i32
      %rem3A_153 = arith.remsi %add3A_132, %select_n3A_152 : i32
      %ne3A_154 = arith.constant 0 : i32
      %ne3A_155 = arith.cmpi ne, %rem3A_153, %ne3A_154 : i32
      %lt3A = arith.constant 0 : i32
      %lt3A_156 = arith.cmpi slt, %rem3A_153, %lt3A : i32
      %lt3A_157 = arith.constant 0 : i32
      %lt3A_158 = arith.cmpi slt, %select_n3A_152, %lt3A_157 : i32
      %ne3A_159 = arith.xori %lt3A_156, %lt3A_158 : i1
      %and3A_160 = arith.andi %ne3A_159, %ne3A_155 : i1
      %add3A_161 = arith.addi %rem3A_153, %select_n3A_152 : i32
      %select_n3A_162 = arith.select %and3A_160, %add3A_161, %rem3A_153 : i32
      %mul3A_163 = arith.constant 16 : i32
      %mul3A_164 = arith.muli %select_n3A_162, %mul3A_163 : i32
      %get3A = arith.index_cast %select_n3A : i32 to index
      %get3A_165 = arith.index_cast %mul3A_164 : i32 to index
      %get3A_166 = tpu.vector_load %arg6[%get3A, %get3A_165] {strides = array<i32>} : memref<84x128xi32, #tpu.memory_space<vmem>>, vector<16xi32>,
      %add3A_167 = vector.broadcast %mul3A_5 : i32 to vector<16xi32>
      %add3A_168 = arith.addi %get3A_166, %add3A_167 : vector<16xi32>
      %swap3A = arith.index_cast %select_n3A : i32 to index
      %swap3A_169 = arith.index_cast %mul3A_164 : i32 to index
      %swap3A_170 = tpu.vector_load %arg6[%swap3A, %swap3A_169] {strides = array<i32>} : memref<84x128xi32, #tpu.memory_space<vmem>>, vector<16xi32>,
      tpu.vector_store %arg6[%swap3A, %swap3A_169], %add3A_168 {strides = array<i32>} : memref<84x128xi32, #tpu.memory_space<vmem>>, vector<16xi32>,
    }
    %scan3A_10 = arith.constant 672 : i32
    %mul3A_11 = arith.constant 640 : i32
    %mul3A_12 = arith.muli %arg1, %mul3A_11 : i32
    %add3A = arith.constant 0 : i32
    %add3A_13 = arith.addi %mul3A_12, %add3A : i32
    "tpu.region"() ({
      %run_scoped3A_128 = tpu.sem_alloc : memref<!tpu.dma_semaphore, #tpu.memory_space<semaphore_mem>>
      %dma_start3A_129 = arith.constant 0 : i32
      %dma_start3A_130 = tpu.memref_slice %arg10[%add3A_13, %dma_start3A_129] : memref<10240x128xf32, #tpu.memory_space<vmem_shared>> -> memref<32x128xf32, #tpu.memory_space<vmem_shared>>
      %dma_start3A_131 = arith.constant 0 : i32
      %dma_start3A_132 = tpu.memref_slice %arg10[%add3A_13, %dma_start3A_131] : memref<10240x128xf32, #tpu.memory_space<vmem_shared>> -> memref<32x128xf32, #tpu.memory_space<vmem_shared>>
      tpu.enqueue_dma source(%arg9 : memref<32x128xf32, #tpu.memory_space<vmem>>) target(%dma_start3A_132 : memref<32x128xf32, #tpu.memory_space<vmem_shared>>) target_semaphore(%run_scoped3A_128 : memref<!tpu.dma_semaphore, #tpu.memory_space<semaphore_mem>>)
      %dma_wait3A_133 = arith.constant 0 : i32
      %dma_wait3A_134 = tpu.memref_slice %arg10[%add3A_13, %dma_wait3A_133] : memref<10240x128xf32, #tpu.memory_space<vmem_shared>> -> memref<32x128xf32, #tpu.memory_space<vmem_shared>>
      %dma_wait3A_135 = arith.constant 0 : i32
      %dma_wait3A_136 = tpu.memref_slice %arg10[%add3A_13, %dma_wait3A_135] : memref<10240x128xf32, #tpu.memory_space<vmem_shared>> -> memref<32x128xf32, #tpu.memory_space<vmem_shared>>
      tpu.wait_dma2 semaphore(%run_scoped3A_128 : memref<!tpu.dma_semaphore, #tpu.memory_space<semaphore_mem>>) src(%arg9 : memref<32x128xf32, #tpu.memory_space<vmem>>) dst(%dma_wait3A_136 : memref<32x128xf32, #tpu.memory_space<vmem_shared>>)
      tpu.yield
    }) : () -> ()
    %mul3A_14 = arith.constant 640 : i32
    %mul3A_15 = arith.muli %arg1, %mul3A_14 : i32
    %add3A_16 = arith.constant 32 : i32
    %add3A_17 = arith.addi %mul3A_15, %add3A_16 : i32
    "tpu.region"() ({
      %run_scoped3A_128 = tpu.sem_alloc : memref<!tpu.dma_semaphore, #tpu.memory_space<semaphore_mem>>
      %dma_start3A_129 = arith.constant 0 : i32
      %dma_start3A_130 = tpu.memref_slice %arg10[%add3A_17, %dma_start3A_129] : memref<10240x128xf32, #tpu.memory_space<vmem_shared>> -> memref<32x128xf32, #tpu.memory_space<vmem_shared>>
      %dma_start3A_131 = arith.constant 0 : i32
      %dma_start3A_132 = tpu.memref_slice %arg10[%add3A_17, %dma_start3A_131] : memref<10240x128xf32, #tpu.memory_space<vmem_shared>> -> memref<32x128xf32, #tpu.memory_space<vmem_shared>>
      tpu.enqueue_dma source(%arg9 : memref<32x128xf32, #tpu.memory_space<vmem>>) target(%dma_start3A_132 : memref<32x128xf32, #tpu.memory_space<vmem_shared>>) target_semaphore(%run_scoped3A_128 : memref<!tpu.dma_semaphore, #tpu.memory_space<semaphore_mem>>)
      %dma_wait3A_133 = arith.constant 0 : i32
      %dma_wait3A_134 = tpu.memref_slice %arg10[%add3A_17, %dma_wait3A_133] : memref<10240x128xf32, #tpu.memory_space<vmem_shared>> -> memref<32x128xf32, #tpu.memory_space<vmem_shared>>
      %dma_wait3A_135 = arith.constant 0 : i32
      %dma_wait3A_136 = tpu.memref_slice %arg10[%add3A_17, %dma_wait3A_135] : memref<10240x128xf32, #tpu.memory_space<vmem_shared>> -> memref<32x128xf32, #tpu.memory_space<vmem_shared>>
      tpu.wait_dma2 semaphore(%run_scoped3A_128 : memref<!tpu.dma_semaphore, #tpu.memory_space<semaphore_mem>>) src(%arg9 : memref<32x128xf32, #tpu.memory_space<vmem>>) dst(%dma_wait3A_136 : memref<32x128xf32, #tpu.memory_space<vmem_shared>>)
      tpu.yield
    }) : () -> ()
    %mul3A_18 = arith.constant 640 : i32
    %mul3A_19 = arith.muli %arg1, %mul3A_18 : i32
    %add3A_20 = arith.constant 64 : i32
    %add3A_21 = arith.addi %mul3A_19, %add3A_20 : i32
    "tpu.region"() ({
      %run_scoped3A_128 = tpu.sem_alloc : memref<!tpu.dma_semaphore, #tpu.memory_space<semaphore_mem>>
      %dma_start3A_129 = arith.constant 0 : i32
      %dma_start3A_130 = tpu.memref_slice %arg10[%add3A_21, %dma_start3A_129] : memref<10240x128xf32, #tpu.memory_space<vmem_shared>> -> memref<32x128xf32, #tpu.memory_space<vmem_shared>>
      %dma_start3A_131 = arith.constant 0 : i32
      %dma_start3A_132 = tpu.memref_slice %arg10[%add3A_21, %dma_start3A_131] : memref<10240x128xf32, #tpu.memory_space<vmem_shared>> -> memref<32x128xf32, #tpu.memory_space<vmem_shared>>
      tpu.enqueue_dma source(%arg9 : memref<32x128xf32, #tpu.memory_space<vmem>>) target(%dma_start3A_132 : memref<32x128xf32, #tpu.memory_space<vmem_shared>>) target_semaphore(%run_scoped3A_128 : memref<!tpu.dma_semaphore, #tpu.memory_space<semaphore_mem>>)
      %dma_wait3A_133 = arith.constant 0 : i32
      %dma_wait3A_134 = tpu.memref_slice %arg10[%add3A_21, %dma_wait3A_133] : memref<10240x128xf32, #tpu.memory_space<vmem_shared>> -> memref<32x128xf32, #tpu.memory_space<vmem_shared>>
      %dma_wait3A_135 = arith.constant 0 : i32
      %dma_wait3A_136 = tpu.memref_slice %arg10[%add3A_21, %dma_wait3A_135] : memref<10240x128xf32, #tpu.memory_space<vmem_shared>> -> memref<32x128xf32, #tpu.memory_space<vmem_shared>>
      tpu.wait_dma2 semaphore(%run_scoped3A_128 : memref<!tpu.dma_semaphore, #tpu.memory_space<semaphore_mem>>) src(%arg9 : memref<32x128xf32, #tpu.memory_space<vmem>>) dst(%dma_wait3A_136 : memref<32x128xf32, #tpu.memory_space<vmem_shared>>)
      tpu.yield
    }) : () -> ()
    %mul3A_22 = arith.constant 640 : i32
    %mul3A_23 = arith.muli %arg1, %mul3A_22 : i32
    %add3A_24 = arith.constant 96 : i32
    %add3A_25 = arith.addi %mul3A_23, %add3A_24 : i32
    "tpu.region"() ({
      %run_scoped3A_128 = tpu.sem_alloc : memref<!tpu.dma_semaphore, #tpu.memory_space<semaphore_mem>>
      %dma_start3A_129 = arith.constant 0 : i32
      %dma_start3A_130 = tpu.memref_slice %arg10[%add3A_25, %dma_start3A_129] : memref<10240x128xf32, #tpu.memory_space<vmem_shared>> -> memref<32x128xf32, #tpu.memory_space<vmem_shared>>
      %dma_start3A_131 = arith.constant 0 : i32
      %dma_start3A_132 = tpu.memref_slice %arg10[%add3A_25, %dma_start3A_131] : memref<10240x128xf32, #tpu.memory_space<vmem_shared>> -> memref<32x128xf32, #tpu.memory_space<vmem_shared>>
      tpu.enqueue_dma source(%arg9 : memref<32x128xf32, #tpu.memory_space<vmem>>) target(%dma_start3A_132 : memref<32x128xf32, #tpu.memory_space<vmem_shared>>) target_semaphore(%run_scoped3A_128 : memref<!tpu.dma_semaphore, #tpu.memory_space<semaphore_mem>>)
      %dma_wait3A_133 = arith.constant 0 : i32
      %dma_wait3A_134 = tpu.memref_slice %arg10[%add3A_25, %dma_wait3A_133] : memref<10240x128xf32, #tpu.memory_space<vmem_shared>> -> memref<32x128xf32, #tpu.memory_space<vmem_shared>>
      %dma_wait3A_135 = arith.constant 0 : i32
      %dma_wait3A_136 = tpu.memref_slice %arg10[%add3A_25, %dma_wait3A_135] : memref<10240x128xf32, #tpu.memory_space<vmem_shared>> -> memref<32x128xf32, #tpu.memory_space<vmem_shared>>
      tpu.wait_dma2 semaphore(%run_scoped3A_128 : memref<!tpu.dma_semaphore, #tpu.memory_space<semaphore_mem>>) src(%arg9 : memref<32x128xf32, #tpu.memory_space<vmem>>) dst(%dma_wait3A_136 : memref<32x128xf32, #tpu.memory_space<vmem_shared>>)
      tpu.yield
    }) : () -> ()
    %mul3A_26 = arith.constant 640 : i32
    %mul3A_27 = arith.muli %arg1, %mul3A_26 : i32
    %add3A_28 = arith.constant 128 : i32
    %add3A_29 = arith.addi %mul3A_27, %add3A_28 : i32
    "tpu.region"() ({
      %run_scoped3A_128 = tpu.sem_alloc : memref<!tpu.dma_semaphore, #tpu.memory_space<semaphore_mem>>
      %dma_start3A_129 = arith.constant 0 : i32
      %dma_start3A_130 = tpu.memref_slice %arg10[%add3A_29, %dma_start3A_129] : memref<10240x128xf32, #tpu.memory_space<vmem_shared>> -> memref<32x128xf32, #tpu.memory_space<vmem_shared>>
      %dma_start3A_131 = arith.constant 0 : i32
      %dma_start3A_132 = tpu.memref_slice %arg10[%add3A_29, %dma_start3A_131] : memref<10240x128xf32, #tpu.memory_space<vmem_shared>> -> memref<32x128xf32, #tpu.memory_space<vmem_shared>>
      tpu.enqueue_dma source(%arg9 : memref<32x128xf32, #tpu.memory_space<vmem>>) target(%dma_start3A_132 : memref<32x128xf32, #tpu.memory_space<vmem_shared>>) target_semaphore(%run_scoped3A_128 : memref<!tpu.dma_semaphore, #tpu.memory_space<semaphore_mem>>)
      %dma_wait3A_133 = arith.constant 0 : i32
      %dma_wait3A_134 = tpu.memref_slice %arg10[%add3A_29, %dma_wait3A_133] : memref<10240x128xf32, #tpu.memory_space<vmem_shared>> -> memref<32x128xf32, #tpu.memory_space<vmem_shared>>
      %dma_wait3A_135 = arith.constant 0 : i32
      %dma_wait3A_136 = tpu.memref_slice %arg10[%add3A_29, %dma_wait3A_135] : memref<10240x128xf32, #tpu.memory_space<vmem_shared>> -> memref<32x128xf32, #tpu.memory_space<vmem_shared>>
      tpu.wait_dma2 semaphore(%run_scoped3A_128 : memref<!tpu.dma_semaphore, #tpu.memory_space<semaphore_mem>>) src(%arg9 : memref<32x128xf32, #tpu.memory_space<vmem>>) dst(%dma_wait3A_136 : memref<32x128xf32, #tpu.memory_space<vmem_shared>>)
      tpu.yield
    }) : () -> ()
    %mul3A_30 = arith.constant 640 : i32
    %mul3A_31 = arith.muli %arg1, %mul3A_30 : i32
    %add3A_32 = arith.constant 160 : i32
    %add3A_33 = arith.addi %mul3A_31, %add3A_32 : i32
    "tpu.region"() ({
      %run_scoped3A_128 = tpu.sem_alloc : memref<!tpu.dma_semaphore, #tpu.memory_space<semaphore_mem>>
      %dma_start3A_129 = arith.constant 0 : i32
      %dma_start3A_130 = tpu.memref_slice %arg10[%add3A_33, %dma_start3A_129] : memref<10240x128xf32, #tpu.memory_space<vmem_shared>> -> memref<32x128xf32, #tpu.memory_space<vmem_shared>>
      %dma_start3A_131 = arith.constant 0 : i32
      %dma_start3A_132 = tpu.memref_slice %arg10[%add3A_33, %dma_start3A_131] : memref<10240x128xf32, #tpu.memory_space<vmem_shared>> -> memref<32x128xf32, #tpu.memory_space<vmem_shared>>
      tpu.enqueue_dma source(%arg9 : memref<32x128xf32, #tpu.memory_space<vmem>>) target(%dma_start3A_132 : memref<32x128xf32, #tpu.memory_space<vmem_shared>>) target_semaphore(%run_scoped3A_128 : memref<!tpu.dma_semaphore, #tpu.memory_space<semaphore_mem>>)
      %dma_wait3A_133 = arith.constant 0 : i32
      %dma_wait3A_134 = tpu.memref_slice %arg10[%add3A_33, %dma_wait3A_133] : memref<10240x128xf32, #tpu.memory_space<vmem_shared>> -> memref<32x128xf32, #tpu.memory_space<vmem_shared>>
      %dma_wait3A_135 = arith.constant 0 : i32
      %dma_wait3A_136 = tpu.memref_slice %arg10[%add3A_33, %dma_wait3A_135] : memref<10240x128xf32, #tpu.memory_space<vmem_shared>> -> memref<32x128xf32, #tpu.memory_space<vmem_shared>>
      tpu.wait_dma2 semaphore(%run_scoped3A_128 : memref<!tpu.dma_semaphore, #tpu.memory_space<semaphore_mem>>) src(%arg9 : memref<32x128xf32, #tpu.memory_space<vmem>>) dst(%dma_wait3A_136 : memref<32x128xf32, #tpu.memory_space<vmem_shared>>)
      tpu.yield
    }) : () -> ()
    %mul3A_34 = arith.constant 640 : i32
    %mul3A_35 = arith.muli %arg1, %mul3A_34 : i32
    %add3A_36 = arith.constant 192 : i32
    %add3A_37 = arith.addi %mul3A_35, %add3A_36 : i32
    "tpu.region"() ({
      %run_scoped3A_128 = tpu.sem_alloc : memref<!tpu.dma_semaphore, #tpu.memory_space<semaphore_mem>>
      %dma_start3A_129 = arith.constant 0 : i32
      %dma_start3A_130 = tpu.memref_slice %arg10[%add3A_37, %dma_start3A_129] : memref<10240x128xf32, #tpu.memory_space<vmem_shared>> -> memref<32x128xf32, #tpu.memory_space<vmem_shared>>
      %dma_start3A_131 = arith.constant 0 : i32
      %dma_start3A_132 = tpu.memref_slice %arg10[%add3A_37, %dma_start3A_131] : memref<10240x128xf32, #tpu.memory_space<vmem_shared>> -> memref<32x128xf32, #tpu.memory_space<vmem_shared>>
      tpu.enqueue_dma source(%arg9 : memref<32x128xf32, #tpu.memory_space<vmem>>) target(%dma_start3A_132 : memref<32x128xf32, #tpu.memory_space<vmem_shared>>) target_semaphore(%run_scoped3A_128 : memref<!tpu.dma_semaphore, #tpu.memory_space<semaphore_mem>>)
      %dma_wait3A_133 = arith.constant 0 : i32
      %dma_wait3A_134 = tpu.memref_slice %arg10[%add3A_37, %dma_wait3A_133] : memref<10240x128xf32, #tpu.memory_space<vmem_shared>> -> memref<32x128xf32, #tpu.memory_space<vmem_shared>>
      %dma_wait3A_135 = arith.constant 0 : i32
      %dma_wait3A_136 = tpu.memref_slice %arg10[%add3A_37, %dma_wait3A_135] : memref<10240x128xf32, #tpu.memory_space<vmem_shared>> -> memref<32x128xf32, #tpu.memory_space<vmem_shared>>
      tpu.wait_dma2 semaphore(%run_scoped3A_128 : memref<!tpu.dma_semaphore, #tpu.memory_space<semaphore_mem>>) src(%arg9 : memref<32x128xf32, #tpu.memory_space<vmem>>) dst(%dma_wait3A_136 : memref<32x128xf32, #tpu.memory_space<vmem_shared>>)
      tpu.yield
    }) : () -> ()
    %mul3A_38 = arith.constant 640 : i32
    %mul3A_39 = arith.muli %arg1, %mul3A_38 : i32
    %add3A_40 = arith.constant 224 : i32
    %add3A_41 = arith.addi %mul3A_39, %add3A_40 : i32
    "tpu.region"() ({
      %run_scoped3A_128 = tpu.sem_alloc : memref<!tpu.dma_semaphore, #tpu.memory_space<semaphore_mem>>
      %dma_start3A_129 = arith.constant 0 : i32
      %dma_start3A_130 = tpu.memref_slice %arg10[%add3A_41, %dma_start3A_129] : memref<10240x128xf32, #tpu.memory_space<vmem_shared>> -> memref<32x128xf32, #tpu.memory_space<vmem_shared>>
      %dma_start3A_131 = arith.constant 0 : i32
      %dma_start3A_132 = tpu.memref_slice %arg10[%add3A_41, %dma_start3A_131] : memref<10240x128xf32, #tpu.memory_space<vmem_shared>> -> memref<32x128xf32, #tpu.memory_space<vmem_shared>>
      tpu.enqueue_dma source(%arg9 : memref<32x128xf32, #tpu.memory_space<vmem>>) target(%dma_start3A_132 : memref<32x128xf32, #tpu.memory_space<vmem_shared>>) target_semaphore(%run_scoped3A_128 : memref<!tpu.dma_semaphore, #tpu.memory_space<semaphore_mem>>)
      %dma_wait3A_133 = arith.constant 0 : i32
      %dma_wait3A_134 = tpu.memref_slice %arg10[%add3A_41, %dma_wait3A_133] : memref<10240x128xf32, #tpu.memory_space<vmem_shared>> -> memref<32x128xf32, #tpu.memory_space<vmem_shared>>
      %dma_wait3A_135 = arith.constant 0 : i32
      %dma_wait3A_136 = tpu.memref_slice %arg10[%add3A_41, %dma_wait3A_135] : memref<10240x128xf32, #tpu.memory_space<vmem_shared>> -> memref<32x128xf32, #tpu.memory_space<vmem_shared>>
      tpu.wait_dma2 semaphore(%run_scoped3A_128 : memref<!tpu.dma_semaphore, #tpu.memory_space<semaphore_mem>>) src(%arg9 : memref<32x128xf32, #tpu.memory_space<vmem>>) dst(%dma_wait3A_136 : memref<32x128xf32, #tpu.memory_space<vmem_shared>>)
      tpu.yield
    }) : () -> ()
    %mul3A_42 = arith.constant 640 : i32
    %mul3A_43 = arith.muli %arg1, %mul3A_42 : i32
    %add3A_44 = arith.constant 256 : i32
    %add3A_45 = arith.addi %mul3A_43, %add3A_44 : i32
    "tpu.region"() ({
      %run_scoped3A_128 = tpu.sem_alloc : memref<!tpu.dma_semaphore, #tpu.memory_space<semaphore_mem>>
      %dma_start3A_129 = arith.constant 0 : i32
      %dma_start3A_130 = tpu.memref_slice %arg10[%add3A_45, %dma_start3A_129] : memref<10240x128xf32, #tpu.memory_space<vmem_shared>> -> memref<32x128xf32, #tpu.memory_space<vmem_shared>>
      %dma_start3A_131 = arith.constant 0 : i32
      %dma_start3A_132 = tpu.memref_slice %arg10[%add3A_45, %dma_start3A_131] : memref<10240x128xf32, #tpu.memory_space<vmem_shared>> -> memref<32x128xf32, #tpu.memory_space<vmem_shared>>
      tpu.enqueue_dma source(%arg9 : memref<32x128xf32, #tpu.memory_space<vmem>>) target(%dma_start3A_132 : memref<32x128xf32, #tpu.memory_space<vmem_shared>>) target_semaphore(%run_scoped3A_128 : memref<!tpu.dma_semaphore, #tpu.memory_space<semaphore_mem>>)
      %dma_wait3A_133 = arith.constant 0 : i32
      %dma_wait3A_134 = tpu.memref_slice %arg10[%add3A_45, %dma_wait3A_133] : memref<10240x128xf32, #tpu.memory_space<vmem_shared>> -> memref<32x128xf32, #tpu.memory_space<vmem_shared>>
      %dma_wait3A_135 = arith.constant 0 : i32
      %dma_wait3A_136 = tpu.memref_slice %arg10[%add3A_45, %dma_wait3A_135] : memref<10240x128xf32, #tpu.memory_space<vmem_shared>> -> memref<32x128xf32, #tpu.memory_space<vmem_shared>>
      tpu.wait_dma2 semaphore(%run_scoped3A_128 : memref<!tpu.dma_semaphore, #tpu.memory_space<semaphore_mem>>) src(%arg9 : memref<32x128xf32, #tpu.memory_space<vmem>>) dst(%dma_wait3A_136 : memref<32x128xf32, #tpu.memory_space<vmem_shared>>)
      tpu.yield
    }) : () -> ()
    %mul3A_46 = arith.constant 640 : i32
    %mul3A_47 = arith.muli %arg1, %mul3A_46 : i32
    %add3A_48 = arith.constant 288 : i32
    %add3A_49 = arith.addi %mul3A_47, %add3A_48 : i32
    "tpu.region"() ({
      %run_scoped3A_128 = tpu.sem_alloc : memref<!tpu.dma_semaphore, #tpu.memory_space<semaphore_mem>>
      %dma_start3A_129 = arith.constant 0 : i32
      %dma_start3A_130 = tpu.memref_slice %arg10[%add3A_49, %dma_start3A_129] : memref<10240x128xf32, #tpu.memory_space<vmem_shared>> -> memref<32x128xf32, #tpu.memory_space<vmem_shared>>
      %dma_start3A_131 = arith.constant 0 : i32
      %dma_start3A_132 = tpu.memref_slice %arg10[%add3A_49, %dma_start3A_131] : memref<10240x128xf32, #tpu.memory_space<vmem_shared>> -> memref<32x128xf32, #tpu.memory_space<vmem_shared>>
      tpu.enqueue_dma source(%arg9 : memref<32x128xf32, #tpu.memory_space<vmem>>) target(%dma_start3A_132 : memref<32x128xf32, #tpu.memory_space<vmem_shared>>) target_semaphore(%run_scoped3A_128 : memref<!tpu.dma_semaphore, #tpu.memory_space<semaphore_mem>>)
      %dma_wait3A_133 = arith.constant 0 : i32
      %dma_wait3A_134 = tpu.memref_slice %arg10[%add3A_49, %dma_wait3A_133] : memref<10240x128xf32, #tpu.memory_space<vmem_shared>> -> memref<32x128xf32, #tpu.memory_space<vmem_shared>>
      %dma_wait3A_135 = arith.constant 0 : i32
      %dma_wait3A_136 = tpu.memref_slice %arg10[%add3A_49, %dma_wait3A_135] : memref<10240x128xf32, #tpu.memory_space<vmem_shared>> -> memref<32x128xf32, #tpu.memory_space<vmem_shared>>
      tpu.wait_dma2 semaphore(%run_scoped3A_128 : memref<!tpu.dma_semaphore, #tpu.memory_space<semaphore_mem>>) src(%arg9 : memref<32x128xf32, #tpu.memory_space<vmem>>) dst(%dma_wait3A_136 : memref<32x128xf32, #tpu.memory_space<vmem_shared>>)
      tpu.yield
    }) : () -> ()
    %mul3A_50 = arith.constant 640 : i32
    %mul3A_51 = arith.muli %arg1, %mul3A_50 : i32
    %add3A_52 = arith.constant 320 : i32
    %add3A_53 = arith.addi %mul3A_51, %add3A_52 : i32
    "tpu.region"() ({
      %run_scoped3A_128 = tpu.sem_alloc : memref<!tpu.dma_semaphore, #tpu.memory_space<semaphore_mem>>
      %dma_start3A_129 = arith.constant 0 : i32
      %dma_start3A_130 = tpu.memref_slice %arg10[%add3A_53, %dma_start3A_129] : memref<10240x128xf32, #tpu.memory_space<vmem_shared>> -> memref<32x128xf32, #tpu.memory_space<vmem_shared>>
      %dma_start3A_131 = arith.constant 0 : i32
      %dma_start3A_132 = tpu.memref_slice %arg10[%add3A_53, %dma_start3A_131] : memref<10240x128xf32, #tpu.memory_space<vmem_shared>> -> memref<32x128xf32, #tpu.memory_space<vmem_shared>>
      tpu.enqueue_dma source(%arg9 : memref<32x128xf32, #tpu.memory_space<vmem>>) target(%dma_start3A_132 : memref<32x128xf32, #tpu.memory_space<vmem_shared>>) target_semaphore(%run_scoped3A_128 : memref<!tpu.dma_semaphore, #tpu.memory_space<semaphore_mem>>)
      %dma_wait3A_133 = arith.constant 0 : i32
      %dma_wait3A_134 = tpu.memref_slice %arg10[%add3A_53, %dma_wait3A_133] : memref<10240x128xf32, #tpu.memory_space<vmem_shared>> -> memref<32x128xf32, #tpu.memory_space<vmem_shared>>
      %dma_wait3A_135 = arith.constant 0 : i32
      %dma_wait3A_136 = tpu.memref_slice %arg10[%add3A_53, %dma_wait3A_135] : memref<10240x128xf32, #tpu.memory_space<vmem_shared>> -> memref<32x128xf32, #tpu.memory_space<vmem_shared>>
      tpu.wait_dma2 semaphore(%run_scoped3A_128 : memref<!tpu.dma_semaphore, #tpu.memory_space<semaphore_mem>>) src(%arg9 : memref<32x128xf32, #tpu.memory_space<vmem>>) dst(%dma_wait3A_136 : memref<32x128xf32, #tpu.memory_space<vmem_shared>>)
      tpu.yield
    }) : () -> ()
    %mul3A_54 = arith.constant 640 : i32
    %mul3A_55 = arith.muli %arg1, %mul3A_54 : i32
    %add3A_56 = arith.constant 352 : i32
    %add3A_57 = arith.addi %mul3A_55, %add3A_56 : i32
    "tpu.region"() ({
      %run_scoped3A_128 = tpu.sem_alloc : memref<!tpu.dma_semaphore, #tpu.memory_space<semaphore_mem>>
      %dma_start3A_129 = arith.constant 0 : i32
      %dma_start3A_130 = tpu.memref_slice %arg10[%add3A_57, %dma_start3A_129] : memref<10240x128xf32, #tpu.memory_space<vmem_shared>> -> memref<32x128xf32, #tpu.memory_space<vmem_shared>>
      %dma_start3A_131 = arith.constant 0 : i32
      %dma_start3A_132 = tpu.memref_slice %arg10[%add3A_57, %dma_start3A_131] : memref<10240x128xf32, #tpu.memory_space<vmem_shared>> -> memref<32x128xf32, #tpu.memory_space<vmem_shared>>
      tpu.enqueue_dma source(%arg9 : memref<32x128xf32, #tpu.memory_space<vmem>>) target(%dma_start3A_132 : memref<32x128xf32, #tpu.memory_space<vmem_shared>>) target_semaphore(%run_scoped3A_128 : memref<!tpu.dma_semaphore, #tpu.memory_space<semaphore_mem>>)
      %dma_wait3A_133 = arith.constant 0 : i32
      %dma_wait3A_134 = tpu.memref_slice %arg10[%add3A_57, %dma_wait3A_133] : memref<10240x128xf32, #tpu.memory_space<vmem_shared>> -> memref<32x128xf32, #tpu.memory_space<vmem_shared>>
      %dma_wait3A_135 = arith.constant 0 : i32
      %dma_wait3A_136 = tpu.memref_slice %arg10[%add3A_57, %dma_wait3A_135] : memref<10240x128xf32, #tpu.memory_space<vmem_shared>> -> memref<32x128xf32, #tpu.memory_space<vmem_shared>>
      tpu.wait_dma2 semaphore(%run_scoped3A_128 : memref<!tpu.dma_semaphore, #tpu.memory_space<semaphore_mem>>) src(%arg9 : memref<32x128xf32, #tpu.memory_space<vmem>>) dst(%dma_wait3A_136 : memref<32x128xf32, #tpu.memory_space<vmem_shared>>)
      tpu.yield
    }) : () -> ()
    %mul3A_58 = arith.constant 640 : i32
    %mul3A_59 = arith.muli %arg1, %mul3A_58 : i32
    %add3A_60 = arith.constant 384 : i32
    %add3A_61 = arith.addi %mul3A_59, %add3A_60 : i32
    "tpu.region"() ({
      %run_scoped3A_128 = tpu.sem_alloc : memref<!tpu.dma_semaphore, #tpu.memory_space<semaphore_mem>>
      %dma_start3A_129 = arith.constant 0 : i32
      %dma_start3A_130 = tpu.memref_slice %arg10[%add3A_61, %dma_start3A_129] : memref<10240x128xf32, #tpu.memory_space<vmem_shared>> -> memref<32x128xf32, #tpu.memory_space<vmem_shared>>
      %dma_start3A_131 = arith.constant 0 : i32
      %dma_start3A_132 = tpu.memref_slice %arg10[%add3A_61, %dma_start3A_131] : memref<10240x128xf32, #tpu.memory_space<vmem_shared>> -> memref<32x128xf32, #tpu.memory_space<vmem_shared>>
      tpu.enqueue_dma source(%arg9 : memref<32x128xf32, #tpu.memory_space<vmem>>) target(%dma_start3A_132 : memref<32x128xf32, #tpu.memory_space<vmem_shared>>) target_semaphore(%run_scoped3A_128 : memref<!tpu.dma_semaphore, #tpu.memory_space<semaphore_mem>>)
      %dma_wait3A_133 = arith.constant 0 : i32
      %dma_wait3A_134 = tpu.memref_slice %arg10[%add3A_61, %dma_wait3A_133] : memref<10240x128xf32, #tpu.memory_space<vmem_shared>> -> memref<32x128xf32, #tpu.memory_space<vmem_shared>>
      %dma_wait3A_135 = arith.constant 0 : i32
      %dma_wait3A_136 = tpu.memref_slice %arg10[%add3A_61, %dma_wait3A_135] : memref<10240x128xf32, #tpu.memory_space<vmem_shared>> -> memref<32x128xf32, #tpu.memory_space<vmem_shared>>
      tpu.wait_dma2 semaphore(%run_scoped3A_128 : memref<!tpu.dma_semaphore, #tpu.memory_space<semaphore_mem>>) src(%arg9 : memref<32x128xf32, #tpu.memory_space<vmem>>) dst(%dma_wait3A_136 : memref<32x128xf32, #tpu.memory_space<vmem_shared>>)
      tpu.yield
    }) : () -> ()
    %mul3A_62 = arith.constant 640 : i32
    %mul3A_63 = arith.muli %arg1, %mul3A_62 : i32
    %add3A_64 = arith.constant 416 : i32
    %add3A_65 = arith.addi %mul3A_63, %add3A_64 : i32
    "tpu.region"() ({
      %run_scoped3A_128 = tpu.sem_alloc : memref<!tpu.dma_semaphore, #tpu.memory_space<semaphore_mem>>
      %dma_start3A_129 = arith.constant 0 : i32
      %dma_start3A_130 = tpu.memref_slice %arg10[%add3A_65, %dma_start3A_129] : memref<10240x128xf32, #tpu.memory_space<vmem_shared>> -> memref<32x128xf32, #tpu.memory_space<vmem_shared>>
      %dma_start3A_131 = arith.constant 0 : i32
      %dma_start3A_132 = tpu.memref_slice %arg10[%add3A_65, %dma_start3A_131] : memref<10240x128xf32, #tpu.memory_space<vmem_shared>> -> memref<32x128xf32, #tpu.memory_space<vmem_shared>>
      tpu.enqueue_dma source(%arg9 : memref<32x128xf32, #tpu.memory_space<vmem>>) target(%dma_start3A_132 : memref<32x128xf32, #tpu.memory_space<vmem_shared>>) target_semaphore(%run_scoped3A_128 : memref<!tpu.dma_semaphore, #tpu.memory_space<semaphore_mem>>)
      %dma_wait3A_133 = arith.constant 0 : i32
      %dma_wait3A_134 = tpu.memref_slice %arg10[%add3A_65, %dma_wait3A_133] : memref<10240x128xf32, #tpu.memory_space<vmem_shared>> -> memref<32x128xf32, #tpu.memory_space<vmem_shared>>
      %dma_wait3A_135 = arith.constant 0 : i32
      %dma_wait3A_136 = tpu.memref_slice %arg10[%add3A_65, %dma_wait3A_135] : memref<10240x128xf32, #tpu.memory_space<vmem_shared>> -> memref<32x128xf32, #tpu.memory_space<vmem_shared>>
      tpu.wait_dma2 semaphore(%run_scoped3A_128 : memref<!tpu.dma_semaphore, #tpu.memory_space<semaphore_mem>>) src(%arg9 : memref<32x128xf32, #tpu.memory_space<vmem>>) dst(%dma_wait3A_136 : memref<32x128xf32, #tpu.memory_space<vmem_shared>>)
      tpu.yield
    }) : () -> ()
    %mul3A_66 = arith.constant 640 : i32
    %mul3A_67 = arith.muli %arg1, %mul3A_66 : i32
    %add3A_68 = arith.constant 448 : i32
    %add3A_69 = arith.addi %mul3A_67, %add3A_68 : i32
    "tpu.region"() ({
      %run_scoped3A_128 = tpu.sem_alloc : memref<!tpu.dma_semaphore, #tpu.memory_space<semaphore_mem>>
      %dma_start3A_129 = arith.constant 0 : i32
      %dma_start3A_130 = tpu.memref_slice %arg10[%add3A_69, %dma_start3A_129] : memref<10240x128xf32, #tpu.memory_space<vmem_shared>> -> memref<32x128xf32, #tpu.memory_space<vmem_shared>>
      %dma_start3A_131 = arith.constant 0 : i32
      %dma_start3A_132 = tpu.memref_slice %arg10[%add3A_69, %dma_start3A_131] : memref<10240x128xf32, #tpu.memory_space<vmem_shared>> -> memref<32x128xf32, #tpu.memory_space<vmem_shared>>
      tpu.enqueue_dma source(%arg9 : memref<32x128xf32, #tpu.memory_space<vmem>>) target(%dma_start3A_132 : memref<32x128xf32, #tpu.memory_space<vmem_shared>>) target_semaphore(%run_scoped3A_128 : memref<!tpu.dma_semaphore, #tpu.memory_space<semaphore_mem>>)
      %dma_wait3A_133 = arith.constant 0 : i32
      %dma_wait3A_134 = tpu.memref_slice %arg10[%add3A_69, %dma_wait3A_133] : memref<10240x128xf32, #tpu.memory_space<vmem_shared>> -> memref<32x128xf32, #tpu.memory_space<vmem_shared>>
      %dma_wait3A_135 = arith.constant 0 : i32
      %dma_wait3A_136 = tpu.memref_slice %arg10[%add3A_69, %dma_wait3A_135] : memref<10240x128xf32, #tpu.memory_space<vmem_shared>> -> memref<32x128xf32, #tpu.memory_space<vmem_shared>>
      tpu.wait_dma2 semaphore(%run_scoped3A_128 : memref<!tpu.dma_semaphore, #tpu.memory_space<semaphore_mem>>) src(%arg9 : memref<32x128xf32, #tpu.memory_space<vmem>>) dst(%dma_wait3A_136 : memref<32x128xf32, #tpu.memory_space<vmem_shared>>)
      tpu.yield
    }) : () -> ()
    %mul3A_70 = arith.constant 640 : i32
    %mul3A_71 = arith.muli %arg1, %mul3A_70 : i32
    %add3A_72 = arith.constant 480 : i32
    %add3A_73 = arith.addi %mul3A_71, %add3A_72 : i32
    "tpu.region"() ({
      %run_scoped3A_128 = tpu.sem_alloc : memref<!tpu.dma_semaphore, #tpu.memory_space<semaphore_mem>>
      %dma_start3A_129 = arith.constant 0 : i32
      %dma_start3A_130 = tpu.memref_slice %arg10[%add3A_73, %dma_start3A_129] : memref<10240x128xf32, #tpu.memory_space<vmem_shared>> -> memref<32x128xf32, #tpu.memory_space<vmem_shared>>
      %dma_start3A_131 = arith.constant 0 : i32
      %dma_start3A_132 = tpu.memref_slice %arg10[%add3A_73, %dma_start3A_131] : memref<10240x128xf32, #tpu.memory_space<vmem_shared>> -> memref<32x128xf32, #tpu.memory_space<vmem_shared>>
      tpu.enqueue_dma source(%arg9 : memref<32x128xf32, #tpu.memory_space<vmem>>) target(%dma_start3A_132 : memref<32x128xf32, #tpu.memory_space<vmem_shared>>) target_semaphore(%run_scoped3A_128 : memref<!tpu.dma_semaphore, #tpu.memory_space<semaphore_mem>>)
      %dma_wait3A_133 = arith.constant 0 : i32
      %dma_wait3A_134 = tpu.memref_slice %arg10[%add3A_73, %dma_wait3A_133] : memref<10240x128xf32, #tpu.memory_space<vmem_shared>> -> memref<32x128xf32, #tpu.memory_space<vmem_shared>>
      %dma_wait3A_135 = arith.constant 0 : i32
      %dma_wait3A_136 = tpu.memref_slice %arg10[%add3A_73, %dma_wait3A_135] : memref<10240x128xf32, #tpu.memory_space<vmem_shared>> -> memref<32x128xf32, #tpu.memory_space<vmem_shared>>
      tpu.wait_dma2 semaphore(%run_scoped3A_128 : memref<!tpu.dma_semaphore, #tpu.memory_space<semaphore_mem>>) src(%arg9 : memref<32x128xf32, #tpu.memory_space<vmem>>) dst(%dma_wait3A_136 : memref<32x128xf32, #tpu.memory_space<vmem_shared>>)
      tpu.yield
    }) : () -> ()
    %mul3A_74 = arith.constant 640 : i32
    %mul3A_75 = arith.muli %arg1, %mul3A_74 : i32
    %add3A_76 = arith.constant 512 : i32
    %add3A_77 = arith.addi %mul3A_75, %add3A_76 : i32
    "tpu.region"() ({
      %run_scoped3A_128 = tpu.sem_alloc : memref<!tpu.dma_semaphore, #tpu.memory_space<semaphore_mem>>
      %dma_start3A_129 = arith.constant 0 : i32
      %dma_start3A_130 = tpu.memref_slice %arg10[%add3A_77, %dma_start3A_129] : memref<10240x128xf32, #tpu.memory_space<vmem_shared>> -> memref<32x128xf32, #tpu.memory_space<vmem_shared>>
      %dma_start3A_131 = arith.constant 0 : i32
      %dma_start3A_132 = tpu.memref_slice %arg10[%add3A_77, %dma_start3A_131] : memref<10240x128xf32, #tpu.memory_space<vmem_shared>> -> memref<32x128xf32, #tpu.memory_space<vmem_shared>>
      tpu.enqueue_dma source(%arg9 : memref<32x128xf32, #tpu.memory_space<vmem>>) target(%dma_start3A_132 : memref<32x128xf32, #tpu.memory_space<vmem_shared>>) target_semaphore(%run_scoped3A_128 : memref<!tpu.dma_semaphore, #tpu.memory_space<semaphore_mem>>)
      %dma_wait3A_133 = arith.constant 0 : i32
      %dma_wait3A_134 = tpu.memref_slice %arg10[%add3A_77, %dma_wait3A_133] : memref<10240x128xf32, #tpu.memory_space<vmem_shared>> -> memref<32x128xf32, #tpu.memory_space<vmem_shared>>
      %dma_wait3A_135 = arith.constant 0 : i32
      %dma_wait3A_136 = tpu.memref_slice %arg10[%add3A_77, %dma_wait3A_135] : memref<10240x128xf32, #tpu.memory_space<vmem_shared>> -> memref<32x128xf32, #tpu.memory_space<vmem_shared>>
      tpu.wait_dma2 semaphore(%run_scoped3A_128 : memref<!tpu.dma_semaphore, #tpu.memory_space<semaphore_mem>>) src(%arg9 : memref<32x128xf32, #tpu.memory_space<vmem>>) dst(%dma_wait3A_136 : memref<32x128xf32, #tpu.memory_space<vmem_shared>>)
      tpu.yield
    }) : () -> ()
    %mul3A_78 = arith.constant 640 : i32
    %mul3A_79 = arith.muli %arg1, %mul3A_78 : i32
    %add3A_80 = arith.constant 544 : i32
    %add3A_81 = arith.addi %mul3A_79, %add3A_80 : i32
    "tpu.region"() ({
      %run_scoped3A_128 = tpu.sem_alloc : memref<!tpu.dma_semaphore, #tpu.memory_space<semaphore_mem>>
      %dma_start3A_129 = arith.constant 0 : i32
      %dma_start3A_130 = tpu.memref_slice %arg10[%add3A_81, %dma_start3A_129] : memref<10240x128xf32, #tpu.memory_space<vmem_shared>> -> memref<32x128xf32, #tpu.memory_space<vmem_shared>>
      %dma_start3A_131 = arith.constant 0 : i32
      %dma_start3A_132 = tpu.memref_slice %arg10[%add3A_81, %dma_start3A_131] : memref<10240x128xf32, #tpu.memory_space<vmem_shared>> -> memref<32x128xf32, #tpu.memory_space<vmem_shared>>
      tpu.enqueue_dma source(%arg9 : memref<32x128xf32, #tpu.memory_space<vmem>>) target(%dma_start3A_132 : memref<32x128xf32, #tpu.memory_space<vmem_shared>>) target_semaphore(%run_scoped3A_128 : memref<!tpu.dma_semaphore, #tpu.memory_space<semaphore_mem>>)
      %dma_wait3A_133 = arith.constant 0 : i32
      %dma_wait3A_134 = tpu.memref_slice %arg10[%add3A_81, %dma_wait3A_133] : memref<10240x128xf32, #tpu.memory_space<vmem_shared>> -> memref<32x128xf32, #tpu.memory_space<vmem_shared>>
      %dma_wait3A_135 = arith.constant 0 : i32
      %dma_wait3A_136 = tpu.memref_slice %arg10[%add3A_81, %dma_wait3A_135] : memref<10240x128xf32, #tpu.memory_space<vmem_shared>> -> memref<32x128xf32, #tpu.memory_space<vmem_shared>>
      tpu.wait_dma2 semaphore(%run_scoped3A_128 : memref<!tpu.dma_semaphore, #tpu.memory_space<semaphore_mem>>) src(%arg9 : memref<32x128xf32, #tpu.memory_space<vmem>>) dst(%dma_wait3A_136 : memref<32x128xf32, #tpu.memory_space<vmem_shared>>)
      tpu.yield
    }) : () -> ()
    %mul3A_82 = arith.constant 640 : i32
    %mul3A_83 = arith.muli %arg1, %mul3A_82 : i32
    %add3A_84 = arith.constant 576 : i32
    %add3A_85 = arith.addi %mul3A_83, %add3A_84 : i32
    "tpu.region"() ({
      %run_scoped3A_128 = tpu.sem_alloc : memref<!tpu.dma_semaphore, #tpu.memory_space<semaphore_mem>>
      %dma_start3A_129 = arith.constant 0 : i32
      %dma_start3A_130 = tpu.memref_slice %arg10[%add3A_85, %dma_start3A_129] : memref<10240x128xf32, #tpu.memory_space<vmem_shared>> -> memref<32x128xf32, #tpu.memory_space<vmem_shared>>
      %dma_start3A_131 = arith.constant 0 : i32
      %dma_start3A_132 = tpu.memref_slice %arg10[%add3A_85, %dma_start3A_131] : memref<10240x128xf32, #tpu.memory_space<vmem_shared>> -> memref<32x128xf32, #tpu.memory_space<vmem_shared>>
      tpu.enqueue_dma source(%arg9 : memref<32x128xf32, #tpu.memory_space<vmem>>) target(%dma_start3A_132 : memref<32x128xf32, #tpu.memory_space<vmem_shared>>) target_semaphore(%run_scoped3A_128 : memref<!tpu.dma_semaphore, #tpu.memory_space<semaphore_mem>>)
      %dma_wait3A_133 = arith.constant 0 : i32
      %dma_wait3A_134 = tpu.memref_slice %arg10[%add3A_85, %dma_wait3A_133] : memref<10240x128xf32, #tpu.memory_space<vmem_shared>> -> memref<32x128xf32, #tpu.memory_space<vmem_shared>>
      %dma_wait3A_135 = arith.constant 0 : i32
      %dma_wait3A_136 = tpu.memref_slice %arg10[%add3A_85, %dma_wait3A_135] : memref<10240x128xf32, #tpu.memory_space<vmem_shared>> -> memref<32x128xf32, #tpu.memory_space<vmem_shared>>
      tpu.wait_dma2 semaphore(%run_scoped3A_128 : memref<!tpu.dma_semaphore, #tpu.memory_space<semaphore_mem>>) src(%arg9 : memref<32x128xf32, #tpu.memory_space<vmem>>) dst(%dma_wait3A_136 : memref<32x128xf32, #tpu.memory_space<vmem_shared>>)
      tpu.yield
    }) : () -> ()
    %mul3A_86 = arith.constant 640 : i32
    %mul3A_87 = arith.muli %arg1, %mul3A_86 : i32
    %add3A_88 = arith.constant 608 : i32
    %add3A_89 = arith.addi %mul3A_87, %add3A_88 : i32
    "tpu.region"() ({
      %run_scoped3A_128 = tpu.sem_alloc : memref<!tpu.dma_semaphore, #tpu.memory_space<semaphore_mem>>
      %dma_start3A_129 = arith.constant 0 : i32
      %dma_start3A_130 = tpu.memref_slice %arg10[%add3A_89, %dma_start3A_129] : memref<10240x128xf32, #tpu.memory_space<vmem_shared>> -> memref<32x128xf32, #tpu.memory_space<vmem_shared>>
      %dma_start3A_131 = arith.constant 0 : i32
      %dma_start3A_132 = tpu.memref_slice %arg10[%add3A_89, %dma_start3A_131] : memref<10240x128xf32, #tpu.memory_space<vmem_shared>> -> memref<32x128xf32, #tpu.memory_space<vmem_shared>>
      tpu.enqueue_dma source(%arg9 : memref<32x128xf32, #tpu.memory_space<vmem>>) target(%dma_start3A_132 : memref<32x128xf32, #tpu.memory_space<vmem_shared>>) target_semaphore(%run_scoped3A_128 : memref<!tpu.dma_semaphore, #tpu.memory_space<semaphore_mem>>)
      %dma_wait3A_133 = arith.constant 0 : i32
      %dma_wait3A_134 = tpu.memref_slice %arg10[%add3A_89, %dma_wait3A_133] : memref<10240x128xf32, #tpu.memory_space<vmem_shared>> -> memref<32x128xf32, #tpu.memory_space<vmem_shared>>
      %dma_wait3A_135 = arith.constant 0 : i32
      %dma_wait3A_136 = tpu.memref_slice %arg10[%add3A_89, %dma_wait3A_135] : memref<10240x128xf32, #tpu.memory_space<vmem_shared>> -> memref<32x128xf32, #tpu.memory_space<vmem_shared>>
      tpu.wait_dma2 semaphore(%run_scoped3A_128 : memref<!tpu.dma_semaphore, #tpu.memory_space<semaphore_mem>>) src(%arg9 : memref<32x128xf32, #tpu.memory_space<vmem>>) dst(%dma_wait3A_136 : memref<32x128xf32, #tpu.memory_space<vmem_shared>>)
      tpu.yield
    }) : () -> ()
    %barrier3A = arith.constant 0 : index
    tpu.barrier barrier_id(%barrier3A)
    %dma_start3A = arith.constant 0 : i32
    %dma_start3A_90 = arith.constant 0 : i32
    %dma_start3A_91 = arith.constant 0 : i32
    %dma_start3A_92 = arith.constant 0 : i32
    %dma_start3A_93 = tpu.memref_slice %arg8[%dma_start3A_90, %dma_start3A_91, %dma_start3A_92] : memref<1x128x128xf32, #tpu.memory_space<vmem>> -> memref<1x128x128xf32, #tpu.memory_space<vmem>>
    %dma_start3A_94 = tpu.memref_squeeze %dma_start3A_93 : memref<1x128x128xf32, #tpu.memory_space<vmem>> -> memref<128x128xf32, #tpu.memory_space<vmem>>
    %dma_start3A_95 = arith.constant 0 : i32
    %dma_start3A_96 = tpu.memref_slice %arg6[%dma_start3A, %dma_start3A_95] : memref<84x128xi32, #tpu.memory_space<vmem>> -> memref<1x128xi32, #tpu.memory_space<vmem>>
    %dma_start3A_97 = tpu.memref_squeeze %dma_start3A_96 : memref<1x128xi32, #tpu.memory_space<vmem>> -> memref<128xi32, #tpu.memory_space<vmem>>
    %dma_start3A_98 = arith.constant 0 : i32
    %dma_start3A_99 = arith.constant 0 : i32
    %dma_start3A_100 = tpu.memref_slice %arg2[%dma_start3A_98, %dma_start3A_99] : memref<20480x128xf32, #tpu.memory_space<hbm>> -> memref<20480x128xf32, #tpu.memory_space<hbm>>
    tpu.enqueue_indirect_dma source(%dma_start3A_100 : memref<20480x128xf32, #tpu.memory_space<hbm>>) target(%dma_start3A_94 : memref<128x128xf32, #tpu.memory_space<vmem>>) offsets(%dma_start3A_97 : memref<128xi32, #tpu.memory_space<vmem>>) semaphore(%arg11 : memref<!tpu.dma_semaphore, #tpu.memory_space<semaphore_mem>>)
    %scan3A_101 = arith.constant 0 : i32
    %scan3A_102 = arith.constant 83 : i32
    %scan3A_103 = arith.addi %scan3A_101, %scan3A_102 : i32
    %scan3A_104 = arith.constant 1 : i32
    scf.for %scan3A_128 = %scan3A_101 to %scan3A_103 step %scan3A_104  : i32 {
      %mul3A_129 = arith.constant 1 : i32
      %mul3A_130 = arith.muli %scan3A_128, %mul3A_129 : i32
      %add3A_131 = arith.constant 0 : i32
      %add3A_132 = arith.addi %add3A_131, %mul3A_130 : i32
      %mul3A_133 = arith.constant 1 : i32
      %mul3A_134 = arith.muli %add3A_132, %mul3A_133 : i32
      %add3A_135 = arith.constant 0 : i32
      %add3A_136 = arith.addi %mul3A_134, %add3A_135 : i32
      %dma_wait3A_137 = arith.constant 0 : i32
      %dma_wait3A_138 = arith.constant 0 : i32
      %dma_wait3A_139 = arith.constant 0 : i32
      %dma_wait3A_140 = tpu.memref_slice %arg8[%dma_wait3A_137, %dma_wait3A_138, %dma_wait3A_139] : memref<1x128x128xf32, #tpu.memory_space<vmem>> -> memref<1x128x128xf32, #tpu.memory_space<vmem>>
      %dma_wait3A_141 = tpu.memref_squeeze %dma_wait3A_140 : memref<1x128x128xf32, #tpu.memory_space<vmem>> -> memref<128x128xf32, #tpu.memory_space<vmem>>
      %dma_wait3A_142 = arith.constant 0 : i32
      %dma_wait3A_143 = tpu.memref_slice %arg6[%add3A_136, %dma_wait3A_142] : memref<84x128xi32, #tpu.memory_space<vmem>> -> memref<1x128xi32, #tpu.memory_space<vmem>>
      %dma_wait3A_144 = tpu.memref_squeeze %dma_wait3A_143 : memref<1x128xi32, #tpu.memory_space<vmem>> -> memref<128xi32, #tpu.memory_space<vmem>>
      %dma_wait3A_145 = arith.constant 0 : i32
      %dma_wait3A_146 = arith.constant 0 : i32
      %dma_wait3A_147 = tpu.memref_slice %arg2[%dma_wait3A_145, %dma_wait3A_146] : memref<20480x128xf32, #tpu.memory_space<hbm>> -> memref<20480x128xf32, #tpu.memory_space<hbm>>
      tpu.wait_indirect_dma semaphore(%arg11 : memref<!tpu.dma_semaphore, #tpu.memory_space<semaphore_mem>>) src(%dma_wait3A_147 : memref<20480x128xf32, #tpu.memory_space<hbm>>) dst(%dma_wait3A_141 : memref<128x128xf32, #tpu.memory_space<vmem>>)
      %run_scoped3A_148 = arith.constant 0 : i32
      "tpu.region"() ({
        %run_scoped3A_162 = tpu.sem_alloc : memref<!tpu.dma_semaphore, #tpu.memory_space<semaphore_mem>>
        %dma_start3A_163 = arith.constant 0 : i32
        %dma_start3A_164 = arith.constant 0 : i32
        %dma_start3A_165 = tpu.memref_slice %arg8[%run_scoped3A_148, %dma_start3A_163, %dma_start3A_164] : memref<1x128x128xf32, #tpu.memory_space<vmem>> -> memref<1x128x128xf32, #tpu.memory_space<vmem>>
        %dma_start3A_166 = tpu.memref_squeeze %dma_start3A_165 : memref<1x128x128xf32, #tpu.memory_space<vmem>> -> memref<128x128xf32, #tpu.memory_space<vmem>>
        %dma_start3A_167 = arith.constant 0 : i32
        %dma_start3A_168 = tpu.memref_slice %arg7[%add3A_136, %dma_start3A_167] : memref<84x128xi32, #tpu.memory_space<vmem>> -> memref<1x128xi32, #tpu.memory_space<vmem>>
        %dma_start3A_169 = tpu.memref_squeeze %dma_start3A_168 : memref<1x128xi32, #tpu.memory_space<vmem>> -> memref<128xi32, #tpu.memory_space<vmem>>
        %dma_start3A_170 = arith.constant 0 : i32
        %dma_start3A_171 = arith.constant 0 : i32
        %dma_start3A_172 = tpu.memref_slice %arg10[%dma_start3A_170, %dma_start3A_171] : memref<10240x128xf32, #tpu.memory_space<vmem_shared>> -> memref<10240x128xf32, #tpu.memory_space<vmem_shared>>
        tpu.enqueue_indirect_dma source(%dma_start3A_166 : memref<128x128xf32, #tpu.memory_space<vmem>>) target(%dma_start3A_172 : memref<10240x128xf32, #tpu.memory_space<vmem_shared>>) offsets(%dma_start3A_169 : memref<128xi32, #tpu.memory_space<vmem>>) semaphore(%run_scoped3A_162 : memref<!tpu.dma_semaphore, #tpu.memory_space<semaphore_mem>>) {add = true}
        %dma_wait3A_173 = arith.constant 0 : i32
        %dma_wait3A_174 = arith.constant 0 : i32
        %dma_wait3A_175 = tpu.memref_slice %arg8[%run_scoped3A_148, %dma_wait3A_173, %dma_wait3A_174] : memref<1x128x128xf32, #tpu.memory_space<vmem>> -> memref<1x128x128xf32, #tpu.memory_space<vmem>>
        %dma_wait3A_176 = tpu.memref_squeeze %dma_wait3A_175 : memref<1x128x128xf32, #tpu.memory_space<vmem>> -> memref<128x128xf32, #tpu.memory_space<vmem>>
        %dma_wait3A_177 = arith.constant 0 : i32
        %dma_wait3A_178 = tpu.memref_slice %arg7[%add3A_136, %dma_wait3A_177] : memref<84x128xi32, #tpu.memory_space<vmem>> -> memref<1x128xi32, #tpu.memory_space<vmem>>
        %dma_wait3A_179 = tpu.memref_squeeze %dma_wait3A_178 : memref<1x128xi32, #tpu.memory_space<vmem>> -> memref<128xi32, #tpu.memory_space<vmem>>
        %dma_wait3A_180 = arith.constant 0 : i32
        %dma_wait3A_181 = arith.constant 0 : i32
        %dma_wait3A_182 = tpu.memref_slice %arg10[%dma_wait3A_180, %dma_wait3A_181] : memref<10240x128xf32, #tpu.memory_space<vmem_shared>> -> memref<10240x128xf32, #tpu.memory_space<vmem_shared>>
        tpu.wait_indirect_dma semaphore(%run_scoped3A_162 : memref<!tpu.dma_semaphore, #tpu.memory_space<semaphore_mem>>) src(%dma_wait3A_176 : memref<128x128xf32, #tpu.memory_space<vmem>>) dst(%dma_wait3A_182 : memref<10240x128xf32, #tpu.memory_space<vmem_shared>>)
        tpu.yield
      }) : () -> ()
      %add3A_149 = arith.constant 1 : i32
      %add3A_150 = arith.addi %add3A_136, %add3A_149 : i32
      %dma_start3A_151 = arith.constant 0 : i32
      %dma_start3A_152 = arith.constant 0 : i32
      %dma_start3A_153 = arith.constant 0 : i32
      %dma_start3A_154 = tpu.memref_slice %arg8[%dma_start3A_151, %dma_start3A_152, %dma_start3A_153] : memref<1x128x128xf32, #tpu.memory_space<vmem>> -> memref<1x128x128xf32, #tpu.memory_space<vmem>>
      %dma_start3A_155 = tpu.memref_squeeze %dma_start3A_154 : memref<1x128x128xf32, #tpu.memory_space<vmem>> -> memref<128x128xf32, #tpu.memory_space<vmem>>
      %dma_start3A_156 = arith.constant 0 : i32
      %dma_start3A_157 = tpu.memref_slice %arg6[%add3A_150, %dma_start3A_156] : memref<84x128xi32, #tpu.memory_space<vmem>> -> memref<1x128xi32, #tpu.memory_space<vmem>>
      %dma_start3A_158 = tpu.memref_squeeze %dma_start3A_157 : memref<1x128xi32, #tpu.memory_space<vmem>> -> memref<128xi32, #tpu.memory_space<vmem>>
      %dma_start3A_159 = arith.constant 0 : i32
      %dma_start3A_160 = arith.constant 0 : i32
      %dma_start3A_161 = tpu.memref_slice %arg2[%dma_start3A_159, %dma_start3A_160] : memref<20480x128xf32, #tpu.memory_space<hbm>> -> memref<20480x128xf32, #tpu.memory_space<hbm>>
      tpu.enqueue_indirect_dma source(%dma_start3A_161 : memref<20480x128xf32, #tpu.memory_space<hbm>>) target(%dma_start3A_155 : memref<128x128xf32, #tpu.memory_space<vmem>>) offsets(%dma_start3A_158 : memref<128xi32, #tpu.memory_space<vmem>>) semaphore(%arg11 : memref<!tpu.dma_semaphore, #tpu.memory_space<semaphore_mem>>)
    }
    %scan3A_105 = arith.constant 83 : i32
    %dma_wait3A = arith.constant 83 : i32
    %dma_wait3A_106 = arith.constant 0 : i32
    %dma_wait3A_107 = arith.constant 0 : i32
    %dma_wait3A_108 = arith.constant 0 : i32
    %dma_wait3A_109 = tpu.memref_slice %arg8[%dma_wait3A_106, %dma_wait3A_107, %dma_wait3A_108] : memref<1x128x128xf32, #tpu.memory_space<vmem>> -> memref<1x128x128xf32, #tpu.memory_space<vmem>>
    %dma_wait3A_110 = tpu.memref_squeeze %dma_wait3A_109 : memref<1x128x128xf32, #tpu.memory_space<vmem>> -> memref<128x128xf32, #tpu.memory_space<vmem>>
    %dma_wait3A_111 = arith.constant 0 : i32
    %dma_wait3A_112 = tpu.memref_slice %arg6[%dma_wait3A, %dma_wait3A_111] : memref<84x128xi32, #tpu.memory_space<vmem>> -> memref<1x128xi32, #tpu.memory_space<vmem>>
    %dma_wait3A_113 = tpu.memref_squeeze %dma_wait3A_112 : memref<1x128xi32, #tpu.memory_space<vmem>> -> memref<128xi32, #tpu.memory_space<vmem>>
    %dma_wait3A_114 = arith.constant 0 : i32
    %dma_wait3A_115 = arith.constant 0 : i32
    %dma_wait3A_116 = tpu.memref_slice %arg2[%dma_wait3A_114, %dma_wait3A_115] : memref<20480x128xf32, #tpu.memory_space<hbm>> -> memref<20480x128xf32, #tpu.memory_space<hbm>>
    tpu.wait_indirect_dma semaphore(%arg11 : memref<!tpu.dma_semaphore, #tpu.memory_space<semaphore_mem>>) src(%dma_wait3A_116 : memref<20480x128xf32, #tpu.memory_space<hbm>>) dst(%dma_wait3A_110 : memref<128x128xf32, #tpu.memory_space<vmem>>)
    %run_scoped3A = arith.constant 0 : i32
    %run_scoped3A_117 = arith.constant 83 : i32
    "tpu.region"() ({
      %run_scoped3A_128 = tpu.sem_alloc : memref<!tpu.dma_semaphore, #tpu.memory_space<semaphore_mem>>
      %dma_start3A_129 = arith.constant 0 : i32
      %dma_start3A_130 = arith.constant 0 : i32
      %dma_start3A_131 = tpu.memref_slice %arg8[%run_scoped3A, %dma_start3A_129, %dma_start3A_130] : memref<1x128x128xf32, #tpu.memory_space<vmem>> -> memref<1x128x128xf32, #tpu.memory_space<vmem>>
      %dma_start3A_132 = tpu.memref_squeeze %dma_start3A_131 : memref<1x128x128xf32, #tpu.memory_space<vmem>> -> memref<128x128xf32, #tpu.memory_space<vmem>>
      %dma_start3A_133 = arith.constant 0 : i32
      %dma_start3A_134 = tpu.memref_slice %arg7[%run_scoped3A_117, %dma_start3A_133] : memref<84x128xi32, #tpu.memory_space<vmem>> -> memref<1x128xi32, #tpu.memory_space<vmem>>
      %dma_start3A_135 = tpu.memref_squeeze %dma_start3A_134 : memref<1x128xi32, #tpu.memory_space<vmem>> -> memref<128xi32, #tpu.memory_space<vmem>>
      %dma_start3A_136 = arith.constant 0 : i32
      %dma_start3A_137 = arith.constant 0 : i32
      %dma_start3A_138 = tpu.memref_slice %arg10[%dma_start3A_136, %dma_start3A_137] : memref<10240x128xf32, #tpu.memory_space<vmem_shared>> -> memref<10240x128xf32, #tpu.memory_space<vmem_shared>>
      tpu.enqueue_indirect_dma source(%dma_start3A_132 : memref<128x128xf32, #tpu.memory_space<vmem>>) target(%dma_start3A_138 : memref<10240x128xf32, #tpu.memory_space<vmem_shared>>) offsets(%dma_start3A_135 : memref<128xi32, #tpu.memory_space<vmem>>) semaphore(%run_scoped3A_128 : memref<!tpu.dma_semaphore, #tpu.memory_space<semaphore_mem>>) {add = true}
      %dma_wait3A_139 = arith.constant 0 : i32
      %dma_wait3A_140 = arith.constant 0 : i32
      %dma_wait3A_141 = tpu.memref_slice %arg8[%run_scoped3A, %dma_wait3A_139, %dma_wait3A_140] : memref<1x128x128xf32, #tpu.memory_space<vmem>> -> memref<1x128x128xf32, #tpu.memory_space<vmem>>
      %dma_wait3A_142 = tpu.memref_squeeze %dma_wait3A_141 : memref<1x128x128xf32, #tpu.memory_space<vmem>> -> memref<128x128xf32, #tpu.memory_space<vmem>>
      %dma_wait3A_143 = arith.constant 0 : i32
      %dma_wait3A_144 = tpu.memref_slice %arg7[%run_scoped3A_117, %dma_wait3A_143] : memref<84x128xi32, #tpu.memory_space<vmem>> -> memref<1x128xi32, #tpu.memory_space<vmem>>
      %dma_wait3A_145 = tpu.memref_squeeze %dma_wait3A_144 : memref<1x128xi32, #tpu.memory_space<vmem>> -> memref<128xi32, #tpu.memory_space<vmem>>
      %dma_wait3A_146 = arith.constant 0 : i32
      %dma_wait3A_147 = arith.constant 0 : i32
      %dma_wait3A_148 = tpu.memref_slice %arg10[%dma_wait3A_146, %dma_wait3A_147] : memref<10240x128xf32, #tpu.memory_space<vmem_shared>> -> memref<10240x128xf32, #tpu.memory_space<vmem_shared>>
      tpu.wait_indirect_dma semaphore(%run_scoped3A_128 : memref<!tpu.dma_semaphore, #tpu.memory_space<semaphore_mem>>) src(%dma_wait3A_142 : memref<128x128xf32, #tpu.memory_space<vmem>>) dst(%dma_wait3A_148 : memref<10240x128xf32, #tpu.memory_space<vmem_shared>>)
      tpu.yield
    }) : () -> ()
    %barrier3A_118 = arith.constant 0 : index
    tpu.barrier barrier_id(%barrier3A_118)
    %mul3A_119 = arith.constant 640 : i32
    %mul3A_120 = arith.muli %arg1, %mul3A_119 : i32
    %add3A_121 = arith.constant 0 : i32
    %add3A_122 = arith.addi %add3A_121, %arg0 : i32
    %mul3A_123 = arith.constant 10240 : i32
    %mul3A_124 = arith.muli %add3A_122, %mul3A_123 : i32
    %mul3A_125 = arith.constant 640 : i32
    %mul3A_126 = arith.muli %arg1, %mul3A_125 : i32
    %add3A_127 = arith.addi %mul3A_124, %mul3A_126 : i32
    "tpu.region"() ({
      %run_scoped3A_128 = tpu.sem_alloc : memref<!tpu.dma_semaphore, #tpu.memory_space<semaphore_mem>>
      %dma_start3A_129 = arith.constant 0 : i32
      %dma_start3A_130 = tpu.memref_slice %arg5[%add3A_127, %dma_start3A_129] : memref<20480x128xf32, #tpu.memory_space<hbm>> -> memref<640x128xf32, #tpu.memory_space<hbm>>
      %dma_start3A_131 = arith.constant 0 : i32
      %dma_start3A_132 = tpu.memref_slice %arg10[%mul3A_120, %dma_start3A_131] : memref<10240x128xf32, #tpu.memory_space<vmem_shared>> -> memref<640x128xf32, #tpu.memory_space<vmem_shared>>
      tpu.enqueue_dma source(%dma_start3A_132 : memref<640x128xf32, #tpu.memory_space<vmem_shared>>) target(%dma_start3A_130 : memref<640x128xf32, #tpu.memory_space<hbm>>) target_semaphore(%run_scoped3A_128 : memref<!tpu.dma_semaphore, #tpu.memory_space<semaphore_mem>>)
      %dma_wait3A_133 = arith.constant 0 : i32
      %dma_wait3A_134 = tpu.memref_slice %arg5[%add3A_127, %dma_wait3A_133] : memref<20480x128xf32, #tpu.memory_space<hbm>> -> memref<640x128xf32, #tpu.memory_space<hbm>>
      %dma_wait3A_135 = arith.constant 0 : i32
      %dma_wait3A_136 = tpu.memref_slice %arg10[%mul3A_120, %dma_wait3A_135] : memref<10240x128xf32, #tpu.memory_space<vmem_shared>> -> memref<640x128xf32, #tpu.memory_space<vmem_shared>>
      tpu.wait_dma2 semaphore(%run_scoped3A_128 : memref<!tpu.dma_semaphore, #tpu.memory_space<semaphore_mem>>) src(%dma_wait3A_136 : memref<640x128xf32, #tpu.memory_space<vmem_shared>>) dst(%dma_wait3A_134 : memref<640x128xf32, #tpu.memory_space<hbm>>)
      tpu.yield
    }) : () -> ()
    return
  }
}

#map = affine_map<(d0, d1) -> (0, 0)>
#map1 = affine_map<(d0, d1) -> (0, 0, 0)>
module attributes {stable_mosaic.version = 14 : i64} {
  func.func @agg(%arg0: i32, %arg1: i32, %arg2: memref<40960x128xf32, #tpu.memory_space<hbm>>, %arg3: memref<16x84x128xi32, #tpu.memory_space<hbm>>, %arg4: memref<16x84x128xi32, #tpu.memory_space<hbm>>, %arg5: memref<40960x128xf32, #tpu.memory_space<hbm>>, %arg6: memref<84x128xi32, #tpu.memory_space<vmem>>, %arg7: memref<84x128xi32, #tpu.memory_space<vmem>>, %arg8: memref<1x128x128xf32, #tpu.memory_space<vmem>>, %arg9: memref<32x128xf32, #tpu.memory_space<vmem>>, %arg10: memref<10240x128xf32, #tpu.memory_space<vmem_shared>>, %arg11: memref<!tpu.dma_semaphore, #tpu.memory_space<semaphore_mem>>) attributes {dimension_semantics = [#tpu.dimension_semantics<core_parallel>, #tpu.dimension_semantics<subcore_parallel>], iteration_bounds = array<i64: 2, 16>, scalar_prefetch = 0 : i64, scratch_operands = 6 : i64, tpu.core_type = #tpu.core_type<sc_vector_subcore>, window_params = [{transform_indices = #map}, {transform_indices = #map1}, {transform_indices = #map1}, {transform_indices = #map}]} {
    "tpu.region"() ({
      %run_scoped3A_256 = tpu.sem_alloc : memref<!tpu.dma_semaphore, #tpu.memory_space<semaphore_mem>>
      %dma_start3A_257 = arith.constant 0 : i32
      %dma_start3A_258 = arith.constant 0 : i32
      %dma_start3A_259 = tpu.memref_slice %arg3[%arg1, %dma_start3A_257, %dma_start3A_258] : memref<16x84x128xi32, #tpu.memory_space<hbm>> -> memref<1x84x128xi32, #tpu.memory_space<hbm>>
      %dma_start3A_260 = tpu.memref_squeeze %dma_start3A_259 : memref<1x84x128xi32, #tpu.memory_space<hbm>> -> memref<84x128xi32, #tpu.memory_space<hbm>>
      %dma_start3A_261 = arith.constant 0 : i32
      %dma_start3A_262 = arith.constant 0 : i32
      %dma_start3A_263 = tpu.memref_slice %arg3[%arg1, %dma_start3A_261, %dma_start3A_262] : memref<16x84x128xi32, #tpu.memory_space<hbm>> -> memref<1x84x128xi32, #tpu.memory_space<hbm>>
      %dma_start3A_264 = tpu.memref_squeeze %dma_start3A_263 : memref<1x84x128xi32, #tpu.memory_space<hbm>> -> memref<84x128xi32, #tpu.memory_space<hbm>>
      tpu.enqueue_dma source(%dma_start3A_264 : memref<84x128xi32, #tpu.memory_space<hbm>>) target(%arg6 : memref<84x128xi32, #tpu.memory_space<vmem>>) target_semaphore(%run_scoped3A_256 : memref<!tpu.dma_semaphore, #tpu.memory_space<semaphore_mem>>)
      %dma_wait3A_265 = arith.constant 0 : i32
      %dma_wait3A_266 = arith.constant 0 : i32
      %dma_wait3A_267 = tpu.memref_slice %arg3[%arg1, %dma_wait3A_265, %dma_wait3A_266] : memref<16x84x128xi32, #tpu.memory_space<hbm>> -> memref<1x84x128xi32, #tpu.memory_space<hbm>>
      %dma_wait3A_268 = tpu.memref_squeeze %dma_wait3A_267 : memref<1x84x128xi32, #tpu.memory_space<hbm>> -> memref<84x128xi32, #tpu.memory_space<hbm>>
      %dma_wait3A_269 = arith.constant 0 : i32
      %dma_wait3A_270 = arith.constant 0 : i32
      %dma_wait3A_271 = tpu.memref_slice %arg3[%arg1, %dma_wait3A_269, %dma_wait3A_270] : memref<16x84x128xi32, #tpu.memory_space<hbm>> -> memref<1x84x128xi32, #tpu.memory_space<hbm>>
      %dma_wait3A_272 = tpu.memref_squeeze %dma_wait3A_271 : memref<1x84x128xi32, #tpu.memory_space<hbm>> -> memref<84x128xi32, #tpu.memory_space<hbm>>
      tpu.wait_dma2 semaphore(%run_scoped3A_256 : memref<!tpu.dma_semaphore, #tpu.memory_space<semaphore_mem>>) src(%dma_wait3A_272 : memref<84x128xi32, #tpu.memory_space<hbm>>) dst(%arg6 : memref<84x128xi32, #tpu.memory_space<vmem>>)
      tpu.yield
    }) : () -> ()
    "tpu.region"() ({
      %run_scoped3A_256 = tpu.sem_alloc : memref<!tpu.dma_semaphore, #tpu.memory_space<semaphore_mem>>
      %dma_start3A_257 = arith.constant 0 : i32
      %dma_start3A_258 = arith.constant 0 : i32
      %dma_start3A_259 = tpu.memref_slice %arg4[%arg1, %dma_start3A_257, %dma_start3A_258] : memref<16x84x128xi32, #tpu.memory_space<hbm>> -> memref<1x84x128xi32, #tpu.memory_space<hbm>>
      %dma_start3A_260 = tpu.memref_squeeze %dma_start3A_259 : memref<1x84x128xi32, #tpu.memory_space<hbm>> -> memref<84x128xi32, #tpu.memory_space<hbm>>
      %dma_start3A_261 = arith.constant 0 : i32
      %dma_start3A_262 = arith.constant 0 : i32
      %dma_start3A_263 = tpu.memref_slice %arg4[%arg1, %dma_start3A_261, %dma_start3A_262] : memref<16x84x128xi32, #tpu.memory_space<hbm>> -> memref<1x84x128xi32, #tpu.memory_space<hbm>>
      %dma_start3A_264 = tpu.memref_squeeze %dma_start3A_263 : memref<1x84x128xi32, #tpu.memory_space<hbm>> -> memref<84x128xi32, #tpu.memory_space<hbm>>
      tpu.enqueue_dma source(%dma_start3A_264 : memref<84x128xi32, #tpu.memory_space<hbm>>) target(%arg7 : memref<84x128xi32, #tpu.memory_space<vmem>>) target_semaphore(%run_scoped3A_256 : memref<!tpu.dma_semaphore, #tpu.memory_space<semaphore_mem>>)
      %dma_wait3A_265 = arith.constant 0 : i32
      %dma_wait3A_266 = arith.constant 0 : i32
      %dma_wait3A_267 = tpu.memref_slice %arg4[%arg1, %dma_wait3A_265, %dma_wait3A_266] : memref<16x84x128xi32, #tpu.memory_space<hbm>> -> memref<1x84x128xi32, #tpu.memory_space<hbm>>
      %dma_wait3A_268 = tpu.memref_squeeze %dma_wait3A_267 : memref<1x84x128xi32, #tpu.memory_space<hbm>> -> memref<84x128xi32, #tpu.memory_space<hbm>>
      %dma_wait3A_269 = arith.constant 0 : i32
      %dma_wait3A_270 = arith.constant 0 : i32
      %dma_wait3A_271 = tpu.memref_slice %arg4[%arg1, %dma_wait3A_269, %dma_wait3A_270] : memref<16x84x128xi32, #tpu.memory_space<hbm>> -> memref<1x84x128xi32, #tpu.memory_space<hbm>>
      %dma_wait3A_272 = tpu.memref_squeeze %dma_wait3A_271 : memref<1x84x128xi32, #tpu.memory_space<hbm>> -> memref<84x128xi32, #tpu.memory_space<hbm>>
      tpu.wait_dma2 semaphore(%run_scoped3A_256 : memref<!tpu.dma_semaphore, #tpu.memory_space<semaphore_mem>>) src(%dma_wait3A_272 : memref<84x128xi32, #tpu.memory_space<hbm>>) dst(%arg7 : memref<84x128xi32, #tpu.memory_space<vmem>>)
      tpu.yield
    }) : () -> ()
    %broadcast_in_dim3A = arith.constant 0.000000e+00 : f32
    %broadcast_in_dim3A_0 = vector.broadcast %broadcast_in_dim3A : f32 to vector<16xf32>
    %scan3A = arith.constant 0 : i32
    %scan3A_1 = arith.constant 256 : i32
    %scan3A_2 = arith.addi %scan3A, %scan3A_1 : i32
    %scan3A_3 = arith.constant 1 : i32
    scf.for %scan3A_256 = %scan3A to %scan3A_2 step %scan3A_3  : i32 {
      %mul3A_257 = arith.constant 1 : i32
      %mul3A_258 = arith.muli %scan3A_256, %mul3A_257 : i32
      %add3A_259 = arith.constant 0 : i32
      %add3A_260 = arith.addi %add3A_259, %mul3A_258 : i32
      %jit3A = arith.constant 8 : i32
      %div3A = arith.divsi %add3A_260, %jit3A : i32
      %sign3A = arith.constant 0 : i32
      %sign3A_261 = arith.cmpi sgt, %add3A_260, %sign3A : i32
      %sign3A_262 = arith.extui %sign3A_261 : i1 to i32
      %sign3A_263 = arith.constant 0 : i32
      %sign3A_264 = arith.cmpi slt, %add3A_260, %sign3A_263 : i32
      %sign3A_265 = arith.extui %sign3A_264 : i1 to i32
      %sign3A_266 = arith.subi %sign3A_262, %sign3A_265 : i32
      %sign3A_267 = arith.constant 0 : i32
      %sign3A_268 = arith.cmpi sgt, %jit3A, %sign3A_267 : i32
      %sign3A_269 = arith.extui %sign3A_268 : i1 to i32
      %sign3A_270 = arith.constant 0 : i32
      %sign3A_271 = arith.cmpi slt, %jit3A, %sign3A_270 : i32
      %sign3A_272 = arith.extui %sign3A_271 : i1 to i32
      %sign3A_273 = arith.subi %sign3A_269, %sign3A_272 : i32
      %ne3A = arith.cmpi ne, %sign3A_266, %sign3A_273 : i32
      %rem3A = arith.remsi %add3A_260, %jit3A : i32
      %ne3A_274 = arith.constant 0 : i32
      %ne3A_275 = arith.cmpi ne, %rem3A, %ne3A_274 : i32
      %and3A = arith.andi %ne3A, %ne3A_275 : i1
      %sub3A = arith.constant 1 : i32
      %sub3A_276 = arith.subi %div3A, %sub3A : i32
      %select_n3A = arith.select %and3A, %sub3A_276, %div3A : i32
      %jit3A_277 = arith.constant 8 : i32
      %eq3A = arith.constant 0 : i32
      %eq3A_278 = arith.cmpi eq, %jit3A_277, %eq3A : i32
      %jit3A_279 = arith.constant 1 : i32
      %select_n3A_280 = arith.select %eq3A_278, %jit3A_279, %jit3A_277 : i32
      %rem3A_281 = arith.remsi %add3A_260, %select_n3A_280 : i32
      %ne3A_282 = arith.constant 0 : i32
      %ne3A_283 = arith.cmpi ne, %rem3A_281, %ne3A_282 : i32
      %lt3A = arith.constant 0 : i32
      %lt3A_284 = arith.cmpi slt, %rem3A_281, %lt3A : i32
      %lt3A_285 = arith.constant 0 : i32
      %lt3A_286 = arith.cmpi slt, %select_n3A_280, %lt3A_285 : i32
      %ne3A_287 = arith.xori %lt3A_284, %lt3A_286 : i1
      %and3A_288 = arith.andi %ne3A_287, %ne3A_283 : i1
      %add3A_289 = arith.addi %rem3A_281, %select_n3A_280 : i32
      %select_n3A_290 = arith.select %and3A_288, %add3A_289, %rem3A_281 : i32
      %mul3A_291 = arith.constant 16 : i32
      %mul3A_292 = arith.muli %select_n3A_290, %mul3A_291 : i32
      %swap3A = arith.index_cast %select_n3A : i32 to index
      %swap3A_293 = arith.index_cast %mul3A_292 : i32 to index
      %swap3A_294 = tpu.vector_load %arg9[%swap3A, %swap3A_293] {strides = array<i32>} : memref<32x128xf32, #tpu.memory_space<vmem>>, vector<16xf32>,
      tpu.vector_store %arg9[%swap3A, %swap3A_293], %broadcast_in_dim3A_0 {strides = array<i32>} : memref<32x128xf32, #tpu.memory_space<vmem>>, vector<16xf32>,
    }
    %scan3A_4 = arith.constant 256 : i32
    %mul3A = arith.constant 10240 : i32
    %mul3A_5 = arith.muli %arg0, %mul3A : i32
    %scan3A_6 = arith.constant 0 : i32
    %scan3A_7 = arith.constant 672 : i32
    %scan3A_8 = arith.addi %scan3A_6, %scan3A_7 : i32
    %scan3A_9 = arith.constant 1 : i32
    scf.for %scan3A_256 = %scan3A_6 to %scan3A_8 step %scan3A_9  : i32 {
      %mul3A_257 = arith.constant 1 : i32
      %mul3A_258 = arith.muli %scan3A_256, %mul3A_257 : i32
      %add3A_259 = arith.constant 0 : i32
      %add3A_260 = arith.addi %add3A_259, %mul3A_258 : i32
      %jit3A = arith.constant 8 : i32
      %div3A = arith.divsi %add3A_260, %jit3A : i32
      %sign3A = arith.constant 0 : i32
      %sign3A_261 = arith.cmpi sgt, %add3A_260, %sign3A : i32
      %sign3A_262 = arith.extui %sign3A_261 : i1 to i32
      %sign3A_263 = arith.constant 0 : i32
      %sign3A_264 = arith.cmpi slt, %add3A_260, %sign3A_263 : i32
      %sign3A_265 = arith.extui %sign3A_264 : i1 to i32
      %sign3A_266 = arith.subi %sign3A_262, %sign3A_265 : i32
      %sign3A_267 = arith.constant 0 : i32
      %sign3A_268 = arith.cmpi sgt, %jit3A, %sign3A_267 : i32
      %sign3A_269 = arith.extui %sign3A_268 : i1 to i32
      %sign3A_270 = arith.constant 0 : i32
      %sign3A_271 = arith.cmpi slt, %jit3A, %sign3A_270 : i32
      %sign3A_272 = arith.extui %sign3A_271 : i1 to i32
      %sign3A_273 = arith.subi %sign3A_269, %sign3A_272 : i32
      %ne3A = arith.cmpi ne, %sign3A_266, %sign3A_273 : i32
      %rem3A = arith.remsi %add3A_260, %jit3A : i32
      %ne3A_274 = arith.constant 0 : i32
      %ne3A_275 = arith.cmpi ne, %rem3A, %ne3A_274 : i32
      %and3A = arith.andi %ne3A, %ne3A_275 : i1
      %sub3A = arith.constant 1 : i32
      %sub3A_276 = arith.subi %div3A, %sub3A : i32
      %select_n3A = arith.select %and3A, %sub3A_276, %div3A : i32
      %jit3A_277 = arith.constant 8 : i32
      %eq3A = arith.constant 0 : i32
      %eq3A_278 = arith.cmpi eq, %jit3A_277, %eq3A : i32
      %jit3A_279 = arith.constant 1 : i32
      %select_n3A_280 = arith.select %eq3A_278, %jit3A_279, %jit3A_277 : i32
      %rem3A_281 = arith.remsi %add3A_260, %select_n3A_280 : i32
      %ne3A_282 = arith.constant 0 : i32
      %ne3A_283 = arith.cmpi ne, %rem3A_281, %ne3A_282 : i32
      %lt3A = arith.constant 0 : i32
      %lt3A_284 = arith.cmpi slt, %rem3A_281, %lt3A : i32
      %lt3A_285 = arith.constant 0 : i32
      %lt3A_286 = arith.cmpi slt, %select_n3A_280, %lt3A_285 : i32
      %ne3A_287 = arith.xori %lt3A_284, %lt3A_286 : i1
      %and3A_288 = arith.andi %ne3A_287, %ne3A_283 : i1
      %add3A_289 = arith.addi %rem3A_281, %select_n3A_280 : i32
      %select_n3A_290 = arith.select %and3A_288, %add3A_289, %rem3A_281 : i32
      %mul3A_291 = arith.constant 16 : i32
      %mul3A_292 = arith.muli %select_n3A_290, %mul3A_291 : i32
      %get3A = arith.index_cast %select_n3A : i32 to index
      %get3A_293 = arith.index_cast %mul3A_292 : i32 to index
      %get3A_294 = tpu.vector_load %arg6[%get3A, %get3A_293] {strides = array<i32>} : memref<84x128xi32, #tpu.memory_space<vmem>>, vector<16xi32>,
      %add3A_295 = vector.broadcast %mul3A_5 : i32 to vector<16xi32>
      %add3A_296 = arith.addi %get3A_294, %add3A_295 : vector<16xi32>
      %swap3A = arith.index_cast %select_n3A : i32 to index
      %swap3A_297 = arith.index_cast %mul3A_292 : i32 to index
      %swap3A_298 = tpu.vector_load %arg6[%swap3A, %swap3A_297] {strides = array<i32>} : memref<84x128xi32, #tpu.memory_space<vmem>>, vector<16xi32>,
      tpu.vector_store %arg6[%swap3A, %swap3A_297], %add3A_296 {strides = array<i32>} : memref<84x128xi32, #tpu.memory_space<vmem>>, vector<16xi32>,
    }
    %scan3A_10 = arith.constant 672 : i32
    %mul3A_11 = arith.constant 640 : i32
    %mul3A_12 = arith.muli %arg1, %mul3A_11 : i32
    %add3A = arith.constant 0 : i32
    %add3A_13 = arith.addi %mul3A_12, %add3A : i32
    "tpu.region"() ({
      %run_scoped3A_256 = tpu.sem_alloc : memref<!tpu.dma_semaphore, #tpu.memory_space<semaphore_mem>>
      %dma_start3A_257 = arith.constant 0 : i32
      %dma_start3A_258 = tpu.memref_slice %arg10[%add3A_13, %dma_start3A_257] : memref<10240x128xf32, #tpu.memory_space<vmem_shared>> -> memref<32x128xf32, #tpu.memory_space<vmem_shared>>
      %dma_start3A_259 = arith.constant 0 : i32
      %dma_start3A_260 = tpu.memref_slice %arg10[%add3A_13, %dma_start3A_259] : memref<10240x128xf32, #tpu.memory_space<vmem_shared>> -> memref<32x128xf32, #tpu.memory_space<vmem_shared>>
      tpu.enqueue_dma source(%arg9 : memref<32x128xf32, #tpu.memory_space<vmem>>) target(%dma_start3A_260 : memref<32x128xf32, #tpu.memory_space<vmem_shared>>) target_semaphore(%run_scoped3A_256 : memref<!tpu.dma_semaphore, #tpu.memory_space<semaphore_mem>>)
      %dma_wait3A_261 = arith.constant 0 : i32
      %dma_wait3A_262 = tpu.memref_slice %arg10[%add3A_13, %dma_wait3A_261] : memref<10240x128xf32, #tpu.memory_space<vmem_shared>> -> memref<32x128xf32, #tpu.memory_space<vmem_shared>>
      %dma_wait3A_263 = arith.constant 0 : i32
      %dma_wait3A_264 = tpu.memref_slice %arg10[%add3A_13, %dma_wait3A_263] : memref<10240x128xf32, #tpu.memory_space<vmem_shared>> -> memref<32x128xf32, #tpu.memory_space<vmem_shared>>
      tpu.wait_dma2 semaphore(%run_scoped3A_256 : memref<!tpu.dma_semaphore, #tpu.memory_space<semaphore_mem>>) src(%arg9 : memref<32x128xf32, #tpu.memory_space<vmem>>) dst(%dma_wait3A_264 : memref<32x128xf32, #tpu.memory_space<vmem_shared>>)
      tpu.yield
    }) : () -> ()
    %mul3A_14 = arith.constant 640 : i32
    %mul3A_15 = arith.muli %arg1, %mul3A_14 : i32
    %add3A_16 = arith.constant 32 : i32
    %add3A_17 = arith.addi %mul3A_15, %add3A_16 : i32
    "tpu.region"() ({
      %run_scoped3A_256 = tpu.sem_alloc : memref<!tpu.dma_semaphore, #tpu.memory_space<semaphore_mem>>
      %dma_start3A_257 = arith.constant 0 : i32
      %dma_start3A_258 = tpu.memref_slice %arg10[%add3A_17, %dma_start3A_257] : memref<10240x128xf32, #tpu.memory_space<vmem_shared>> -> memref<32x128xf32, #tpu.memory_space<vmem_shared>>
      %dma_start3A_259 = arith.constant 0 : i32
      %dma_start3A_260 = tpu.memref_slice %arg10[%add3A_17, %dma_start3A_259] : memref<10240x128xf32, #tpu.memory_space<vmem_shared>> -> memref<32x128xf32, #tpu.memory_space<vmem_shared>>
      tpu.enqueue_dma source(%arg9 : memref<32x128xf32, #tpu.memory_space<vmem>>) target(%dma_start3A_260 : memref<32x128xf32, #tpu.memory_space<vmem_shared>>) target_semaphore(%run_scoped3A_256 : memref<!tpu.dma_semaphore, #tpu.memory_space<semaphore_mem>>)
      %dma_wait3A_261 = arith.constant 0 : i32
      %dma_wait3A_262 = tpu.memref_slice %arg10[%add3A_17, %dma_wait3A_261] : memref<10240x128xf32, #tpu.memory_space<vmem_shared>> -> memref<32x128xf32, #tpu.memory_space<vmem_shared>>
      %dma_wait3A_263 = arith.constant 0 : i32
      %dma_wait3A_264 = tpu.memref_slice %arg10[%add3A_17, %dma_wait3A_263] : memref<10240x128xf32, #tpu.memory_space<vmem_shared>> -> memref<32x128xf32, #tpu.memory_space<vmem_shared>>
      tpu.wait_dma2 semaphore(%run_scoped3A_256 : memref<!tpu.dma_semaphore, #tpu.memory_space<semaphore_mem>>) src(%arg9 : memref<32x128xf32, #tpu.memory_space<vmem>>) dst(%dma_wait3A_264 : memref<32x128xf32, #tpu.memory_space<vmem_shared>>)
      tpu.yield
    }) : () -> ()
    %mul3A_18 = arith.constant 640 : i32
    %mul3A_19 = arith.muli %arg1, %mul3A_18 : i32
    %add3A_20 = arith.constant 64 : i32
    %add3A_21 = arith.addi %mul3A_19, %add3A_20 : i32
    "tpu.region"() ({
      %run_scoped3A_256 = tpu.sem_alloc : memref<!tpu.dma_semaphore, #tpu.memory_space<semaphore_mem>>
      %dma_start3A_257 = arith.constant 0 : i32
      %dma_start3A_258 = tpu.memref_slice %arg10[%add3A_21, %dma_start3A_257] : memref<10240x128xf32, #tpu.memory_space<vmem_shared>> -> memref<32x128xf32, #tpu.memory_space<vmem_shared>>
      %dma_start3A_259 = arith.constant 0 : i32
      %dma_start3A_260 = tpu.memref_slice %arg10[%add3A_21, %dma_start3A_259] : memref<10240x128xf32, #tpu.memory_space<vmem_shared>> -> memref<32x128xf32, #tpu.memory_space<vmem_shared>>
      tpu.enqueue_dma source(%arg9 : memref<32x128xf32, #tpu.memory_space<vmem>>) target(%dma_start3A_260 : memref<32x128xf32, #tpu.memory_space<vmem_shared>>) target_semaphore(%run_scoped3A_256 : memref<!tpu.dma_semaphore, #tpu.memory_space<semaphore_mem>>)
      %dma_wait3A_261 = arith.constant 0 : i32
      %dma_wait3A_262 = tpu.memref_slice %arg10[%add3A_21, %dma_wait3A_261] : memref<10240x128xf32, #tpu.memory_space<vmem_shared>> -> memref<32x128xf32, #tpu.memory_space<vmem_shared>>
      %dma_wait3A_263 = arith.constant 0 : i32
      %dma_wait3A_264 = tpu.memref_slice %arg10[%add3A_21, %dma_wait3A_263] : memref<10240x128xf32, #tpu.memory_space<vmem_shared>> -> memref<32x128xf32, #tpu.memory_space<vmem_shared>>
      tpu.wait_dma2 semaphore(%run_scoped3A_256 : memref<!tpu.dma_semaphore, #tpu.memory_space<semaphore_mem>>) src(%arg9 : memref<32x128xf32, #tpu.memory_space<vmem>>) dst(%dma_wait3A_264 : memref<32x128xf32, #tpu.memory_space<vmem_shared>>)
      tpu.yield
    }) : () -> ()
    %mul3A_22 = arith.constant 640 : i32
    %mul3A_23 = arith.muli %arg1, %mul3A_22 : i32
    %add3A_24 = arith.constant 96 : i32
    %add3A_25 = arith.addi %mul3A_23, %add3A_24 : i32
    "tpu.region"() ({
      %run_scoped3A_256 = tpu.sem_alloc : memref<!tpu.dma_semaphore, #tpu.memory_space<semaphore_mem>>
      %dma_start3A_257 = arith.constant 0 : i32
      %dma_start3A_258 = tpu.memref_slice %arg10[%add3A_25, %dma_start3A_257] : memref<10240x128xf32, #tpu.memory_space<vmem_shared>> -> memref<32x128xf32, #tpu.memory_space<vmem_shared>>
      %dma_start3A_259 = arith.constant 0 : i32
      %dma_start3A_260 = tpu.memref_slice %arg10[%add3A_25, %dma_start3A_259] : memref<10240x128xf32, #tpu.memory_space<vmem_shared>> -> memref<32x128xf32, #tpu.memory_space<vmem_shared>>
      tpu.enqueue_dma source(%arg9 : memref<32x128xf32, #tpu.memory_space<vmem>>) target(%dma_start3A_260 : memref<32x128xf32, #tpu.memory_space<vmem_shared>>) target_semaphore(%run_scoped3A_256 : memref<!tpu.dma_semaphore, #tpu.memory_space<semaphore_mem>>)
      %dma_wait3A_261 = arith.constant 0 : i32
      %dma_wait3A_262 = tpu.memref_slice %arg10[%add3A_25, %dma_wait3A_261] : memref<10240x128xf32, #tpu.memory_space<vmem_shared>> -> memref<32x128xf32, #tpu.memory_space<vmem_shared>>
      %dma_wait3A_263 = arith.constant 0 : i32
      %dma_wait3A_264 = tpu.memref_slice %arg10[%add3A_25, %dma_wait3A_263] : memref<10240x128xf32, #tpu.memory_space<vmem_shared>> -> memref<32x128xf32, #tpu.memory_space<vmem_shared>>
      tpu.wait_dma2 semaphore(%run_scoped3A_256 : memref<!tpu.dma_semaphore, #tpu.memory_space<semaphore_mem>>) src(%arg9 : memref<32x128xf32, #tpu.memory_space<vmem>>) dst(%dma_wait3A_264 : memref<32x128xf32, #tpu.memory_space<vmem_shared>>)
      tpu.yield
    }) : () -> ()
    %mul3A_26 = arith.constant 640 : i32
    %mul3A_27 = arith.muli %arg1, %mul3A_26 : i32
    %add3A_28 = arith.constant 128 : i32
    %add3A_29 = arith.addi %mul3A_27, %add3A_28 : i32
    "tpu.region"() ({
      %run_scoped3A_256 = tpu.sem_alloc : memref<!tpu.dma_semaphore, #tpu.memory_space<semaphore_mem>>
      %dma_start3A_257 = arith.constant 0 : i32
      %dma_start3A_258 = tpu.memref_slice %arg10[%add3A_29, %dma_start3A_257] : memref<10240x128xf32, #tpu.memory_space<vmem_shared>> -> memref<32x128xf32, #tpu.memory_space<vmem_shared>>
      %dma_start3A_259 = arith.constant 0 : i32
      %dma_start3A_260 = tpu.memref_slice %arg10[%add3A_29, %dma_start3A_259] : memref<10240x128xf32, #tpu.memory_space<vmem_shared>> -> memref<32x128xf32, #tpu.memory_space<vmem_shared>>
      tpu.enqueue_dma source(%arg9 : memref<32x128xf32, #tpu.memory_space<vmem>>) target(%dma_start3A_260 : memref<32x128xf32, #tpu.memory_space<vmem_shared>>) target_semaphore(%run_scoped3A_256 : memref<!tpu.dma_semaphore, #tpu.memory_space<semaphore_mem>>)
      %dma_wait3A_261 = arith.constant 0 : i32
      %dma_wait3A_262 = tpu.memref_slice %arg10[%add3A_29, %dma_wait3A_261] : memref<10240x128xf32, #tpu.memory_space<vmem_shared>> -> memref<32x128xf32, #tpu.memory_space<vmem_shared>>
      %dma_wait3A_263 = arith.constant 0 : i32
      %dma_wait3A_264 = tpu.memref_slice %arg10[%add3A_29, %dma_wait3A_263] : memref<10240x128xf32, #tpu.memory_space<vmem_shared>> -> memref<32x128xf32, #tpu.memory_space<vmem_shared>>
      tpu.wait_dma2 semaphore(%run_scoped3A_256 : memref<!tpu.dma_semaphore, #tpu.memory_space<semaphore_mem>>) src(%arg9 : memref<32x128xf32, #tpu.memory_space<vmem>>) dst(%dma_wait3A_264 : memref<32x128xf32, #tpu.memory_space<vmem_shared>>)
      tpu.yield
    }) : () -> ()
    %mul3A_30 = arith.constant 640 : i32
    %mul3A_31 = arith.muli %arg1, %mul3A_30 : i32
    %add3A_32 = arith.constant 160 : i32
    %add3A_33 = arith.addi %mul3A_31, %add3A_32 : i32
    "tpu.region"() ({
      %run_scoped3A_256 = tpu.sem_alloc : memref<!tpu.dma_semaphore, #tpu.memory_space<semaphore_mem>>
      %dma_start3A_257 = arith.constant 0 : i32
      %dma_start3A_258 = tpu.memref_slice %arg10[%add3A_33, %dma_start3A_257] : memref<10240x128xf32, #tpu.memory_space<vmem_shared>> -> memref<32x128xf32, #tpu.memory_space<vmem_shared>>
      %dma_start3A_259 = arith.constant 0 : i32
      %dma_start3A_260 = tpu.memref_slice %arg10[%add3A_33, %dma_start3A_259] : memref<10240x128xf32, #tpu.memory_space<vmem_shared>> -> memref<32x128xf32, #tpu.memory_space<vmem_shared>>
      tpu.enqueue_dma source(%arg9 : memref<32x128xf32, #tpu.memory_space<vmem>>) target(%dma_start3A_260 : memref<32x128xf32, #tpu.memory_space<vmem_shared>>) target_semaphore(%run_scoped3A_256 : memref<!tpu.dma_semaphore, #tpu.memory_space<semaphore_mem>>)
      %dma_wait3A_261 = arith.constant 0 : i32
      %dma_wait3A_262 = tpu.memref_slice %arg10[%add3A_33, %dma_wait3A_261] : memref<10240x128xf32, #tpu.memory_space<vmem_shared>> -> memref<32x128xf32, #tpu.memory_space<vmem_shared>>
      %dma_wait3A_263 = arith.constant 0 : i32
      %dma_wait3A_264 = tpu.memref_slice %arg10[%add3A_33, %dma_wait3A_263] : memref<10240x128xf32, #tpu.memory_space<vmem_shared>> -> memref<32x128xf32, #tpu.memory_space<vmem_shared>>
      tpu.wait_dma2 semaphore(%run_scoped3A_256 : memref<!tpu.dma_semaphore, #tpu.memory_space<semaphore_mem>>) src(%arg9 : memref<32x128xf32, #tpu.memory_space<vmem>>) dst(%dma_wait3A_264 : memref<32x128xf32, #tpu.memory_space<vmem_shared>>)
      tpu.yield
    }) : () -> ()
    %mul3A_34 = arith.constant 640 : i32
    %mul3A_35 = arith.muli %arg1, %mul3A_34 : i32
    %add3A_36 = arith.constant 192 : i32
    %add3A_37 = arith.addi %mul3A_35, %add3A_36 : i32
    "tpu.region"() ({
      %run_scoped3A_256 = tpu.sem_alloc : memref<!tpu.dma_semaphore, #tpu.memory_space<semaphore_mem>>
      %dma_start3A_257 = arith.constant 0 : i32
      %dma_start3A_258 = tpu.memref_slice %arg10[%add3A_37, %dma_start3A_257] : memref<10240x128xf32, #tpu.memory_space<vmem_shared>> -> memref<32x128xf32, #tpu.memory_space<vmem_shared>>
      %dma_start3A_259 = arith.constant 0 : i32
      %dma_start3A_260 = tpu.memref_slice %arg10[%add3A_37, %dma_start3A_259] : memref<10240x128xf32, #tpu.memory_space<vmem_shared>> -> memref<32x128xf32, #tpu.memory_space<vmem_shared>>
      tpu.enqueue_dma source(%arg9 : memref<32x128xf32, #tpu.memory_space<vmem>>) target(%dma_start3A_260 : memref<32x128xf32, #tpu.memory_space<vmem_shared>>) target_semaphore(%run_scoped3A_256 : memref<!tpu.dma_semaphore, #tpu.memory_space<semaphore_mem>>)
      %dma_wait3A_261 = arith.constant 0 : i32
      %dma_wait3A_262 = tpu.memref_slice %arg10[%add3A_37, %dma_wait3A_261] : memref<10240x128xf32, #tpu.memory_space<vmem_shared>> -> memref<32x128xf32, #tpu.memory_space<vmem_shared>>
      %dma_wait3A_263 = arith.constant 0 : i32
      %dma_wait3A_264 = tpu.memref_slice %arg10[%add3A_37, %dma_wait3A_263] : memref<10240x128xf32, #tpu.memory_space<vmem_shared>> -> memref<32x128xf32, #tpu.memory_space<vmem_shared>>
      tpu.wait_dma2 semaphore(%run_scoped3A_256 : memref<!tpu.dma_semaphore, #tpu.memory_space<semaphore_mem>>) src(%arg9 : memref<32x128xf32, #tpu.memory_space<vmem>>) dst(%dma_wait3A_264 : memref<32x128xf32, #tpu.memory_space<vmem_shared>>)
      tpu.yield
    }) : () -> ()
    %mul3A_38 = arith.constant 640 : i32
    %mul3A_39 = arith.muli %arg1, %mul3A_38 : i32
    %add3A_40 = arith.constant 224 : i32
    %add3A_41 = arith.addi %mul3A_39, %add3A_40 : i32
    "tpu.region"() ({
      %run_scoped3A_256 = tpu.sem_alloc : memref<!tpu.dma_semaphore, #tpu.memory_space<semaphore_mem>>
      %dma_start3A_257 = arith.constant 0 : i32
      %dma_start3A_258 = tpu.memref_slice %arg10[%add3A_41, %dma_start3A_257] : memref<10240x128xf32, #tpu.memory_space<vmem_shared>> -> memref<32x128xf32, #tpu.memory_space<vmem_shared>>
      %dma_start3A_259 = arith.constant 0 : i32
      %dma_start3A_260 = tpu.memref_slice %arg10[%add3A_41, %dma_start3A_259] : memref<10240x128xf32, #tpu.memory_space<vmem_shared>> -> memref<32x128xf32, #tpu.memory_space<vmem_shared>>
      tpu.enqueue_dma source(%arg9 : memref<32x128xf32, #tpu.memory_space<vmem>>) target(%dma_start3A_260 : memref<32x128xf32, #tpu.memory_space<vmem_shared>>) target_semaphore(%run_scoped3A_256 : memref<!tpu.dma_semaphore, #tpu.memory_space<semaphore_mem>>)
      %dma_wait3A_261 = arith.constant 0 : i32
      %dma_wait3A_262 = tpu.memref_slice %arg10[%add3A_41, %dma_wait3A_261] : memref<10240x128xf32, #tpu.memory_space<vmem_shared>> -> memref<32x128xf32, #tpu.memory_space<vmem_shared>>
      %dma_wait3A_263 = arith.constant 0 : i32
      %dma_wait3A_264 = tpu.memref_slice %arg10[%add3A_41, %dma_wait3A_263] : memref<10240x128xf32, #tpu.memory_space<vmem_shared>> -> memref<32x128xf32, #tpu.memory_space<vmem_shared>>
      tpu.wait_dma2 semaphore(%run_scoped3A_256 : memref<!tpu.dma_semaphore, #tpu.memory_space<semaphore_mem>>) src(%arg9 : memref<32x128xf32, #tpu.memory_space<vmem>>) dst(%dma_wait3A_264 : memref<32x128xf32, #tpu.memory_space<vmem_shared>>)
      tpu.yield
    }) : () -> ()
    %mul3A_42 = arith.constant 640 : i32
    %mul3A_43 = arith.muli %arg1, %mul3A_42 : i32
    %add3A_44 = arith.constant 256 : i32
    %add3A_45 = arith.addi %mul3A_43, %add3A_44 : i32
    "tpu.region"() ({
      %run_scoped3A_256 = tpu.sem_alloc : memref<!tpu.dma_semaphore, #tpu.memory_space<semaphore_mem>>
      %dma_start3A_257 = arith.constant 0 : i32
      %dma_start3A_258 = tpu.memref_slice %arg10[%add3A_45, %dma_start3A_257] : memref<10240x128xf32, #tpu.memory_space<vmem_shared>> -> memref<32x128xf32, #tpu.memory_space<vmem_shared>>
      %dma_start3A_259 = arith.constant 0 : i32
      %dma_start3A_260 = tpu.memref_slice %arg10[%add3A_45, %dma_start3A_259] : memref<10240x128xf32, #tpu.memory_space<vmem_shared>> -> memref<32x128xf32, #tpu.memory_space<vmem_shared>>
      tpu.enqueue_dma source(%arg9 : memref<32x128xf32, #tpu.memory_space<vmem>>) target(%dma_start3A_260 : memref<32x128xf32, #tpu.memory_space<vmem_shared>>) target_semaphore(%run_scoped3A_256 : memref<!tpu.dma_semaphore, #tpu.memory_space<semaphore_mem>>)
      %dma_wait3A_261 = arith.constant 0 : i32
      %dma_wait3A_262 = tpu.memref_slice %arg10[%add3A_45, %dma_wait3A_261] : memref<10240x128xf32, #tpu.memory_space<vmem_shared>> -> memref<32x128xf32, #tpu.memory_space<vmem_shared>>
      %dma_wait3A_263 = arith.constant 0 : i32
      %dma_wait3A_264 = tpu.memref_slice %arg10[%add3A_45, %dma_wait3A_263] : memref<10240x128xf32, #tpu.memory_space<vmem_shared>> -> memref<32x128xf32, #tpu.memory_space<vmem_shared>>
      tpu.wait_dma2 semaphore(%run_scoped3A_256 : memref<!tpu.dma_semaphore, #tpu.memory_space<semaphore_mem>>) src(%arg9 : memref<32x128xf32, #tpu.memory_space<vmem>>) dst(%dma_wait3A_264 : memref<32x128xf32, #tpu.memory_space<vmem_shared>>)
      tpu.yield
    }) : () -> ()
    %mul3A_46 = arith.constant 640 : i32
    %mul3A_47 = arith.muli %arg1, %mul3A_46 : i32
    %add3A_48 = arith.constant 288 : i32
    %add3A_49 = arith.addi %mul3A_47, %add3A_48 : i32
    "tpu.region"() ({
      %run_scoped3A_256 = tpu.sem_alloc : memref<!tpu.dma_semaphore, #tpu.memory_space<semaphore_mem>>
      %dma_start3A_257 = arith.constant 0 : i32
      %dma_start3A_258 = tpu.memref_slice %arg10[%add3A_49, %dma_start3A_257] : memref<10240x128xf32, #tpu.memory_space<vmem_shared>> -> memref<32x128xf32, #tpu.memory_space<vmem_shared>>
      %dma_start3A_259 = arith.constant 0 : i32
      %dma_start3A_260 = tpu.memref_slice %arg10[%add3A_49, %dma_start3A_259] : memref<10240x128xf32, #tpu.memory_space<vmem_shared>> -> memref<32x128xf32, #tpu.memory_space<vmem_shared>>
      tpu.enqueue_dma source(%arg9 : memref<32x128xf32, #tpu.memory_space<vmem>>) target(%dma_start3A_260 : memref<32x128xf32, #tpu.memory_space<vmem_shared>>) target_semaphore(%run_scoped3A_256 : memref<!tpu.dma_semaphore, #tpu.memory_space<semaphore_mem>>)
      %dma_wait3A_261 = arith.constant 0 : i32
      %dma_wait3A_262 = tpu.memref_slice %arg10[%add3A_49, %dma_wait3A_261] : memref<10240x128xf32, #tpu.memory_space<vmem_shared>> -> memref<32x128xf32, #tpu.memory_space<vmem_shared>>
      %dma_wait3A_263 = arith.constant 0 : i32
      %dma_wait3A_264 = tpu.memref_slice %arg10[%add3A_49, %dma_wait3A_263] : memref<10240x128xf32, #tpu.memory_space<vmem_shared>> -> memref<32x128xf32, #tpu.memory_space<vmem_shared>>
      tpu.wait_dma2 semaphore(%run_scoped3A_256 : memref<!tpu.dma_semaphore, #tpu.memory_space<semaphore_mem>>) src(%arg9 : memref<32x128xf32, #tpu.memory_space<vmem>>) dst(%dma_wait3A_264 : memref<32x128xf32, #tpu.memory_space<vmem_shared>>)
      tpu.yield
    }) : () -> ()
    %mul3A_50 = arith.constant 640 : i32
    %mul3A_51 = arith.muli %arg1, %mul3A_50 : i32
    %add3A_52 = arith.constant 320 : i32
    %add3A_53 = arith.addi %mul3A_51, %add3A_52 : i32
    "tpu.region"() ({
      %run_scoped3A_256 = tpu.sem_alloc : memref<!tpu.dma_semaphore, #tpu.memory_space<semaphore_mem>>
      %dma_start3A_257 = arith.constant 0 : i32
      %dma_start3A_258 = tpu.memref_slice %arg10[%add3A_53, %dma_start3A_257] : memref<10240x128xf32, #tpu.memory_space<vmem_shared>> -> memref<32x128xf32, #tpu.memory_space<vmem_shared>>
      %dma_start3A_259 = arith.constant 0 : i32
      %dma_start3A_260 = tpu.memref_slice %arg10[%add3A_53, %dma_start3A_259] : memref<10240x128xf32, #tpu.memory_space<vmem_shared>> -> memref<32x128xf32, #tpu.memory_space<vmem_shared>>
      tpu.enqueue_dma source(%arg9 : memref<32x128xf32, #tpu.memory_space<vmem>>) target(%dma_start3A_260 : memref<32x128xf32, #tpu.memory_space<vmem_shared>>) target_semaphore(%run_scoped3A_256 : memref<!tpu.dma_semaphore, #tpu.memory_space<semaphore_mem>>)
      %dma_wait3A_261 = arith.constant 0 : i32
      %dma_wait3A_262 = tpu.memref_slice %arg10[%add3A_53, %dma_wait3A_261] : memref<10240x128xf32, #tpu.memory_space<vmem_shared>> -> memref<32x128xf32, #tpu.memory_space<vmem_shared>>
      %dma_wait3A_263 = arith.constant 0 : i32
      %dma_wait3A_264 = tpu.memref_slice %arg10[%add3A_53, %dma_wait3A_263] : memref<10240x128xf32, #tpu.memory_space<vmem_shared>> -> memref<32x128xf32, #tpu.memory_space<vmem_shared>>
      tpu.wait_dma2 semaphore(%run_scoped3A_256 : memref<!tpu.dma_semaphore, #tpu.memory_space<semaphore_mem>>) src(%arg9 : memref<32x128xf32, #tpu.memory_space<vmem>>) dst(%dma_wait3A_264 : memref<32x128xf32, #tpu.memory_space<vmem_shared>>)
      tpu.yield
    }) : () -> ()
    %mul3A_54 = arith.constant 640 : i32
    %mul3A_55 = arith.muli %arg1, %mul3A_54 : i32
    %add3A_56 = arith.constant 352 : i32
    %add3A_57 = arith.addi %mul3A_55, %add3A_56 : i32
    "tpu.region"() ({
      %run_scoped3A_256 = tpu.sem_alloc : memref<!tpu.dma_semaphore, #tpu.memory_space<semaphore_mem>>
      %dma_start3A_257 = arith.constant 0 : i32
      %dma_start3A_258 = tpu.memref_slice %arg10[%add3A_57, %dma_start3A_257] : memref<10240x128xf32, #tpu.memory_space<vmem_shared>> -> memref<32x128xf32, #tpu.memory_space<vmem_shared>>
      %dma_start3A_259 = arith.constant 0 : i32
      %dma_start3A_260 = tpu.memref_slice %arg10[%add3A_57, %dma_start3A_259] : memref<10240x128xf32, #tpu.memory_space<vmem_shared>> -> memref<32x128xf32, #tpu.memory_space<vmem_shared>>
      tpu.enqueue_dma source(%arg9 : memref<32x128xf32, #tpu.memory_space<vmem>>) target(%dma_start3A_260 : memref<32x128xf32, #tpu.memory_space<vmem_shared>>) target_semaphore(%run_scoped3A_256 : memref<!tpu.dma_semaphore, #tpu.memory_space<semaphore_mem>>)
      %dma_wait3A_261 = arith.constant 0 : i32
      %dma_wait3A_262 = tpu.memref_slice %arg10[%add3A_57, %dma_wait3A_261] : memref<10240x128xf32, #tpu.memory_space<vmem_shared>> -> memref<32x128xf32, #tpu.memory_space<vmem_shared>>
      %dma_wait3A_263 = arith.constant 0 : i32
      %dma_wait3A_264 = tpu.memref_slice %arg10[%add3A_57, %dma_wait3A_263] : memref<10240x128xf32, #tpu.memory_space<vmem_shared>> -> memref<32x128xf32, #tpu.memory_space<vmem_shared>>
      tpu.wait_dma2 semaphore(%run_scoped3A_256 : memref<!tpu.dma_semaphore, #tpu.memory_space<semaphore_mem>>) src(%arg9 : memref<32x128xf32, #tpu.memory_space<vmem>>) dst(%dma_wait3A_264 : memref<32x128xf32, #tpu.memory_space<vmem_shared>>)
      tpu.yield
    }) : () -> ()
    %mul3A_58 = arith.constant 640 : i32
    %mul3A_59 = arith.muli %arg1, %mul3A_58 : i32
    %add3A_60 = arith.constant 384 : i32
    %add3A_61 = arith.addi %mul3A_59, %add3A_60 : i32
    "tpu.region"() ({
      %run_scoped3A_256 = tpu.sem_alloc : memref<!tpu.dma_semaphore, #tpu.memory_space<semaphore_mem>>
      %dma_start3A_257 = arith.constant 0 : i32
      %dma_start3A_258 = tpu.memref_slice %arg10[%add3A_61, %dma_start3A_257] : memref<10240x128xf32, #tpu.memory_space<vmem_shared>> -> memref<32x128xf32, #tpu.memory_space<vmem_shared>>
      %dma_start3A_259 = arith.constant 0 : i32
      %dma_start3A_260 = tpu.memref_slice %arg10[%add3A_61, %dma_start3A_259] : memref<10240x128xf32, #tpu.memory_space<vmem_shared>> -> memref<32x128xf32, #tpu.memory_space<vmem_shared>>
      tpu.enqueue_dma source(%arg9 : memref<32x128xf32, #tpu.memory_space<vmem>>) target(%dma_start3A_260 : memref<32x128xf32, #tpu.memory_space<vmem_shared>>) target_semaphore(%run_scoped3A_256 : memref<!tpu.dma_semaphore, #tpu.memory_space<semaphore_mem>>)
      %dma_wait3A_261 = arith.constant 0 : i32
      %dma_wait3A_262 = tpu.memref_slice %arg10[%add3A_61, %dma_wait3A_261] : memref<10240x128xf32, #tpu.memory_space<vmem_shared>> -> memref<32x128xf32, #tpu.memory_space<vmem_shared>>
      %dma_wait3A_263 = arith.constant 0 : i32
      %dma_wait3A_264 = tpu.memref_slice %arg10[%add3A_61, %dma_wait3A_263] : memref<10240x128xf32, #tpu.memory_space<vmem_shared>> -> memref<32x128xf32, #tpu.memory_space<vmem_shared>>
      tpu.wait_dma2 semaphore(%run_scoped3A_256 : memref<!tpu.dma_semaphore, #tpu.memory_space<semaphore_mem>>) src(%arg9 : memref<32x128xf32, #tpu.memory_space<vmem>>) dst(%dma_wait3A_264 : memref<32x128xf32, #tpu.memory_space<vmem_shared>>)
      tpu.yield
    }) : () -> ()
    %mul3A_62 = arith.constant 640 : i32
    %mul3A_63 = arith.muli %arg1, %mul3A_62 : i32
    %add3A_64 = arith.constant 416 : i32
    %add3A_65 = arith.addi %mul3A_63, %add3A_64 : i32
    "tpu.region"() ({
      %run_scoped3A_256 = tpu.sem_alloc : memref<!tpu.dma_semaphore, #tpu.memory_space<semaphore_mem>>
      %dma_start3A_257 = arith.constant 0 : i32
      %dma_start3A_258 = tpu.memref_slice %arg10[%add3A_65, %dma_start3A_257] : memref<10240x128xf32, #tpu.memory_space<vmem_shared>> -> memref<32x128xf32, #tpu.memory_space<vmem_shared>>
      %dma_start3A_259 = arith.constant 0 : i32
      %dma_start3A_260 = tpu.memref_slice %arg10[%add3A_65, %dma_start3A_259] : memref<10240x128xf32, #tpu.memory_space<vmem_shared>> -> memref<32x128xf32, #tpu.memory_space<vmem_shared>>
      tpu.enqueue_dma source(%arg9 : memref<32x128xf32, #tpu.memory_space<vmem>>) target(%dma_start3A_260 : memref<32x128xf32, #tpu.memory_space<vmem_shared>>) target_semaphore(%run_scoped3A_256 : memref<!tpu.dma_semaphore, #tpu.memory_space<semaphore_mem>>)
      %dma_wait3A_261 = arith.constant 0 : i32
      %dma_wait3A_262 = tpu.memref_slice %arg10[%add3A_65, %dma_wait3A_261] : memref<10240x128xf32, #tpu.memory_space<vmem_shared>> -> memref<32x128xf32, #tpu.memory_space<vmem_shared>>
      %dma_wait3A_263 = arith.constant 0 : i32
      %dma_wait3A_264 = tpu.memref_slice %arg10[%add3A_65, %dma_wait3A_263] : memref<10240x128xf32, #tpu.memory_space<vmem_shared>> -> memref<32x128xf32, #tpu.memory_space<vmem_shared>>
      tpu.wait_dma2 semaphore(%run_scoped3A_256 : memref<!tpu.dma_semaphore, #tpu.memory_space<semaphore_mem>>) src(%arg9 : memref<32x128xf32, #tpu.memory_space<vmem>>) dst(%dma_wait3A_264 : memref<32x128xf32, #tpu.memory_space<vmem_shared>>)
      tpu.yield
    }) : () -> ()
    %mul3A_66 = arith.constant 640 : i32
    %mul3A_67 = arith.muli %arg1, %mul3A_66 : i32
    %add3A_68 = arith.constant 448 : i32
    %add3A_69 = arith.addi %mul3A_67, %add3A_68 : i32
    "tpu.region"() ({
      %run_scoped3A_256 = tpu.sem_alloc : memref<!tpu.dma_semaphore, #tpu.memory_space<semaphore_mem>>
      %dma_start3A_257 = arith.constant 0 : i32
      %dma_start3A_258 = tpu.memref_slice %arg10[%add3A_69, %dma_start3A_257] : memref<10240x128xf32, #tpu.memory_space<vmem_shared>> -> memref<32x128xf32, #tpu.memory_space<vmem_shared>>
      %dma_start3A_259 = arith.constant 0 : i32
      %dma_start3A_260 = tpu.memref_slice %arg10[%add3A_69, %dma_start3A_259] : memref<10240x128xf32, #tpu.memory_space<vmem_shared>> -> memref<32x128xf32, #tpu.memory_space<vmem_shared>>
      tpu.enqueue_dma source(%arg9 : memref<32x128xf32, #tpu.memory_space<vmem>>) target(%dma_start3A_260 : memref<32x128xf32, #tpu.memory_space<vmem_shared>>) target_semaphore(%run_scoped3A_256 : memref<!tpu.dma_semaphore, #tpu.memory_space<semaphore_mem>>)
      %dma_wait3A_261 = arith.constant 0 : i32
      %dma_wait3A_262 = tpu.memref_slice %arg10[%add3A_69, %dma_wait3A_261] : memref<10240x128xf32, #tpu.memory_space<vmem_shared>> -> memref<32x128xf32, #tpu.memory_space<vmem_shared>>
      %dma_wait3A_263 = arith.constant 0 : i32
      %dma_wait3A_264 = tpu.memref_slice %arg10[%add3A_69, %dma_wait3A_263] : memref<10240x128xf32, #tpu.memory_space<vmem_shared>> -> memref<32x128xf32, #tpu.memory_space<vmem_shared>>
      tpu.wait_dma2 semaphore(%run_scoped3A_256 : memref<!tpu.dma_semaphore, #tpu.memory_space<semaphore_mem>>) src(%arg9 : memref<32x128xf32, #tpu.memory_space<vmem>>) dst(%dma_wait3A_264 : memref<32x128xf32, #tpu.memory_space<vmem_shared>>)
      tpu.yield
    }) : () -> ()
    %mul3A_70 = arith.constant 640 : i32
    %mul3A_71 = arith.muli %arg1, %mul3A_70 : i32
    %add3A_72 = arith.constant 480 : i32
    %add3A_73 = arith.addi %mul3A_71, %add3A_72 : i32
    "tpu.region"() ({
      %run_scoped3A_256 = tpu.sem_alloc : memref<!tpu.dma_semaphore, #tpu.memory_space<semaphore_mem>>
      %dma_start3A_257 = arith.constant 0 : i32
      %dma_start3A_258 = tpu.memref_slice %arg10[%add3A_73, %dma_start3A_257] : memref<10240x128xf32, #tpu.memory_space<vmem_shared>> -> memref<32x128xf32, #tpu.memory_space<vmem_shared>>
      %dma_start3A_259 = arith.constant 0 : i32
      %dma_start3A_260 = tpu.memref_slice %arg10[%add3A_73, %dma_start3A_259] : memref<10240x128xf32, #tpu.memory_space<vmem_shared>> -> memref<32x128xf32, #tpu.memory_space<vmem_shared>>
      tpu.enqueue_dma source(%arg9 : memref<32x128xf32, #tpu.memory_space<vmem>>) target(%dma_start3A_260 : memref<32x128xf32, #tpu.memory_space<vmem_shared>>) target_semaphore(%run_scoped3A_256 : memref<!tpu.dma_semaphore, #tpu.memory_space<semaphore_mem>>)
      %dma_wait3A_261 = arith.constant 0 : i32
      %dma_wait3A_262 = tpu.memref_slice %arg10[%add3A_73, %dma_wait3A_261] : memref<10240x128xf32, #tpu.memory_space<vmem_shared>> -> memref<32x128xf32, #tpu.memory_space<vmem_shared>>
      %dma_wait3A_263 = arith.constant 0 : i32
      %dma_wait3A_264 = tpu.memref_slice %arg10[%add3A_73, %dma_wait3A_263] : memref<10240x128xf32, #tpu.memory_space<vmem_shared>> -> memref<32x128xf32, #tpu.memory_space<vmem_shared>>
      tpu.wait_dma2 semaphore(%run_scoped3A_256 : memref<!tpu.dma_semaphore, #tpu.memory_space<semaphore_mem>>) src(%arg9 : memref<32x128xf32, #tpu.memory_space<vmem>>) dst(%dma_wait3A_264 : memref<32x128xf32, #tpu.memory_space<vmem_shared>>)
      tpu.yield
    }) : () -> ()
    %mul3A_74 = arith.constant 640 : i32
    %mul3A_75 = arith.muli %arg1, %mul3A_74 : i32
    %add3A_76 = arith.constant 512 : i32
    %add3A_77 = arith.addi %mul3A_75, %add3A_76 : i32
    "tpu.region"() ({
      %run_scoped3A_256 = tpu.sem_alloc : memref<!tpu.dma_semaphore, #tpu.memory_space<semaphore_mem>>
      %dma_start3A_257 = arith.constant 0 : i32
      %dma_start3A_258 = tpu.memref_slice %arg10[%add3A_77, %dma_start3A_257] : memref<10240x128xf32, #tpu.memory_space<vmem_shared>> -> memref<32x128xf32, #tpu.memory_space<vmem_shared>>
      %dma_start3A_259 = arith.constant 0 : i32
      %dma_start3A_260 = tpu.memref_slice %arg10[%add3A_77, %dma_start3A_259] : memref<10240x128xf32, #tpu.memory_space<vmem_shared>> -> memref<32x128xf32, #tpu.memory_space<vmem_shared>>
      tpu.enqueue_dma source(%arg9 : memref<32x128xf32, #tpu.memory_space<vmem>>) target(%dma_start3A_260 : memref<32x128xf32, #tpu.memory_space<vmem_shared>>) target_semaphore(%run_scoped3A_256 : memref<!tpu.dma_semaphore, #tpu.memory_space<semaphore_mem>>)
      %dma_wait3A_261 = arith.constant 0 : i32
      %dma_wait3A_262 = tpu.memref_slice %arg10[%add3A_77, %dma_wait3A_261] : memref<10240x128xf32, #tpu.memory_space<vmem_shared>> -> memref<32x128xf32, #tpu.memory_space<vmem_shared>>
      %dma_wait3A_263 = arith.constant 0 : i32
      %dma_wait3A_264 = tpu.memref_slice %arg10[%add3A_77, %dma_wait3A_263] : memref<10240x128xf32, #tpu.memory_space<vmem_shared>> -> memref<32x128xf32, #tpu.memory_space<vmem_shared>>
      tpu.wait_dma2 semaphore(%run_scoped3A_256 : memref<!tpu.dma_semaphore, #tpu.memory_space<semaphore_mem>>) src(%arg9 : memref<32x128xf32, #tpu.memory_space<vmem>>) dst(%dma_wait3A_264 : memref<32x128xf32, #tpu.memory_space<vmem_shared>>)
      tpu.yield
    }) : () -> ()
    %mul3A_78 = arith.constant 640 : i32
    %mul3A_79 = arith.muli %arg1, %mul3A_78 : i32
    %add3A_80 = arith.constant 544 : i32
    %add3A_81 = arith.addi %mul3A_79, %add3A_80 : i32
    "tpu.region"() ({
      %run_scoped3A_256 = tpu.sem_alloc : memref<!tpu.dma_semaphore, #tpu.memory_space<semaphore_mem>>
      %dma_start3A_257 = arith.constant 0 : i32
      %dma_start3A_258 = tpu.memref_slice %arg10[%add3A_81, %dma_start3A_257] : memref<10240x128xf32, #tpu.memory_space<vmem_shared>> -> memref<32x128xf32, #tpu.memory_space<vmem_shared>>
      %dma_start3A_259 = arith.constant 0 : i32
      %dma_start3A_260 = tpu.memref_slice %arg10[%add3A_81, %dma_start3A_259] : memref<10240x128xf32, #tpu.memory_space<vmem_shared>> -> memref<32x128xf32, #tpu.memory_space<vmem_shared>>
      tpu.enqueue_dma source(%arg9 : memref<32x128xf32, #tpu.memory_space<vmem>>) target(%dma_start3A_260 : memref<32x128xf32, #tpu.memory_space<vmem_shared>>) target_semaphore(%run_scoped3A_256 : memref<!tpu.dma_semaphore, #tpu.memory_space<semaphore_mem>>)
      %dma_wait3A_261 = arith.constant 0 : i32
      %dma_wait3A_262 = tpu.memref_slice %arg10[%add3A_81, %dma_wait3A_261] : memref<10240x128xf32, #tpu.memory_space<vmem_shared>> -> memref<32x128xf32, #tpu.memory_space<vmem_shared>>
      %dma_wait3A_263 = arith.constant 0 : i32
      %dma_wait3A_264 = tpu.memref_slice %arg10[%add3A_81, %dma_wait3A_263] : memref<10240x128xf32, #tpu.memory_space<vmem_shared>> -> memref<32x128xf32, #tpu.memory_space<vmem_shared>>
      tpu.wait_dma2 semaphore(%run_scoped3A_256 : memref<!tpu.dma_semaphore, #tpu.memory_space<semaphore_mem>>) src(%arg9 : memref<32x128xf32, #tpu.memory_space<vmem>>) dst(%dma_wait3A_264 : memref<32x128xf32, #tpu.memory_space<vmem_shared>>)
      tpu.yield
    }) : () -> ()
    %mul3A_82 = arith.constant 640 : i32
    %mul3A_83 = arith.muli %arg1, %mul3A_82 : i32
    %add3A_84 = arith.constant 576 : i32
    %add3A_85 = arith.addi %mul3A_83, %add3A_84 : i32
    "tpu.region"() ({
      %run_scoped3A_256 = tpu.sem_alloc : memref<!tpu.dma_semaphore, #tpu.memory_space<semaphore_mem>>
      %dma_start3A_257 = arith.constant 0 : i32
      %dma_start3A_258 = tpu.memref_slice %arg10[%add3A_85, %dma_start3A_257] : memref<10240x128xf32, #tpu.memory_space<vmem_shared>> -> memref<32x128xf32, #tpu.memory_space<vmem_shared>>
      %dma_start3A_259 = arith.constant 0 : i32
      %dma_start3A_260 = tpu.memref_slice %arg10[%add3A_85, %dma_start3A_259] : memref<10240x128xf32, #tpu.memory_space<vmem_shared>> -> memref<32x128xf32, #tpu.memory_space<vmem_shared>>
      tpu.enqueue_dma source(%arg9 : memref<32x128xf32, #tpu.memory_space<vmem>>) target(%dma_start3A_260 : memref<32x128xf32, #tpu.memory_space<vmem_shared>>) target_semaphore(%run_scoped3A_256 : memref<!tpu.dma_semaphore, #tpu.memory_space<semaphore_mem>>)
      %dma_wait3A_261 = arith.constant 0 : i32
      %dma_wait3A_262 = tpu.memref_slice %arg10[%add3A_85, %dma_wait3A_261] : memref<10240x128xf32, #tpu.memory_space<vmem_shared>> -> memref<32x128xf32, #tpu.memory_space<vmem_shared>>
      %dma_wait3A_263 = arith.constant 0 : i32
      %dma_wait3A_264 = tpu.memref_slice %arg10[%add3A_85, %dma_wait3A_263] : memref<10240x128xf32, #tpu.memory_space<vmem_shared>> -> memref<32x128xf32, #tpu.memory_space<vmem_shared>>
      tpu.wait_dma2 semaphore(%run_scoped3A_256 : memref<!tpu.dma_semaphore, #tpu.memory_space<semaphore_mem>>) src(%arg9 : memref<32x128xf32, #tpu.memory_space<vmem>>) dst(%dma_wait3A_264 : memref<32x128xf32, #tpu.memory_space<vmem_shared>>)
      tpu.yield
    }) : () -> ()
    %mul3A_86 = arith.constant 640 : i32
    %mul3A_87 = arith.muli %arg1, %mul3A_86 : i32
    %add3A_88 = arith.constant 608 : i32
    %add3A_89 = arith.addi %mul3A_87, %add3A_88 : i32
    "tpu.region"() ({
      %run_scoped3A_256 = tpu.sem_alloc : memref<!tpu.dma_semaphore, #tpu.memory_space<semaphore_mem>>
      %dma_start3A_257 = arith.constant 0 : i32
      %dma_start3A_258 = tpu.memref_slice %arg10[%add3A_89, %dma_start3A_257] : memref<10240x128xf32, #tpu.memory_space<vmem_shared>> -> memref<32x128xf32, #tpu.memory_space<vmem_shared>>
      %dma_start3A_259 = arith.constant 0 : i32
      %dma_start3A_260 = tpu.memref_slice %arg10[%add3A_89, %dma_start3A_259] : memref<10240x128xf32, #tpu.memory_space<vmem_shared>> -> memref<32x128xf32, #tpu.memory_space<vmem_shared>>
      tpu.enqueue_dma source(%arg9 : memref<32x128xf32, #tpu.memory_space<vmem>>) target(%dma_start3A_260 : memref<32x128xf32, #tpu.memory_space<vmem_shared>>) target_semaphore(%run_scoped3A_256 : memref<!tpu.dma_semaphore, #tpu.memory_space<semaphore_mem>>)
      %dma_wait3A_261 = arith.constant 0 : i32
      %dma_wait3A_262 = tpu.memref_slice %arg10[%add3A_89, %dma_wait3A_261] : memref<10240x128xf32, #tpu.memory_space<vmem_shared>> -> memref<32x128xf32, #tpu.memory_space<vmem_shared>>
      %dma_wait3A_263 = arith.constant 0 : i32
      %dma_wait3A_264 = tpu.memref_slice %arg10[%add3A_89, %dma_wait3A_263] : memref<10240x128xf32, #tpu.memory_space<vmem_shared>> -> memref<32x128xf32, #tpu.memory_space<vmem_shared>>
      tpu.wait_dma2 semaphore(%run_scoped3A_256 : memref<!tpu.dma_semaphore, #tpu.memory_space<semaphore_mem>>) src(%arg9 : memref<32x128xf32, #tpu.memory_space<vmem>>) dst(%dma_wait3A_264 : memref<32x128xf32, #tpu.memory_space<vmem_shared>>)
      tpu.yield
    }) : () -> ()
    %barrier3A = arith.constant 0 : index
    tpu.barrier barrier_id(%barrier3A)
    %dma_start3A = arith.constant 0 : i32
    %dma_start3A_90 = arith.constant 0 : i32
    %dma_start3A_91 = arith.constant 0 : i32
    %dma_start3A_92 = arith.constant 0 : i32
    %dma_start3A_93 = tpu.memref_slice %arg8[%dma_start3A_90, %dma_start3A_91, %dma_start3A_92] : memref<1x128x128xf32, #tpu.memory_space<vmem>> -> memref<1x128x128xf32, #tpu.memory_space<vmem>>
    %dma_start3A_94 = tpu.memref_squeeze %dma_start3A_93 : memref<1x128x128xf32, #tpu.memory_space<vmem>> -> memref<128x128xf32, #tpu.memory_space<vmem>>
    %dma_start3A_95 = arith.constant 0 : i32
    %dma_start3A_96 = tpu.memref_slice %arg6[%dma_start3A, %dma_start3A_95] : memref<84x128xi32, #tpu.memory_space<vmem>> -> memref<1x128xi32, #tpu.memory_space<vmem>>
    %dma_start3A_97 = tpu.memref_squeeze %dma_start3A_96 : memref<1x128xi32, #tpu.memory_space<vmem>> -> memref<128xi32, #tpu.memory_space<vmem>>
    %dma_start3A_98 = arith.constant 0 : i32
    %dma_start3A_99 = arith.constant 0 : i32
    %dma_start3A_100 = tpu.memref_slice %arg2[%dma_start3A_98, %dma_start3A_99] : memref<40960x128xf32, #tpu.memory_space<hbm>> -> memref<40960x128xf32, #tpu.memory_space<hbm>>
    tpu.enqueue_indirect_dma source(%dma_start3A_100 : memref<40960x128xf32, #tpu.memory_space<hbm>>) target(%dma_start3A_94 : memref<128x128xf32, #tpu.memory_space<vmem>>) offsets(%dma_start3A_97 : memref<128xi32, #tpu.memory_space<vmem>>) semaphore(%arg11 : memref<!tpu.dma_semaphore, #tpu.memory_space<semaphore_mem>>)
    %scan3A_101 = arith.constant 0 : i32
    %scan3A_102 = arith.constant 83 : i32
    %scan3A_103 = arith.addi %scan3A_101, %scan3A_102 : i32
    %scan3A_104 = arith.constant 1 : i32
    scf.for %scan3A_256 = %scan3A_101 to %scan3A_103 step %scan3A_104  : i32 {
      %mul3A_257 = arith.constant 1 : i32
      %mul3A_258 = arith.muli %scan3A_256, %mul3A_257 : i32
      %add3A_259 = arith.constant 0 : i32
      %add3A_260 = arith.addi %add3A_259, %mul3A_258 : i32
      %mul3A_261 = arith.constant 1 : i32
      %mul3A_262 = arith.muli %add3A_260, %mul3A_261 : i32
      %add3A_263 = arith.constant 0 : i32
      %add3A_264 = arith.addi %mul3A_262, %add3A_263 : i32
      %dma_wait3A_265 = arith.constant 0 : i32
      %dma_wait3A_266 = arith.constant 0 : i32
      %dma_wait3A_267 = arith.constant 0 : i32
      %dma_wait3A_268 = tpu.memref_slice %arg8[%dma_wait3A_265, %dma_wait3A_266, %dma_wait3A_267] : memref<1x128x128xf32, #tpu.memory_space<vmem>> -> memref<1x128x128xf32, #tpu.memory_space<vmem>>
      %dma_wait3A_269 = tpu.memref_squeeze %dma_wait3A_268 : memref<1x128x128xf32, #tpu.memory_space<vmem>> -> memref<128x128xf32, #tpu.memory_space<vmem>>
      %dma_wait3A_270 = arith.constant 0 : i32
      %dma_wait3A_271 = tpu.memref_slice %arg6[%add3A_264, %dma_wait3A_270] : memref<84x128xi32, #tpu.memory_space<vmem>> -> memref<1x128xi32, #tpu.memory_space<vmem>>
      %dma_wait3A_272 = tpu.memref_squeeze %dma_wait3A_271 : memref<1x128xi32, #tpu.memory_space<vmem>> -> memref<128xi32, #tpu.memory_space<vmem>>
      %dma_wait3A_273 = arith.constant 0 : i32
      %dma_wait3A_274 = arith.constant 0 : i32
      %dma_wait3A_275 = tpu.memref_slice %arg2[%dma_wait3A_273, %dma_wait3A_274] : memref<40960x128xf32, #tpu.memory_space<hbm>> -> memref<40960x128xf32, #tpu.memory_space<hbm>>
      tpu.wait_indirect_dma semaphore(%arg11 : memref<!tpu.dma_semaphore, #tpu.memory_space<semaphore_mem>>) src(%dma_wait3A_275 : memref<40960x128xf32, #tpu.memory_space<hbm>>) dst(%dma_wait3A_269 : memref<128x128xf32, #tpu.memory_space<vmem>>)
      %run_scoped3A_276 = arith.constant 0 : i32
      "tpu.region"() ({
        %run_scoped3A_290 = tpu.sem_alloc : memref<!tpu.dma_semaphore, #tpu.memory_space<semaphore_mem>>
        %dma_start3A_291 = arith.constant 0 : i32
        %dma_start3A_292 = arith.constant 0 : i32
        %dma_start3A_293 = tpu.memref_slice %arg8[%run_scoped3A_276, %dma_start3A_291, %dma_start3A_292] : memref<1x128x128xf32, #tpu.memory_space<vmem>> -> memref<1x128x128xf32, #tpu.memory_space<vmem>>
        %dma_start3A_294 = tpu.memref_squeeze %dma_start3A_293 : memref<1x128x128xf32, #tpu.memory_space<vmem>> -> memref<128x128xf32, #tpu.memory_space<vmem>>
        %dma_start3A_295 = arith.constant 0 : i32
        %dma_start3A_296 = tpu.memref_slice %arg7[%add3A_264, %dma_start3A_295] : memref<84x128xi32, #tpu.memory_space<vmem>> -> memref<1x128xi32, #tpu.memory_space<vmem>>
        %dma_start3A_297 = tpu.memref_squeeze %dma_start3A_296 : memref<1x128xi32, #tpu.memory_space<vmem>> -> memref<128xi32, #tpu.memory_space<vmem>>
        %dma_start3A_298 = arith.constant 0 : i32
        %dma_start3A_299 = arith.constant 0 : i32
        %dma_start3A_300 = tpu.memref_slice %arg10[%dma_start3A_298, %dma_start3A_299] : memref<10240x128xf32, #tpu.memory_space<vmem_shared>> -> memref<10240x128xf32, #tpu.memory_space<vmem_shared>>
        tpu.enqueue_indirect_dma source(%dma_start3A_294 : memref<128x128xf32, #tpu.memory_space<vmem>>) target(%dma_start3A_300 : memref<10240x128xf32, #tpu.memory_space<vmem_shared>>) offsets(%dma_start3A_297 : memref<128xi32, #tpu.memory_space<vmem>>) semaphore(%run_scoped3A_290 : memref<!tpu.dma_semaphore, #tpu.memory_space<semaphore_mem>>) {add = true}
        %dma_wait3A_301 = arith.constant 0 : i32
        %dma_wait3A_302 = arith.constant 0 : i32
        %dma_wait3A_303 = tpu.memref_slice %arg8[%run_scoped3A_276, %dma_wait3A_301, %dma_wait3A_302] : memref<1x128x128xf32, #tpu.memory_space<vmem>> -> memref<1x128x128xf32, #tpu.memory_space<vmem>>
        %dma_wait3A_304 = tpu.memref_squeeze %dma_wait3A_303 : memref<1x128x128xf32, #tpu.memory_space<vmem>> -> memref<128x128xf32, #tpu.memory_space<vmem>>
        %dma_wait3A_305 = arith.constant 0 : i32
        %dma_wait3A_306 = tpu.memref_slice %arg7[%add3A_264, %dma_wait3A_305] : memref<84x128xi32, #tpu.memory_space<vmem>> -> memref<1x128xi32, #tpu.memory_space<vmem>>
        %dma_wait3A_307 = tpu.memref_squeeze %dma_wait3A_306 : memref<1x128xi32, #tpu.memory_space<vmem>> -> memref<128xi32, #tpu.memory_space<vmem>>
        %dma_wait3A_308 = arith.constant 0 : i32
        %dma_wait3A_309 = arith.constant 0 : i32
        %dma_wait3A_310 = tpu.memref_slice %arg10[%dma_wait3A_308, %dma_wait3A_309] : memref<10240x128xf32, #tpu.memory_space<vmem_shared>> -> memref<10240x128xf32, #tpu.memory_space<vmem_shared>>
        tpu.wait_indirect_dma semaphore(%run_scoped3A_290 : memref<!tpu.dma_semaphore, #tpu.memory_space<semaphore_mem>>) src(%dma_wait3A_304 : memref<128x128xf32, #tpu.memory_space<vmem>>) dst(%dma_wait3A_310 : memref<10240x128xf32, #tpu.memory_space<vmem_shared>>)
        tpu.yield
      }) : () -> ()
      %add3A_277 = arith.constant 1 : i32
      %add3A_278 = arith.addi %add3A_264, %add3A_277 : i32
      %dma_start3A_279 = arith.constant 0 : i32
      %dma_start3A_280 = arith.constant 0 : i32
      %dma_start3A_281 = arith.constant 0 : i32
      %dma_start3A_282 = tpu.memref_slice %arg8[%dma_start3A_279, %dma_start3A_280, %dma_start3A_281] : memref<1x128x128xf32, #tpu.memory_space<vmem>> -> memref<1x128x128xf32, #tpu.memory_space<vmem>>
      %dma_start3A_283 = tpu.memref_squeeze %dma_start3A_282 : memref<1x128x128xf32, #tpu.memory_space<vmem>> -> memref<128x128xf32, #tpu.memory_space<vmem>>
      %dma_start3A_284 = arith.constant 0 : i32
      %dma_start3A_285 = tpu.memref_slice %arg6[%add3A_278, %dma_start3A_284] : memref<84x128xi32, #tpu.memory_space<vmem>> -> memref<1x128xi32, #tpu.memory_space<vmem>>
      %dma_start3A_286 = tpu.memref_squeeze %dma_start3A_285 : memref<1x128xi32, #tpu.memory_space<vmem>> -> memref<128xi32, #tpu.memory_space<vmem>>
      %dma_start3A_287 = arith.constant 0 : i32
      %dma_start3A_288 = arith.constant 0 : i32
      %dma_start3A_289 = tpu.memref_slice %arg2[%dma_start3A_287, %dma_start3A_288] : memref<40960x128xf32, #tpu.memory_space<hbm>> -> memref<40960x128xf32, #tpu.memory_space<hbm>>
      tpu.enqueue_indirect_dma source(%dma_start3A_289 : memref<40960x128xf32, #tpu.memory_space<hbm>>) target(%dma_start3A_283 : memref<128x128xf32, #tpu.memory_space<vmem>>) offsets(%dma_start3A_286 : memref<128xi32, #tpu.memory_space<vmem>>) semaphore(%arg11 : memref<!tpu.dma_semaphore, #tpu.memory_space<semaphore_mem>>)
    }
    %scan3A_105 = arith.constant 83 : i32
    %dma_wait3A = arith.constant 83 : i32
    %dma_wait3A_106 = arith.constant 0 : i32
    %dma_wait3A_107 = arith.constant 0 : i32
    %dma_wait3A_108 = arith.constant 0 : i32
    %dma_wait3A_109 = tpu.memref_slice %arg8[%dma_wait3A_106, %dma_wait3A_107, %dma_wait3A_108] : memref<1x128x128xf32, #tpu.memory_space<vmem>> -> memref<1x128x128xf32, #tpu.memory_space<vmem>>
    %dma_wait3A_110 = tpu.memref_squeeze %dma_wait3A_109 : memref<1x128x128xf32, #tpu.memory_space<vmem>> -> memref<128x128xf32, #tpu.memory_space<vmem>>
    %dma_wait3A_111 = arith.constant 0 : i32
    %dma_wait3A_112 = tpu.memref_slice %arg6[%dma_wait3A, %dma_wait3A_111] : memref<84x128xi32, #tpu.memory_space<vmem>> -> memref<1x128xi32, #tpu.memory_space<vmem>>
    %dma_wait3A_113 = tpu.memref_squeeze %dma_wait3A_112 : memref<1x128xi32, #tpu.memory_space<vmem>> -> memref<128xi32, #tpu.memory_space<vmem>>
    %dma_wait3A_114 = arith.constant 0 : i32
    %dma_wait3A_115 = arith.constant 0 : i32
    %dma_wait3A_116 = tpu.memref_slice %arg2[%dma_wait3A_114, %dma_wait3A_115] : memref<40960x128xf32, #tpu.memory_space<hbm>> -> memref<40960x128xf32, #tpu.memory_space<hbm>>
    tpu.wait_indirect_dma semaphore(%arg11 : memref<!tpu.dma_semaphore, #tpu.memory_space<semaphore_mem>>) src(%dma_wait3A_116 : memref<40960x128xf32, #tpu.memory_space<hbm>>) dst(%dma_wait3A_110 : memref<128x128xf32, #tpu.memory_space<vmem>>)
    %run_scoped3A = arith.constant 0 : i32
    %run_scoped3A_117 = arith.constant 83 : i32
    "tpu.region"() ({
      %run_scoped3A_256 = tpu.sem_alloc : memref<!tpu.dma_semaphore, #tpu.memory_space<semaphore_mem>>
      %dma_start3A_257 = arith.constant 0 : i32
      %dma_start3A_258 = arith.constant 0 : i32
      %dma_start3A_259 = tpu.memref_slice %arg8[%run_scoped3A, %dma_start3A_257, %dma_start3A_258] : memref<1x128x128xf32, #tpu.memory_space<vmem>> -> memref<1x128x128xf32, #tpu.memory_space<vmem>>
      %dma_start3A_260 = tpu.memref_squeeze %dma_start3A_259 : memref<1x128x128xf32, #tpu.memory_space<vmem>> -> memref<128x128xf32, #tpu.memory_space<vmem>>
      %dma_start3A_261 = arith.constant 0 : i32
      %dma_start3A_262 = tpu.memref_slice %arg7[%run_scoped3A_117, %dma_start3A_261] : memref<84x128xi32, #tpu.memory_space<vmem>> -> memref<1x128xi32, #tpu.memory_space<vmem>>
      %dma_start3A_263 = tpu.memref_squeeze %dma_start3A_262 : memref<1x128xi32, #tpu.memory_space<vmem>> -> memref<128xi32, #tpu.memory_space<vmem>>
      %dma_start3A_264 = arith.constant 0 : i32
      %dma_start3A_265 = arith.constant 0 : i32
      %dma_start3A_266 = tpu.memref_slice %arg10[%dma_start3A_264, %dma_start3A_265] : memref<10240x128xf32, #tpu.memory_space<vmem_shared>> -> memref<10240x128xf32, #tpu.memory_space<vmem_shared>>
      tpu.enqueue_indirect_dma source(%dma_start3A_260 : memref<128x128xf32, #tpu.memory_space<vmem>>) target(%dma_start3A_266 : memref<10240x128xf32, #tpu.memory_space<vmem_shared>>) offsets(%dma_start3A_263 : memref<128xi32, #tpu.memory_space<vmem>>) semaphore(%run_scoped3A_256 : memref<!tpu.dma_semaphore, #tpu.memory_space<semaphore_mem>>) {add = true}
      %dma_wait3A_267 = arith.constant 0 : i32
      %dma_wait3A_268 = arith.constant 0 : i32
      %dma_wait3A_269 = tpu.memref_slice %arg8[%run_scoped3A, %dma_wait3A_267, %dma_wait3A_268] : memref<1x128x128xf32, #tpu.memory_space<vmem>> -> memref<1x128x128xf32, #tpu.memory_space<vmem>>
      %dma_wait3A_270 = tpu.memref_squeeze %dma_wait3A_269 : memref<1x128x128xf32, #tpu.memory_space<vmem>> -> memref<128x128xf32, #tpu.memory_space<vmem>>
      %dma_wait3A_271 = arith.constant 0 : i32
      %dma_wait3A_272 = tpu.memref_slice %arg7[%run_scoped3A_117, %dma_wait3A_271] : memref<84x128xi32, #tpu.memory_space<vmem>> -> memref<1x128xi32, #tpu.memory_space<vmem>>
      %dma_wait3A_273 = tpu.memref_squeeze %dma_wait3A_272 : memref<1x128xi32, #tpu.memory_space<vmem>> -> memref<128xi32, #tpu.memory_space<vmem>>
      %dma_wait3A_274 = arith.constant 0 : i32
      %dma_wait3A_275 = arith.constant 0 : i32
      %dma_wait3A_276 = tpu.memref_slice %arg10[%dma_wait3A_274, %dma_wait3A_275] : memref<10240x128xf32, #tpu.memory_space<vmem_shared>> -> memref<10240x128xf32, #tpu.memory_space<vmem_shared>>
      tpu.wait_indirect_dma semaphore(%run_scoped3A_256 : memref<!tpu.dma_semaphore, #tpu.memory_space<semaphore_mem>>) src(%dma_wait3A_270 : memref<128x128xf32, #tpu.memory_space<vmem>>) dst(%dma_wait3A_276 : memref<10240x128xf32, #tpu.memory_space<vmem_shared>>)
      tpu.yield
    }) : () -> ()
    %barrier3A_118 = arith.constant 0 : index
    tpu.barrier barrier_id(%barrier3A_118)
    %mul3A_119 = arith.constant 640 : i32
    %mul3A_120 = arith.muli %arg1, %mul3A_119 : i32
    %add3A_121 = arith.constant 0 : i32
    %add3A_122 = arith.addi %add3A_121, %arg0 : i32
    %mul3A_123 = arith.constant 10240 : i32
    %mul3A_124 = arith.muli %add3A_122, %mul3A_123 : i32
    %mul3A_125 = arith.constant 640 : i32
    %mul3A_126 = arith.muli %arg1, %mul3A_125 : i32
    %add3A_127 = arith.addi %mul3A_124, %mul3A_126 : i32
    "tpu.region"() ({
      %run_scoped3A_256 = tpu.sem_alloc : memref<!tpu.dma_semaphore, #tpu.memory_space<semaphore_mem>>
      %dma_start3A_257 = arith.constant 0 : i32
      %dma_start3A_258 = tpu.memref_slice %arg5[%add3A_127, %dma_start3A_257] : memref<40960x128xf32, #tpu.memory_space<hbm>> -> memref<640x128xf32, #tpu.memory_space<hbm>>
      %dma_start3A_259 = arith.constant 0 : i32
      %dma_start3A_260 = tpu.memref_slice %arg10[%mul3A_120, %dma_start3A_259] : memref<10240x128xf32, #tpu.memory_space<vmem_shared>> -> memref<640x128xf32, #tpu.memory_space<vmem_shared>>
      tpu.enqueue_dma source(%dma_start3A_260 : memref<640x128xf32, #tpu.memory_space<vmem_shared>>) target(%dma_start3A_258 : memref<640x128xf32, #tpu.memory_space<hbm>>) target_semaphore(%run_scoped3A_256 : memref<!tpu.dma_semaphore, #tpu.memory_space<semaphore_mem>>)
      %dma_wait3A_261 = arith.constant 0 : i32
      %dma_wait3A_262 = tpu.memref_slice %arg5[%add3A_127, %dma_wait3A_261] : memref<40960x128xf32, #tpu.memory_space<hbm>> -> memref<640x128xf32, #tpu.memory_space<hbm>>
      %dma_wait3A_263 = arith.constant 0 : i32
      %dma_wait3A_264 = tpu.memref_slice %arg10[%mul3A_120, %dma_wait3A_263] : memref<10240x128xf32, #tpu.memory_space<vmem_shared>> -> memref<640x128xf32, #tpu.memory_space<vmem_shared>>
      tpu.wait_dma2 semaphore(%run_scoped3A_256 : memref<!tpu.dma_semaphore, #tpu.memory_space<semaphore_mem>>) src(%dma_wait3A_264 : memref<640x128xf32, #tpu.memory_space<vmem_shared>>) dst(%dma_wait3A_262 : memref<640x128xf32, #tpu.memory_space<hbm>>)
      tpu.yield
    }) : () -> ()
    %barrier3A_128 = arith.constant 0 : index
    tpu.barrier barrier_id(%barrier3A_128)
    %scan3A_129 = arith.constant 0 : i32
    %scan3A_130 = arith.constant 672 : i32
    %scan3A_131 = arith.addi %scan3A_129, %scan3A_130 : i32
    %scan3A_132 = arith.constant 1 : i32
    scf.for %scan3A_256 = %scan3A_129 to %scan3A_131 step %scan3A_132  : i32 {
      %mul3A_257 = arith.constant 1 : i32
      %mul3A_258 = arith.muli %scan3A_256, %mul3A_257 : i32
      %add3A_259 = arith.constant 0 : i32
      %add3A_260 = arith.addi %add3A_259, %mul3A_258 : i32
      %jit3A = arith.constant 8 : i32
      %div3A = arith.divsi %add3A_260, %jit3A : i32
      %sign3A = arith.constant 0 : i32
      %sign3A_261 = arith.cmpi sgt, %add3A_260, %sign3A : i32
      %sign3A_262 = arith.extui %sign3A_261 : i1 to i32
      %sign3A_263 = arith.constant 0 : i32
      %sign3A_264 = arith.cmpi slt, %add3A_260, %sign3A_263 : i32
      %sign3A_265 = arith.extui %sign3A_264 : i1 to i32
      %sign3A_266 = arith.subi %sign3A_262, %sign3A_265 : i32
      %sign3A_267 = arith.constant 0 : i32
      %sign3A_268 = arith.cmpi sgt, %jit3A, %sign3A_267 : i32
      %sign3A_269 = arith.extui %sign3A_268 : i1 to i32
      %sign3A_270 = arith.constant 0 : i32
      %sign3A_271 = arith.cmpi slt, %jit3A, %sign3A_270 : i32
      %sign3A_272 = arith.extui %sign3A_271 : i1 to i32
      %sign3A_273 = arith.subi %sign3A_269, %sign3A_272 : i32
      %ne3A = arith.cmpi ne, %sign3A_266, %sign3A_273 : i32
      %rem3A = arith.remsi %add3A_260, %jit3A : i32
      %ne3A_274 = arith.constant 0 : i32
      %ne3A_275 = arith.cmpi ne, %rem3A, %ne3A_274 : i32
      %and3A = arith.andi %ne3A, %ne3A_275 : i1
      %sub3A = arith.constant 1 : i32
      %sub3A_276 = arith.subi %div3A, %sub3A : i32
      %select_n3A = arith.select %and3A, %sub3A_276, %div3A : i32
      %jit3A_277 = arith.constant 8 : i32
      %eq3A = arith.constant 0 : i32
      %eq3A_278 = arith.cmpi eq, %jit3A_277, %eq3A : i32
      %jit3A_279 = arith.constant 1 : i32
      %select_n3A_280 = arith.select %eq3A_278, %jit3A_279, %jit3A_277 : i32
      %rem3A_281 = arith.remsi %add3A_260, %select_n3A_280 : i32
      %ne3A_282 = arith.constant 0 : i32
      %ne3A_283 = arith.cmpi ne, %rem3A_281, %ne3A_282 : i32
      %lt3A = arith.constant 0 : i32
      %lt3A_284 = arith.cmpi slt, %rem3A_281, %lt3A : i32
      %lt3A_285 = arith.constant 0 : i32
      %lt3A_286 = arith.cmpi slt, %select_n3A_280, %lt3A_285 : i32
      %ne3A_287 = arith.xori %lt3A_284, %lt3A_286 : i1
      %and3A_288 = arith.andi %ne3A_287, %ne3A_283 : i1
      %add3A_289 = arith.addi %rem3A_281, %select_n3A_280 : i32
      %select_n3A_290 = arith.select %and3A_288, %add3A_289, %rem3A_281 : i32
      %mul3A_291 = arith.constant 16 : i32
      %mul3A_292 = arith.muli %select_n3A_290, %mul3A_291 : i32
      %get3A = arith.index_cast %select_n3A : i32 to index
      %get3A_293 = arith.index_cast %mul3A_292 : i32 to index
      %get3A_294 = tpu.vector_load %arg6[%get3A, %get3A_293] {strides = array<i32>} : memref<84x128xi32, #tpu.memory_space<vmem>>, vector<16xi32>,
      %add3A_295 = arith.constant 20480 : i32
      %add3A_296 = vector.broadcast %add3A_295 : i32 to vector<16xi32>
      %add3A_297 = arith.addi %get3A_294, %add3A_296 : vector<16xi32>
      %swap3A = arith.index_cast %select_n3A : i32 to index
      %swap3A_298 = arith.index_cast %mul3A_292 : i32 to index
      %swap3A_299 = tpu.vector_load %arg6[%swap3A, %swap3A_298] {strides = array<i32>} : memref<84x128xi32, #tpu.memory_space<vmem>>, vector<16xi32>,
      tpu.vector_store %arg6[%swap3A, %swap3A_298], %add3A_297 {strides = array<i32>} : memref<84x128xi32, #tpu.memory_space<vmem>>, vector<16xi32>,
    }
    %scan3A_133 = arith.constant 672 : i32
    %mul3A_134 = arith.constant 640 : i32
    %mul3A_135 = arith.muli %arg1, %mul3A_134 : i32
    %add3A_136 = arith.constant 0 : i32
    %add3A_137 = arith.addi %mul3A_135, %add3A_136 : i32
    "tpu.region"() ({
      %run_scoped3A_256 = tpu.sem_alloc : memref<!tpu.dma_semaphore, #tpu.memory_space<semaphore_mem>>
      %dma_start3A_257 = arith.constant 0 : i32
      %dma_start3A_258 = tpu.memref_slice %arg10[%add3A_137, %dma_start3A_257] : memref<10240x128xf32, #tpu.memory_space<vmem_shared>> -> memref<32x128xf32, #tpu.memory_space<vmem_shared>>
      %dma_start3A_259 = arith.constant 0 : i32
      %dma_start3A_260 = tpu.memref_slice %arg10[%add3A_137, %dma_start3A_259] : memref<10240x128xf32, #tpu.memory_space<vmem_shared>> -> memref<32x128xf32, #tpu.memory_space<vmem_shared>>
      tpu.enqueue_dma source(%arg9 : memref<32x128xf32, #tpu.memory_space<vmem>>) target(%dma_start3A_260 : memref<32x128xf32, #tpu.memory_space<vmem_shared>>) target_semaphore(%run_scoped3A_256 : memref<!tpu.dma_semaphore, #tpu.memory_space<semaphore_mem>>)
      %dma_wait3A_261 = arith.constant 0 : i32
      %dma_wait3A_262 = tpu.memref_slice %arg10[%add3A_137, %dma_wait3A_261] : memref<10240x128xf32, #tpu.memory_space<vmem_shared>> -> memref<32x128xf32, #tpu.memory_space<vmem_shared>>
      %dma_wait3A_263 = arith.constant 0 : i32
      %dma_wait3A_264 = tpu.memref_slice %arg10[%add3A_137, %dma_wait3A_263] : memref<10240x128xf32, #tpu.memory_space<vmem_shared>> -> memref<32x128xf32, #tpu.memory_space<vmem_shared>>
      tpu.wait_dma2 semaphore(%run_scoped3A_256 : memref<!tpu.dma_semaphore, #tpu.memory_space<semaphore_mem>>) src(%arg9 : memref<32x128xf32, #tpu.memory_space<vmem>>) dst(%dma_wait3A_264 : memref<32x128xf32, #tpu.memory_space<vmem_shared>>)
      tpu.yield
    }) : () -> ()
    %mul3A_138 = arith.constant 640 : i32
    %mul3A_139 = arith.muli %arg1, %mul3A_138 : i32
    %add3A_140 = arith.constant 32 : i32
    %add3A_141 = arith.addi %mul3A_139, %add3A_140 : i32
    "tpu.region"() ({
      %run_scoped3A_256 = tpu.sem_alloc : memref<!tpu.dma_semaphore, #tpu.memory_space<semaphore_mem>>
      %dma_start3A_257 = arith.constant 0 : i32
      %dma_start3A_258 = tpu.memref_slice %arg10[%add3A_141, %dma_start3A_257] : memref<10240x128xf32, #tpu.memory_space<vmem_shared>> -> memref<32x128xf32, #tpu.memory_space<vmem_shared>>
      %dma_start3A_259 = arith.constant 0 : i32
      %dma_start3A_260 = tpu.memref_slice %arg10[%add3A_141, %dma_start3A_259] : memref<10240x128xf32, #tpu.memory_space<vmem_shared>> -> memref<32x128xf32, #tpu.memory_space<vmem_shared>>
      tpu.enqueue_dma source(%arg9 : memref<32x128xf32, #tpu.memory_space<vmem>>) target(%dma_start3A_260 : memref<32x128xf32, #tpu.memory_space<vmem_shared>>) target_semaphore(%run_scoped3A_256 : memref<!tpu.dma_semaphore, #tpu.memory_space<semaphore_mem>>)
      %dma_wait3A_261 = arith.constant 0 : i32
      %dma_wait3A_262 = tpu.memref_slice %arg10[%add3A_141, %dma_wait3A_261] : memref<10240x128xf32, #tpu.memory_space<vmem_shared>> -> memref<32x128xf32, #tpu.memory_space<vmem_shared>>
      %dma_wait3A_263 = arith.constant 0 : i32
      %dma_wait3A_264 = tpu.memref_slice %arg10[%add3A_141, %dma_wait3A_263] : memref<10240x128xf32, #tpu.memory_space<vmem_shared>> -> memref<32x128xf32, #tpu.memory_space<vmem_shared>>
      tpu.wait_dma2 semaphore(%run_scoped3A_256 : memref<!tpu.dma_semaphore, #tpu.memory_space<semaphore_mem>>) src(%arg9 : memref<32x128xf32, #tpu.memory_space<vmem>>) dst(%dma_wait3A_264 : memref<32x128xf32, #tpu.memory_space<vmem_shared>>)
      tpu.yield
    }) : () -> ()
    %mul3A_142 = arith.constant 640 : i32
    %mul3A_143 = arith.muli %arg1, %mul3A_142 : i32
    %add3A_144 = arith.constant 64 : i32
    %add3A_145 = arith.addi %mul3A_143, %add3A_144 : i32
    "tpu.region"() ({
      %run_scoped3A_256 = tpu.sem_alloc : memref<!tpu.dma_semaphore, #tpu.memory_space<semaphore_mem>>
      %dma_start3A_257 = arith.constant 0 : i32
      %dma_start3A_258 = tpu.memref_slice %arg10[%add3A_145, %dma_start3A_257] : memref<10240x128xf32, #tpu.memory_space<vmem_shared>> -> memref<32x128xf32, #tpu.memory_space<vmem_shared>>
      %dma_start3A_259 = arith.constant 0 : i32
      %dma_start3A_260 = tpu.memref_slice %arg10[%add3A_145, %dma_start3A_259] : memref<10240x128xf32, #tpu.memory_space<vmem_shared>> -> memref<32x128xf32, #tpu.memory_space<vmem_shared>>
      tpu.enqueue_dma source(%arg9 : memref<32x128xf32, #tpu.memory_space<vmem>>) target(%dma_start3A_260 : memref<32x128xf32, #tpu.memory_space<vmem_shared>>) target_semaphore(%run_scoped3A_256 : memref<!tpu.dma_semaphore, #tpu.memory_space<semaphore_mem>>)
      %dma_wait3A_261 = arith.constant 0 : i32
      %dma_wait3A_262 = tpu.memref_slice %arg10[%add3A_145, %dma_wait3A_261] : memref<10240x128xf32, #tpu.memory_space<vmem_shared>> -> memref<32x128xf32, #tpu.memory_space<vmem_shared>>
      %dma_wait3A_263 = arith.constant 0 : i32
      %dma_wait3A_264 = tpu.memref_slice %arg10[%add3A_145, %dma_wait3A_263] : memref<10240x128xf32, #tpu.memory_space<vmem_shared>> -> memref<32x128xf32, #tpu.memory_space<vmem_shared>>
      tpu.wait_dma2 semaphore(%run_scoped3A_256 : memref<!tpu.dma_semaphore, #tpu.memory_space<semaphore_mem>>) src(%arg9 : memref<32x128xf32, #tpu.memory_space<vmem>>) dst(%dma_wait3A_264 : memref<32x128xf32, #tpu.memory_space<vmem_shared>>)
      tpu.yield
    }) : () -> ()
    %mul3A_146 = arith.constant 640 : i32
    %mul3A_147 = arith.muli %arg1, %mul3A_146 : i32
    %add3A_148 = arith.constant 96 : i32
    %add3A_149 = arith.addi %mul3A_147, %add3A_148 : i32
    "tpu.region"() ({
      %run_scoped3A_256 = tpu.sem_alloc : memref<!tpu.dma_semaphore, #tpu.memory_space<semaphore_mem>>
      %dma_start3A_257 = arith.constant 0 : i32
      %dma_start3A_258 = tpu.memref_slice %arg10[%add3A_149, %dma_start3A_257] : memref<10240x128xf32, #tpu.memory_space<vmem_shared>> -> memref<32x128xf32, #tpu.memory_space<vmem_shared>>
      %dma_start3A_259 = arith.constant 0 : i32
      %dma_start3A_260 = tpu.memref_slice %arg10[%add3A_149, %dma_start3A_259] : memref<10240x128xf32, #tpu.memory_space<vmem_shared>> -> memref<32x128xf32, #tpu.memory_space<vmem_shared>>
      tpu.enqueue_dma source(%arg9 : memref<32x128xf32, #tpu.memory_space<vmem>>) target(%dma_start3A_260 : memref<32x128xf32, #tpu.memory_space<vmem_shared>>) target_semaphore(%run_scoped3A_256 : memref<!tpu.dma_semaphore, #tpu.memory_space<semaphore_mem>>)
      %dma_wait3A_261 = arith.constant 0 : i32
      %dma_wait3A_262 = tpu.memref_slice %arg10[%add3A_149, %dma_wait3A_261] : memref<10240x128xf32, #tpu.memory_space<vmem_shared>> -> memref<32x128xf32, #tpu.memory_space<vmem_shared>>
      %dma_wait3A_263 = arith.constant 0 : i32
      %dma_wait3A_264 = tpu.memref_slice %arg10[%add3A_149, %dma_wait3A_263] : memref<10240x128xf32, #tpu.memory_space<vmem_shared>> -> memref<32x128xf32, #tpu.memory_space<vmem_shared>>
      tpu.wait_dma2 semaphore(%run_scoped3A_256 : memref<!tpu.dma_semaphore, #tpu.memory_space<semaphore_mem>>) src(%arg9 : memref<32x128xf32, #tpu.memory_space<vmem>>) dst(%dma_wait3A_264 : memref<32x128xf32, #tpu.memory_space<vmem_shared>>)
      tpu.yield
    }) : () -> ()
    %mul3A_150 = arith.constant 640 : i32
    %mul3A_151 = arith.muli %arg1, %mul3A_150 : i32
    %add3A_152 = arith.constant 128 : i32
    %add3A_153 = arith.addi %mul3A_151, %add3A_152 : i32
    "tpu.region"() ({
      %run_scoped3A_256 = tpu.sem_alloc : memref<!tpu.dma_semaphore, #tpu.memory_space<semaphore_mem>>
      %dma_start3A_257 = arith.constant 0 : i32
      %dma_start3A_258 = tpu.memref_slice %arg10[%add3A_153, %dma_start3A_257] : memref<10240x128xf32, #tpu.memory_space<vmem_shared>> -> memref<32x128xf32, #tpu.memory_space<vmem_shared>>
      %dma_start3A_259 = arith.constant 0 : i32
      %dma_start3A_260 = tpu.memref_slice %arg10[%add3A_153, %dma_start3A_259] : memref<10240x128xf32, #tpu.memory_space<vmem_shared>> -> memref<32x128xf32, #tpu.memory_space<vmem_shared>>
      tpu.enqueue_dma source(%arg9 : memref<32x128xf32, #tpu.memory_space<vmem>>) target(%dma_start3A_260 : memref<32x128xf32, #tpu.memory_space<vmem_shared>>) target_semaphore(%run_scoped3A_256 : memref<!tpu.dma_semaphore, #tpu.memory_space<semaphore_mem>>)
      %dma_wait3A_261 = arith.constant 0 : i32
      %dma_wait3A_262 = tpu.memref_slice %arg10[%add3A_153, %dma_wait3A_261] : memref<10240x128xf32, #tpu.memory_space<vmem_shared>> -> memref<32x128xf32, #tpu.memory_space<vmem_shared>>
      %dma_wait3A_263 = arith.constant 0 : i32
      %dma_wait3A_264 = tpu.memref_slice %arg10[%add3A_153, %dma_wait3A_263] : memref<10240x128xf32, #tpu.memory_space<vmem_shared>> -> memref<32x128xf32, #tpu.memory_space<vmem_shared>>
      tpu.wait_dma2 semaphore(%run_scoped3A_256 : memref<!tpu.dma_semaphore, #tpu.memory_space<semaphore_mem>>) src(%arg9 : memref<32x128xf32, #tpu.memory_space<vmem>>) dst(%dma_wait3A_264 : memref<32x128xf32, #tpu.memory_space<vmem_shared>>)
      tpu.yield
    }) : () -> ()
    %mul3A_154 = arith.constant 640 : i32
    %mul3A_155 = arith.muli %arg1, %mul3A_154 : i32
    %add3A_156 = arith.constant 160 : i32
    %add3A_157 = arith.addi %mul3A_155, %add3A_156 : i32
    "tpu.region"() ({
      %run_scoped3A_256 = tpu.sem_alloc : memref<!tpu.dma_semaphore, #tpu.memory_space<semaphore_mem>>
      %dma_start3A_257 = arith.constant 0 : i32
      %dma_start3A_258 = tpu.memref_slice %arg10[%add3A_157, %dma_start3A_257] : memref<10240x128xf32, #tpu.memory_space<vmem_shared>> -> memref<32x128xf32, #tpu.memory_space<vmem_shared>>
      %dma_start3A_259 = arith.constant 0 : i32
      %dma_start3A_260 = tpu.memref_slice %arg10[%add3A_157, %dma_start3A_259] : memref<10240x128xf32, #tpu.memory_space<vmem_shared>> -> memref<32x128xf32, #tpu.memory_space<vmem_shared>>
      tpu.enqueue_dma source(%arg9 : memref<32x128xf32, #tpu.memory_space<vmem>>) target(%dma_start3A_260 : memref<32x128xf32, #tpu.memory_space<vmem_shared>>) target_semaphore(%run_scoped3A_256 : memref<!tpu.dma_semaphore, #tpu.memory_space<semaphore_mem>>)
      %dma_wait3A_261 = arith.constant 0 : i32
      %dma_wait3A_262 = tpu.memref_slice %arg10[%add3A_157, %dma_wait3A_261] : memref<10240x128xf32, #tpu.memory_space<vmem_shared>> -> memref<32x128xf32, #tpu.memory_space<vmem_shared>>
      %dma_wait3A_263 = arith.constant 0 : i32
      %dma_wait3A_264 = tpu.memref_slice %arg10[%add3A_157, %dma_wait3A_263] : memref<10240x128xf32, #tpu.memory_space<vmem_shared>> -> memref<32x128xf32, #tpu.memory_space<vmem_shared>>
      tpu.wait_dma2 semaphore(%run_scoped3A_256 : memref<!tpu.dma_semaphore, #tpu.memory_space<semaphore_mem>>) src(%arg9 : memref<32x128xf32, #tpu.memory_space<vmem>>) dst(%dma_wait3A_264 : memref<32x128xf32, #tpu.memory_space<vmem_shared>>)
      tpu.yield
    }) : () -> ()
    %mul3A_158 = arith.constant 640 : i32
    %mul3A_159 = arith.muli %arg1, %mul3A_158 : i32
    %add3A_160 = arith.constant 192 : i32
    %add3A_161 = arith.addi %mul3A_159, %add3A_160 : i32
    "tpu.region"() ({
      %run_scoped3A_256 = tpu.sem_alloc : memref<!tpu.dma_semaphore, #tpu.memory_space<semaphore_mem>>
      %dma_start3A_257 = arith.constant 0 : i32
      %dma_start3A_258 = tpu.memref_slice %arg10[%add3A_161, %dma_start3A_257] : memref<10240x128xf32, #tpu.memory_space<vmem_shared>> -> memref<32x128xf32, #tpu.memory_space<vmem_shared>>
      %dma_start3A_259 = arith.constant 0 : i32
      %dma_start3A_260 = tpu.memref_slice %arg10[%add3A_161, %dma_start3A_259] : memref<10240x128xf32, #tpu.memory_space<vmem_shared>> -> memref<32x128xf32, #tpu.memory_space<vmem_shared>>
      tpu.enqueue_dma source(%arg9 : memref<32x128xf32, #tpu.memory_space<vmem>>) target(%dma_start3A_260 : memref<32x128xf32, #tpu.memory_space<vmem_shared>>) target_semaphore(%run_scoped3A_256 : memref<!tpu.dma_semaphore, #tpu.memory_space<semaphore_mem>>)
      %dma_wait3A_261 = arith.constant 0 : i32
      %dma_wait3A_262 = tpu.memref_slice %arg10[%add3A_161, %dma_wait3A_261] : memref<10240x128xf32, #tpu.memory_space<vmem_shared>> -> memref<32x128xf32, #tpu.memory_space<vmem_shared>>
      %dma_wait3A_263 = arith.constant 0 : i32
      %dma_wait3A_264 = tpu.memref_slice %arg10[%add3A_161, %dma_wait3A_263] : memref<10240x128xf32, #tpu.memory_space<vmem_shared>> -> memref<32x128xf32, #tpu.memory_space<vmem_shared>>
      tpu.wait_dma2 semaphore(%run_scoped3A_256 : memref<!tpu.dma_semaphore, #tpu.memory_space<semaphore_mem>>) src(%arg9 : memref<32x128xf32, #tpu.memory_space<vmem>>) dst(%dma_wait3A_264 : memref<32x128xf32, #tpu.memory_space<vmem_shared>>)
      tpu.yield
    }) : () -> ()
    %mul3A_162 = arith.constant 640 : i32
    %mul3A_163 = arith.muli %arg1, %mul3A_162 : i32
    %add3A_164 = arith.constant 224 : i32
    %add3A_165 = arith.addi %mul3A_163, %add3A_164 : i32
    "tpu.region"() ({
      %run_scoped3A_256 = tpu.sem_alloc : memref<!tpu.dma_semaphore, #tpu.memory_space<semaphore_mem>>
      %dma_start3A_257 = arith.constant 0 : i32
      %dma_start3A_258 = tpu.memref_slice %arg10[%add3A_165, %dma_start3A_257] : memref<10240x128xf32, #tpu.memory_space<vmem_shared>> -> memref<32x128xf32, #tpu.memory_space<vmem_shared>>
      %dma_start3A_259 = arith.constant 0 : i32
      %dma_start3A_260 = tpu.memref_slice %arg10[%add3A_165, %dma_start3A_259] : memref<10240x128xf32, #tpu.memory_space<vmem_shared>> -> memref<32x128xf32, #tpu.memory_space<vmem_shared>>
      tpu.enqueue_dma source(%arg9 : memref<32x128xf32, #tpu.memory_space<vmem>>) target(%dma_start3A_260 : memref<32x128xf32, #tpu.memory_space<vmem_shared>>) target_semaphore(%run_scoped3A_256 : memref<!tpu.dma_semaphore, #tpu.memory_space<semaphore_mem>>)
      %dma_wait3A_261 = arith.constant 0 : i32
      %dma_wait3A_262 = tpu.memref_slice %arg10[%add3A_165, %dma_wait3A_261] : memref<10240x128xf32, #tpu.memory_space<vmem_shared>> -> memref<32x128xf32, #tpu.memory_space<vmem_shared>>
      %dma_wait3A_263 = arith.constant 0 : i32
      %dma_wait3A_264 = tpu.memref_slice %arg10[%add3A_165, %dma_wait3A_263] : memref<10240x128xf32, #tpu.memory_space<vmem_shared>> -> memref<32x128xf32, #tpu.memory_space<vmem_shared>>
      tpu.wait_dma2 semaphore(%run_scoped3A_256 : memref<!tpu.dma_semaphore, #tpu.memory_space<semaphore_mem>>) src(%arg9 : memref<32x128xf32, #tpu.memory_space<vmem>>) dst(%dma_wait3A_264 : memref<32x128xf32, #tpu.memory_space<vmem_shared>>)
      tpu.yield
    }) : () -> ()
    %mul3A_166 = arith.constant 640 : i32
    %mul3A_167 = arith.muli %arg1, %mul3A_166 : i32
    %add3A_168 = arith.constant 256 : i32
    %add3A_169 = arith.addi %mul3A_167, %add3A_168 : i32
    "tpu.region"() ({
      %run_scoped3A_256 = tpu.sem_alloc : memref<!tpu.dma_semaphore, #tpu.memory_space<semaphore_mem>>
      %dma_start3A_257 = arith.constant 0 : i32
      %dma_start3A_258 = tpu.memref_slice %arg10[%add3A_169, %dma_start3A_257] : memref<10240x128xf32, #tpu.memory_space<vmem_shared>> -> memref<32x128xf32, #tpu.memory_space<vmem_shared>>
      %dma_start3A_259 = arith.constant 0 : i32
      %dma_start3A_260 = tpu.memref_slice %arg10[%add3A_169, %dma_start3A_259] : memref<10240x128xf32, #tpu.memory_space<vmem_shared>> -> memref<32x128xf32, #tpu.memory_space<vmem_shared>>
      tpu.enqueue_dma source(%arg9 : memref<32x128xf32, #tpu.memory_space<vmem>>) target(%dma_start3A_260 : memref<32x128xf32, #tpu.memory_space<vmem_shared>>) target_semaphore(%run_scoped3A_256 : memref<!tpu.dma_semaphore, #tpu.memory_space<semaphore_mem>>)
      %dma_wait3A_261 = arith.constant 0 : i32
      %dma_wait3A_262 = tpu.memref_slice %arg10[%add3A_169, %dma_wait3A_261] : memref<10240x128xf32, #tpu.memory_space<vmem_shared>> -> memref<32x128xf32, #tpu.memory_space<vmem_shared>>
      %dma_wait3A_263 = arith.constant 0 : i32
      %dma_wait3A_264 = tpu.memref_slice %arg10[%add3A_169, %dma_wait3A_263] : memref<10240x128xf32, #tpu.memory_space<vmem_shared>> -> memref<32x128xf32, #tpu.memory_space<vmem_shared>>
      tpu.wait_dma2 semaphore(%run_scoped3A_256 : memref<!tpu.dma_semaphore, #tpu.memory_space<semaphore_mem>>) src(%arg9 : memref<32x128xf32, #tpu.memory_space<vmem>>) dst(%dma_wait3A_264 : memref<32x128xf32, #tpu.memory_space<vmem_shared>>)
      tpu.yield
    }) : () -> ()
    %mul3A_170 = arith.constant 640 : i32
    %mul3A_171 = arith.muli %arg1, %mul3A_170 : i32
    %add3A_172 = arith.constant 288 : i32
    %add3A_173 = arith.addi %mul3A_171, %add3A_172 : i32
    "tpu.region"() ({
      %run_scoped3A_256 = tpu.sem_alloc : memref<!tpu.dma_semaphore, #tpu.memory_space<semaphore_mem>>
      %dma_start3A_257 = arith.constant 0 : i32
      %dma_start3A_258 = tpu.memref_slice %arg10[%add3A_173, %dma_start3A_257] : memref<10240x128xf32, #tpu.memory_space<vmem_shared>> -> memref<32x128xf32, #tpu.memory_space<vmem_shared>>
      %dma_start3A_259 = arith.constant 0 : i32
      %dma_start3A_260 = tpu.memref_slice %arg10[%add3A_173, %dma_start3A_259] : memref<10240x128xf32, #tpu.memory_space<vmem_shared>> -> memref<32x128xf32, #tpu.memory_space<vmem_shared>>
      tpu.enqueue_dma source(%arg9 : memref<32x128xf32, #tpu.memory_space<vmem>>) target(%dma_start3A_260 : memref<32x128xf32, #tpu.memory_space<vmem_shared>>) target_semaphore(%run_scoped3A_256 : memref<!tpu.dma_semaphore, #tpu.memory_space<semaphore_mem>>)
      %dma_wait3A_261 = arith.constant 0 : i32
      %dma_wait3A_262 = tpu.memref_slice %arg10[%add3A_173, %dma_wait3A_261] : memref<10240x128xf32, #tpu.memory_space<vmem_shared>> -> memref<32x128xf32, #tpu.memory_space<vmem_shared>>
      %dma_wait3A_263 = arith.constant 0 : i32
      %dma_wait3A_264 = tpu.memref_slice %arg10[%add3A_173, %dma_wait3A_263] : memref<10240x128xf32, #tpu.memory_space<vmem_shared>> -> memref<32x128xf32, #tpu.memory_space<vmem_shared>>
      tpu.wait_dma2 semaphore(%run_scoped3A_256 : memref<!tpu.dma_semaphore, #tpu.memory_space<semaphore_mem>>) src(%arg9 : memref<32x128xf32, #tpu.memory_space<vmem>>) dst(%dma_wait3A_264 : memref<32x128xf32, #tpu.memory_space<vmem_shared>>)
      tpu.yield
    }) : () -> ()
    %mul3A_174 = arith.constant 640 : i32
    %mul3A_175 = arith.muli %arg1, %mul3A_174 : i32
    %add3A_176 = arith.constant 320 : i32
    %add3A_177 = arith.addi %mul3A_175, %add3A_176 : i32
    "tpu.region"() ({
      %run_scoped3A_256 = tpu.sem_alloc : memref<!tpu.dma_semaphore, #tpu.memory_space<semaphore_mem>>
      %dma_start3A_257 = arith.constant 0 : i32
      %dma_start3A_258 = tpu.memref_slice %arg10[%add3A_177, %dma_start3A_257] : memref<10240x128xf32, #tpu.memory_space<vmem_shared>> -> memref<32x128xf32, #tpu.memory_space<vmem_shared>>
      %dma_start3A_259 = arith.constant 0 : i32
      %dma_start3A_260 = tpu.memref_slice %arg10[%add3A_177, %dma_start3A_259] : memref<10240x128xf32, #tpu.memory_space<vmem_shared>> -> memref<32x128xf32, #tpu.memory_space<vmem_shared>>
      tpu.enqueue_dma source(%arg9 : memref<32x128xf32, #tpu.memory_space<vmem>>) target(%dma_start3A_260 : memref<32x128xf32, #tpu.memory_space<vmem_shared>>) target_semaphore(%run_scoped3A_256 : memref<!tpu.dma_semaphore, #tpu.memory_space<semaphore_mem>>)
      %dma_wait3A_261 = arith.constant 0 : i32
      %dma_wait3A_262 = tpu.memref_slice %arg10[%add3A_177, %dma_wait3A_261] : memref<10240x128xf32, #tpu.memory_space<vmem_shared>> -> memref<32x128xf32, #tpu.memory_space<vmem_shared>>
      %dma_wait3A_263 = arith.constant 0 : i32
      %dma_wait3A_264 = tpu.memref_slice %arg10[%add3A_177, %dma_wait3A_263] : memref<10240x128xf32, #tpu.memory_space<vmem_shared>> -> memref<32x128xf32, #tpu.memory_space<vmem_shared>>
      tpu.wait_dma2 semaphore(%run_scoped3A_256 : memref<!tpu.dma_semaphore, #tpu.memory_space<semaphore_mem>>) src(%arg9 : memref<32x128xf32, #tpu.memory_space<vmem>>) dst(%dma_wait3A_264 : memref<32x128xf32, #tpu.memory_space<vmem_shared>>)
      tpu.yield
    }) : () -> ()
    %mul3A_178 = arith.constant 640 : i32
    %mul3A_179 = arith.muli %arg1, %mul3A_178 : i32
    %add3A_180 = arith.constant 352 : i32
    %add3A_181 = arith.addi %mul3A_179, %add3A_180 : i32
    "tpu.region"() ({
      %run_scoped3A_256 = tpu.sem_alloc : memref<!tpu.dma_semaphore, #tpu.memory_space<semaphore_mem>>
      %dma_start3A_257 = arith.constant 0 : i32
      %dma_start3A_258 = tpu.memref_slice %arg10[%add3A_181, %dma_start3A_257] : memref<10240x128xf32, #tpu.memory_space<vmem_shared>> -> memref<32x128xf32, #tpu.memory_space<vmem_shared>>
      %dma_start3A_259 = arith.constant 0 : i32
      %dma_start3A_260 = tpu.memref_slice %arg10[%add3A_181, %dma_start3A_259] : memref<10240x128xf32, #tpu.memory_space<vmem_shared>> -> memref<32x128xf32, #tpu.memory_space<vmem_shared>>
      tpu.enqueue_dma source(%arg9 : memref<32x128xf32, #tpu.memory_space<vmem>>) target(%dma_start3A_260 : memref<32x128xf32, #tpu.memory_space<vmem_shared>>) target_semaphore(%run_scoped3A_256 : memref<!tpu.dma_semaphore, #tpu.memory_space<semaphore_mem>>)
      %dma_wait3A_261 = arith.constant 0 : i32
      %dma_wait3A_262 = tpu.memref_slice %arg10[%add3A_181, %dma_wait3A_261] : memref<10240x128xf32, #tpu.memory_space<vmem_shared>> -> memref<32x128xf32, #tpu.memory_space<vmem_shared>>
      %dma_wait3A_263 = arith.constant 0 : i32
      %dma_wait3A_264 = tpu.memref_slice %arg10[%add3A_181, %dma_wait3A_263] : memref<10240x128xf32, #tpu.memory_space<vmem_shared>> -> memref<32x128xf32, #tpu.memory_space<vmem_shared>>
      tpu.wait_dma2 semaphore(%run_scoped3A_256 : memref<!tpu.dma_semaphore, #tpu.memory_space<semaphore_mem>>) src(%arg9 : memref<32x128xf32, #tpu.memory_space<vmem>>) dst(%dma_wait3A_264 : memref<32x128xf32, #tpu.memory_space<vmem_shared>>)
      tpu.yield
    }) : () -> ()
    %mul3A_182 = arith.constant 640 : i32
    %mul3A_183 = arith.muli %arg1, %mul3A_182 : i32
    %add3A_184 = arith.constant 384 : i32
    %add3A_185 = arith.addi %mul3A_183, %add3A_184 : i32
    "tpu.region"() ({
      %run_scoped3A_256 = tpu.sem_alloc : memref<!tpu.dma_semaphore, #tpu.memory_space<semaphore_mem>>
      %dma_start3A_257 = arith.constant 0 : i32
      %dma_start3A_258 = tpu.memref_slice %arg10[%add3A_185, %dma_start3A_257] : memref<10240x128xf32, #tpu.memory_space<vmem_shared>> -> memref<32x128xf32, #tpu.memory_space<vmem_shared>>
      %dma_start3A_259 = arith.constant 0 : i32
      %dma_start3A_260 = tpu.memref_slice %arg10[%add3A_185, %dma_start3A_259] : memref<10240x128xf32, #tpu.memory_space<vmem_shared>> -> memref<32x128xf32, #tpu.memory_space<vmem_shared>>
      tpu.enqueue_dma source(%arg9 : memref<32x128xf32, #tpu.memory_space<vmem>>) target(%dma_start3A_260 : memref<32x128xf32, #tpu.memory_space<vmem_shared>>) target_semaphore(%run_scoped3A_256 : memref<!tpu.dma_semaphore, #tpu.memory_space<semaphore_mem>>)
      %dma_wait3A_261 = arith.constant 0 : i32
      %dma_wait3A_262 = tpu.memref_slice %arg10[%add3A_185, %dma_wait3A_261] : memref<10240x128xf32, #tpu.memory_space<vmem_shared>> -> memref<32x128xf32, #tpu.memory_space<vmem_shared>>
      %dma_wait3A_263 = arith.constant 0 : i32
      %dma_wait3A_264 = tpu.memref_slice %arg10[%add3A_185, %dma_wait3A_263] : memref<10240x128xf32, #tpu.memory_space<vmem_shared>> -> memref<32x128xf32, #tpu.memory_space<vmem_shared>>
      tpu.wait_dma2 semaphore(%run_scoped3A_256 : memref<!tpu.dma_semaphore, #tpu.memory_space<semaphore_mem>>) src(%arg9 : memref<32x128xf32, #tpu.memory_space<vmem>>) dst(%dma_wait3A_264 : memref<32x128xf32, #tpu.memory_space<vmem_shared>>)
      tpu.yield
    }) : () -> ()
    %mul3A_186 = arith.constant 640 : i32
    %mul3A_187 = arith.muli %arg1, %mul3A_186 : i32
    %add3A_188 = arith.constant 416 : i32
    %add3A_189 = arith.addi %mul3A_187, %add3A_188 : i32
    "tpu.region"() ({
      %run_scoped3A_256 = tpu.sem_alloc : memref<!tpu.dma_semaphore, #tpu.memory_space<semaphore_mem>>
      %dma_start3A_257 = arith.constant 0 : i32
      %dma_start3A_258 = tpu.memref_slice %arg10[%add3A_189, %dma_start3A_257] : memref<10240x128xf32, #tpu.memory_space<vmem_shared>> -> memref<32x128xf32, #tpu.memory_space<vmem_shared>>
      %dma_start3A_259 = arith.constant 0 : i32
      %dma_start3A_260 = tpu.memref_slice %arg10[%add3A_189, %dma_start3A_259] : memref<10240x128xf32, #tpu.memory_space<vmem_shared>> -> memref<32x128xf32, #tpu.memory_space<vmem_shared>>
      tpu.enqueue_dma source(%arg9 : memref<32x128xf32, #tpu.memory_space<vmem>>) target(%dma_start3A_260 : memref<32x128xf32, #tpu.memory_space<vmem_shared>>) target_semaphore(%run_scoped3A_256 : memref<!tpu.dma_semaphore, #tpu.memory_space<semaphore_mem>>)
      %dma_wait3A_261 = arith.constant 0 : i32
      %dma_wait3A_262 = tpu.memref_slice %arg10[%add3A_189, %dma_wait3A_261] : memref<10240x128xf32, #tpu.memory_space<vmem_shared>> -> memref<32x128xf32, #tpu.memory_space<vmem_shared>>
      %dma_wait3A_263 = arith.constant 0 : i32
      %dma_wait3A_264 = tpu.memref_slice %arg10[%add3A_189, %dma_wait3A_263] : memref<10240x128xf32, #tpu.memory_space<vmem_shared>> -> memref<32x128xf32, #tpu.memory_space<vmem_shared>>
      tpu.wait_dma2 semaphore(%run_scoped3A_256 : memref<!tpu.dma_semaphore, #tpu.memory_space<semaphore_mem>>) src(%arg9 : memref<32x128xf32, #tpu.memory_space<vmem>>) dst(%dma_wait3A_264 : memref<32x128xf32, #tpu.memory_space<vmem_shared>>)
      tpu.yield
    }) : () -> ()
    %mul3A_190 = arith.constant 640 : i32
    %mul3A_191 = arith.muli %arg1, %mul3A_190 : i32
    %add3A_192 = arith.constant 448 : i32
    %add3A_193 = arith.addi %mul3A_191, %add3A_192 : i32
    "tpu.region"() ({
      %run_scoped3A_256 = tpu.sem_alloc : memref<!tpu.dma_semaphore, #tpu.memory_space<semaphore_mem>>
      %dma_start3A_257 = arith.constant 0 : i32
      %dma_start3A_258 = tpu.memref_slice %arg10[%add3A_193, %dma_start3A_257] : memref<10240x128xf32, #tpu.memory_space<vmem_shared>> -> memref<32x128xf32, #tpu.memory_space<vmem_shared>>
      %dma_start3A_259 = arith.constant 0 : i32
      %dma_start3A_260 = tpu.memref_slice %arg10[%add3A_193, %dma_start3A_259] : memref<10240x128xf32, #tpu.memory_space<vmem_shared>> -> memref<32x128xf32, #tpu.memory_space<vmem_shared>>
      tpu.enqueue_dma source(%arg9 : memref<32x128xf32, #tpu.memory_space<vmem>>) target(%dma_start3A_260 : memref<32x128xf32, #tpu.memory_space<vmem_shared>>) target_semaphore(%run_scoped3A_256 : memref<!tpu.dma_semaphore, #tpu.memory_space<semaphore_mem>>)
      %dma_wait3A_261 = arith.constant 0 : i32
      %dma_wait3A_262 = tpu.memref_slice %arg10[%add3A_193, %dma_wait3A_261] : memref<10240x128xf32, #tpu.memory_space<vmem_shared>> -> memref<32x128xf32, #tpu.memory_space<vmem_shared>>
      %dma_wait3A_263 = arith.constant 0 : i32
      %dma_wait3A_264 = tpu.memref_slice %arg10[%add3A_193, %dma_wait3A_263] : memref<10240x128xf32, #tpu.memory_space<vmem_shared>> -> memref<32x128xf32, #tpu.memory_space<vmem_shared>>
      tpu.wait_dma2 semaphore(%run_scoped3A_256 : memref<!tpu.dma_semaphore, #tpu.memory_space<semaphore_mem>>) src(%arg9 : memref<32x128xf32, #tpu.memory_space<vmem>>) dst(%dma_wait3A_264 : memref<32x128xf32, #tpu.memory_space<vmem_shared>>)
      tpu.yield
    }) : () -> ()
    %mul3A_194 = arith.constant 640 : i32
    %mul3A_195 = arith.muli %arg1, %mul3A_194 : i32
    %add3A_196 = arith.constant 480 : i32
    %add3A_197 = arith.addi %mul3A_195, %add3A_196 : i32
    "tpu.region"() ({
      %run_scoped3A_256 = tpu.sem_alloc : memref<!tpu.dma_semaphore, #tpu.memory_space<semaphore_mem>>
      %dma_start3A_257 = arith.constant 0 : i32
      %dma_start3A_258 = tpu.memref_slice %arg10[%add3A_197, %dma_start3A_257] : memref<10240x128xf32, #tpu.memory_space<vmem_shared>> -> memref<32x128xf32, #tpu.memory_space<vmem_shared>>
      %dma_start3A_259 = arith.constant 0 : i32
      %dma_start3A_260 = tpu.memref_slice %arg10[%add3A_197, %dma_start3A_259] : memref<10240x128xf32, #tpu.memory_space<vmem_shared>> -> memref<32x128xf32, #tpu.memory_space<vmem_shared>>
      tpu.enqueue_dma source(%arg9 : memref<32x128xf32, #tpu.memory_space<vmem>>) target(%dma_start3A_260 : memref<32x128xf32, #tpu.memory_space<vmem_shared>>) target_semaphore(%run_scoped3A_256 : memref<!tpu.dma_semaphore, #tpu.memory_space<semaphore_mem>>)
      %dma_wait3A_261 = arith.constant 0 : i32
      %dma_wait3A_262 = tpu.memref_slice %arg10[%add3A_197, %dma_wait3A_261] : memref<10240x128xf32, #tpu.memory_space<vmem_shared>> -> memref<32x128xf32, #tpu.memory_space<vmem_shared>>
      %dma_wait3A_263 = arith.constant 0 : i32
      %dma_wait3A_264 = tpu.memref_slice %arg10[%add3A_197, %dma_wait3A_263] : memref<10240x128xf32, #tpu.memory_space<vmem_shared>> -> memref<32x128xf32, #tpu.memory_space<vmem_shared>>
      tpu.wait_dma2 semaphore(%run_scoped3A_256 : memref<!tpu.dma_semaphore, #tpu.memory_space<semaphore_mem>>) src(%arg9 : memref<32x128xf32, #tpu.memory_space<vmem>>) dst(%dma_wait3A_264 : memref<32x128xf32, #tpu.memory_space<vmem_shared>>)
      tpu.yield
    }) : () -> ()
    %mul3A_198 = arith.constant 640 : i32
    %mul3A_199 = arith.muli %arg1, %mul3A_198 : i32
    %add3A_200 = arith.constant 512 : i32
    %add3A_201 = arith.addi %mul3A_199, %add3A_200 : i32
    "tpu.region"() ({
      %run_scoped3A_256 = tpu.sem_alloc : memref<!tpu.dma_semaphore, #tpu.memory_space<semaphore_mem>>
      %dma_start3A_257 = arith.constant 0 : i32
      %dma_start3A_258 = tpu.memref_slice %arg10[%add3A_201, %dma_start3A_257] : memref<10240x128xf32, #tpu.memory_space<vmem_shared>> -> memref<32x128xf32, #tpu.memory_space<vmem_shared>>
      %dma_start3A_259 = arith.constant 0 : i32
      %dma_start3A_260 = tpu.memref_slice %arg10[%add3A_201, %dma_start3A_259] : memref<10240x128xf32, #tpu.memory_space<vmem_shared>> -> memref<32x128xf32, #tpu.memory_space<vmem_shared>>
      tpu.enqueue_dma source(%arg9 : memref<32x128xf32, #tpu.memory_space<vmem>>) target(%dma_start3A_260 : memref<32x128xf32, #tpu.memory_space<vmem_shared>>) target_semaphore(%run_scoped3A_256 : memref<!tpu.dma_semaphore, #tpu.memory_space<semaphore_mem>>)
      %dma_wait3A_261 = arith.constant 0 : i32
      %dma_wait3A_262 = tpu.memref_slice %arg10[%add3A_201, %dma_wait3A_261] : memref<10240x128xf32, #tpu.memory_space<vmem_shared>> -> memref<32x128xf32, #tpu.memory_space<vmem_shared>>
      %dma_wait3A_263 = arith.constant 0 : i32
      %dma_wait3A_264 = tpu.memref_slice %arg10[%add3A_201, %dma_wait3A_263] : memref<10240x128xf32, #tpu.memory_space<vmem_shared>> -> memref<32x128xf32, #tpu.memory_space<vmem_shared>>
      tpu.wait_dma2 semaphore(%run_scoped3A_256 : memref<!tpu.dma_semaphore, #tpu.memory_space<semaphore_mem>>) src(%arg9 : memref<32x128xf32, #tpu.memory_space<vmem>>) dst(%dma_wait3A_264 : memref<32x128xf32, #tpu.memory_space<vmem_shared>>)
      tpu.yield
    }) : () -> ()
    %mul3A_202 = arith.constant 640 : i32
    %mul3A_203 = arith.muli %arg1, %mul3A_202 : i32
    %add3A_204 = arith.constant 544 : i32
    %add3A_205 = arith.addi %mul3A_203, %add3A_204 : i32
    "tpu.region"() ({
      %run_scoped3A_256 = tpu.sem_alloc : memref<!tpu.dma_semaphore, #tpu.memory_space<semaphore_mem>>
      %dma_start3A_257 = arith.constant 0 : i32
      %dma_start3A_258 = tpu.memref_slice %arg10[%add3A_205, %dma_start3A_257] : memref<10240x128xf32, #tpu.memory_space<vmem_shared>> -> memref<32x128xf32, #tpu.memory_space<vmem_shared>>
      %dma_start3A_259 = arith.constant 0 : i32
      %dma_start3A_260 = tpu.memref_slice %arg10[%add3A_205, %dma_start3A_259] : memref<10240x128xf32, #tpu.memory_space<vmem_shared>> -> memref<32x128xf32, #tpu.memory_space<vmem_shared>>
      tpu.enqueue_dma source(%arg9 : memref<32x128xf32, #tpu.memory_space<vmem>>) target(%dma_start3A_260 : memref<32x128xf32, #tpu.memory_space<vmem_shared>>) target_semaphore(%run_scoped3A_256 : memref<!tpu.dma_semaphore, #tpu.memory_space<semaphore_mem>>)
      %dma_wait3A_261 = arith.constant 0 : i32
      %dma_wait3A_262 = tpu.memref_slice %arg10[%add3A_205, %dma_wait3A_261] : memref<10240x128xf32, #tpu.memory_space<vmem_shared>> -> memref<32x128xf32, #tpu.memory_space<vmem_shared>>
      %dma_wait3A_263 = arith.constant 0 : i32
      %dma_wait3A_264 = tpu.memref_slice %arg10[%add3A_205, %dma_wait3A_263] : memref<10240x128xf32, #tpu.memory_space<vmem_shared>> -> memref<32x128xf32, #tpu.memory_space<vmem_shared>>
      tpu.wait_dma2 semaphore(%run_scoped3A_256 : memref<!tpu.dma_semaphore, #tpu.memory_space<semaphore_mem>>) src(%arg9 : memref<32x128xf32, #tpu.memory_space<vmem>>) dst(%dma_wait3A_264 : memref<32x128xf32, #tpu.memory_space<vmem_shared>>)
      tpu.yield
    }) : () -> ()
    %mul3A_206 = arith.constant 640 : i32
    %mul3A_207 = arith.muli %arg1, %mul3A_206 : i32
    %add3A_208 = arith.constant 576 : i32
    %add3A_209 = arith.addi %mul3A_207, %add3A_208 : i32
    "tpu.region"() ({
      %run_scoped3A_256 = tpu.sem_alloc : memref<!tpu.dma_semaphore, #tpu.memory_space<semaphore_mem>>
      %dma_start3A_257 = arith.constant 0 : i32
      %dma_start3A_258 = tpu.memref_slice %arg10[%add3A_209, %dma_start3A_257] : memref<10240x128xf32, #tpu.memory_space<vmem_shared>> -> memref<32x128xf32, #tpu.memory_space<vmem_shared>>
      %dma_start3A_259 = arith.constant 0 : i32
      %dma_start3A_260 = tpu.memref_slice %arg10[%add3A_209, %dma_start3A_259] : memref<10240x128xf32, #tpu.memory_space<vmem_shared>> -> memref<32x128xf32, #tpu.memory_space<vmem_shared>>
      tpu.enqueue_dma source(%arg9 : memref<32x128xf32, #tpu.memory_space<vmem>>) target(%dma_start3A_260 : memref<32x128xf32, #tpu.memory_space<vmem_shared>>) target_semaphore(%run_scoped3A_256 : memref<!tpu.dma_semaphore, #tpu.memory_space<semaphore_mem>>)
      %dma_wait3A_261 = arith.constant 0 : i32
      %dma_wait3A_262 = tpu.memref_slice %arg10[%add3A_209, %dma_wait3A_261] : memref<10240x128xf32, #tpu.memory_space<vmem_shared>> -> memref<32x128xf32, #tpu.memory_space<vmem_shared>>
      %dma_wait3A_263 = arith.constant 0 : i32
      %dma_wait3A_264 = tpu.memref_slice %arg10[%add3A_209, %dma_wait3A_263] : memref<10240x128xf32, #tpu.memory_space<vmem_shared>> -> memref<32x128xf32, #tpu.memory_space<vmem_shared>>
      tpu.wait_dma2 semaphore(%run_scoped3A_256 : memref<!tpu.dma_semaphore, #tpu.memory_space<semaphore_mem>>) src(%arg9 : memref<32x128xf32, #tpu.memory_space<vmem>>) dst(%dma_wait3A_264 : memref<32x128xf32, #tpu.memory_space<vmem_shared>>)
      tpu.yield
    }) : () -> ()
    %mul3A_210 = arith.constant 640 : i32
    %mul3A_211 = arith.muli %arg1, %mul3A_210 : i32
    %add3A_212 = arith.constant 608 : i32
    %add3A_213 = arith.addi %mul3A_211, %add3A_212 : i32
    "tpu.region"() ({
      %run_scoped3A_256 = tpu.sem_alloc : memref<!tpu.dma_semaphore, #tpu.memory_space<semaphore_mem>>
      %dma_start3A_257 = arith.constant 0 : i32
      %dma_start3A_258 = tpu.memref_slice %arg10[%add3A_213, %dma_start3A_257] : memref<10240x128xf32, #tpu.memory_space<vmem_shared>> -> memref<32x128xf32, #tpu.memory_space<vmem_shared>>
      %dma_start3A_259 = arith.constant 0 : i32
      %dma_start3A_260 = tpu.memref_slice %arg10[%add3A_213, %dma_start3A_259] : memref<10240x128xf32, #tpu.memory_space<vmem_shared>> -> memref<32x128xf32, #tpu.memory_space<vmem_shared>>
      tpu.enqueue_dma source(%arg9 : memref<32x128xf32, #tpu.memory_space<vmem>>) target(%dma_start3A_260 : memref<32x128xf32, #tpu.memory_space<vmem_shared>>) target_semaphore(%run_scoped3A_256 : memref<!tpu.dma_semaphore, #tpu.memory_space<semaphore_mem>>)
      %dma_wait3A_261 = arith.constant 0 : i32
      %dma_wait3A_262 = tpu.memref_slice %arg10[%add3A_213, %dma_wait3A_261] : memref<10240x128xf32, #tpu.memory_space<vmem_shared>> -> memref<32x128xf32, #tpu.memory_space<vmem_shared>>
      %dma_wait3A_263 = arith.constant 0 : i32
      %dma_wait3A_264 = tpu.memref_slice %arg10[%add3A_213, %dma_wait3A_263] : memref<10240x128xf32, #tpu.memory_space<vmem_shared>> -> memref<32x128xf32, #tpu.memory_space<vmem_shared>>
      tpu.wait_dma2 semaphore(%run_scoped3A_256 : memref<!tpu.dma_semaphore, #tpu.memory_space<semaphore_mem>>) src(%arg9 : memref<32x128xf32, #tpu.memory_space<vmem>>) dst(%dma_wait3A_264 : memref<32x128xf32, #tpu.memory_space<vmem_shared>>)
      tpu.yield
    }) : () -> ()
    %barrier3A_214 = arith.constant 0 : index
    tpu.barrier barrier_id(%barrier3A_214)
    %dma_start3A_215 = arith.constant 0 : i32
    %dma_start3A_216 = arith.constant 0 : i32
    %dma_start3A_217 = arith.constant 0 : i32
    %dma_start3A_218 = arith.constant 0 : i32
    %dma_start3A_219 = tpu.memref_slice %arg8[%dma_start3A_216, %dma_start3A_217, %dma_start3A_218] : memref<1x128x128xf32, #tpu.memory_space<vmem>> -> memref<1x128x128xf32, #tpu.memory_space<vmem>>
    %dma_start3A_220 = tpu.memref_squeeze %dma_start3A_219 : memref<1x128x128xf32, #tpu.memory_space<vmem>> -> memref<128x128xf32, #tpu.memory_space<vmem>>
    %dma_start3A_221 = arith.constant 0 : i32
    %dma_start3A_222 = tpu.memref_slice %arg6[%dma_start3A_215, %dma_start3A_221] : memref<84x128xi32, #tpu.memory_space<vmem>> -> memref<1x128xi32, #tpu.memory_space<vmem>>
    %dma_start3A_223 = tpu.memref_squeeze %dma_start3A_222 : memref<1x128xi32, #tpu.memory_space<vmem>> -> memref<128xi32, #tpu.memory_space<vmem>>
    %dma_start3A_224 = arith.constant 0 : i32
    %dma_start3A_225 = arith.constant 0 : i32
    %dma_start3A_226 = tpu.memref_slice %arg2[%dma_start3A_224, %dma_start3A_225] : memref<40960x128xf32, #tpu.memory_space<hbm>> -> memref<40960x128xf32, #tpu.memory_space<hbm>>
    tpu.enqueue_indirect_dma source(%dma_start3A_226 : memref<40960x128xf32, #tpu.memory_space<hbm>>) target(%dma_start3A_220 : memref<128x128xf32, #tpu.memory_space<vmem>>) offsets(%dma_start3A_223 : memref<128xi32, #tpu.memory_space<vmem>>) semaphore(%arg11 : memref<!tpu.dma_semaphore, #tpu.memory_space<semaphore_mem>>)
    %scan3A_227 = arith.constant 0 : i32
    %scan3A_228 = arith.constant 83 : i32
    %scan3A_229 = arith.addi %scan3A_227, %scan3A_228 : i32
    %scan3A_230 = arith.constant 1 : i32
    scf.for %scan3A_256 = %scan3A_227 to %scan3A_229 step %scan3A_230  : i32 {
      %mul3A_257 = arith.constant 1 : i32
      %mul3A_258 = arith.muli %scan3A_256, %mul3A_257 : i32
      %add3A_259 = arith.constant 0 : i32
      %add3A_260 = arith.addi %add3A_259, %mul3A_258 : i32
      %mul3A_261 = arith.constant 1 : i32
      %mul3A_262 = arith.muli %add3A_260, %mul3A_261 : i32
      %add3A_263 = arith.constant 0 : i32
      %add3A_264 = arith.addi %mul3A_262, %add3A_263 : i32
      %dma_wait3A_265 = arith.constant 0 : i32
      %dma_wait3A_266 = arith.constant 0 : i32
      %dma_wait3A_267 = arith.constant 0 : i32
      %dma_wait3A_268 = tpu.memref_slice %arg8[%dma_wait3A_265, %dma_wait3A_266, %dma_wait3A_267] : memref<1x128x128xf32, #tpu.memory_space<vmem>> -> memref<1x128x128xf32, #tpu.memory_space<vmem>>
      %dma_wait3A_269 = tpu.memref_squeeze %dma_wait3A_268 : memref<1x128x128xf32, #tpu.memory_space<vmem>> -> memref<128x128xf32, #tpu.memory_space<vmem>>
      %dma_wait3A_270 = arith.constant 0 : i32
      %dma_wait3A_271 = tpu.memref_slice %arg6[%add3A_264, %dma_wait3A_270] : memref<84x128xi32, #tpu.memory_space<vmem>> -> memref<1x128xi32, #tpu.memory_space<vmem>>
      %dma_wait3A_272 = tpu.memref_squeeze %dma_wait3A_271 : memref<1x128xi32, #tpu.memory_space<vmem>> -> memref<128xi32, #tpu.memory_space<vmem>>
      %dma_wait3A_273 = arith.constant 0 : i32
      %dma_wait3A_274 = arith.constant 0 : i32
      %dma_wait3A_275 = tpu.memref_slice %arg2[%dma_wait3A_273, %dma_wait3A_274] : memref<40960x128xf32, #tpu.memory_space<hbm>> -> memref<40960x128xf32, #tpu.memory_space<hbm>>
      tpu.wait_indirect_dma semaphore(%arg11 : memref<!tpu.dma_semaphore, #tpu.memory_space<semaphore_mem>>) src(%dma_wait3A_275 : memref<40960x128xf32, #tpu.memory_space<hbm>>) dst(%dma_wait3A_269 : memref<128x128xf32, #tpu.memory_space<vmem>>)
      %run_scoped3A_276 = arith.constant 0 : i32
      "tpu.region"() ({
        %run_scoped3A_290 = tpu.sem_alloc : memref<!tpu.dma_semaphore, #tpu.memory_space<semaphore_mem>>
        %dma_start3A_291 = arith.constant 0 : i32
        %dma_start3A_292 = arith.constant 0 : i32
        %dma_start3A_293 = tpu.memref_slice %arg8[%run_scoped3A_276, %dma_start3A_291, %dma_start3A_292] : memref<1x128x128xf32, #tpu.memory_space<vmem>> -> memref<1x128x128xf32, #tpu.memory_space<vmem>>
        %dma_start3A_294 = tpu.memref_squeeze %dma_start3A_293 : memref<1x128x128xf32, #tpu.memory_space<vmem>> -> memref<128x128xf32, #tpu.memory_space<vmem>>
        %dma_start3A_295 = arith.constant 0 : i32
        %dma_start3A_296 = tpu.memref_slice %arg7[%add3A_264, %dma_start3A_295] : memref<84x128xi32, #tpu.memory_space<vmem>> -> memref<1x128xi32, #tpu.memory_space<vmem>>
        %dma_start3A_297 = tpu.memref_squeeze %dma_start3A_296 : memref<1x128xi32, #tpu.memory_space<vmem>> -> memref<128xi32, #tpu.memory_space<vmem>>
        %dma_start3A_298 = arith.constant 0 : i32
        %dma_start3A_299 = arith.constant 0 : i32
        %dma_start3A_300 = tpu.memref_slice %arg10[%dma_start3A_298, %dma_start3A_299] : memref<10240x128xf32, #tpu.memory_space<vmem_shared>> -> memref<10240x128xf32, #tpu.memory_space<vmem_shared>>
        tpu.enqueue_indirect_dma source(%dma_start3A_294 : memref<128x128xf32, #tpu.memory_space<vmem>>) target(%dma_start3A_300 : memref<10240x128xf32, #tpu.memory_space<vmem_shared>>) offsets(%dma_start3A_297 : memref<128xi32, #tpu.memory_space<vmem>>) semaphore(%run_scoped3A_290 : memref<!tpu.dma_semaphore, #tpu.memory_space<semaphore_mem>>) {add = true}
        %dma_wait3A_301 = arith.constant 0 : i32
        %dma_wait3A_302 = arith.constant 0 : i32
        %dma_wait3A_303 = tpu.memref_slice %arg8[%run_scoped3A_276, %dma_wait3A_301, %dma_wait3A_302] : memref<1x128x128xf32, #tpu.memory_space<vmem>> -> memref<1x128x128xf32, #tpu.memory_space<vmem>>
        %dma_wait3A_304 = tpu.memref_squeeze %dma_wait3A_303 : memref<1x128x128xf32, #tpu.memory_space<vmem>> -> memref<128x128xf32, #tpu.memory_space<vmem>>
        %dma_wait3A_305 = arith.constant 0 : i32
        %dma_wait3A_306 = tpu.memref_slice %arg7[%add3A_264, %dma_wait3A_305] : memref<84x128xi32, #tpu.memory_space<vmem>> -> memref<1x128xi32, #tpu.memory_space<vmem>>
        %dma_wait3A_307 = tpu.memref_squeeze %dma_wait3A_306 : memref<1x128xi32, #tpu.memory_space<vmem>> -> memref<128xi32, #tpu.memory_space<vmem>>
        %dma_wait3A_308 = arith.constant 0 : i32
        %dma_wait3A_309 = arith.constant 0 : i32
        %dma_wait3A_310 = tpu.memref_slice %arg10[%dma_wait3A_308, %dma_wait3A_309] : memref<10240x128xf32, #tpu.memory_space<vmem_shared>> -> memref<10240x128xf32, #tpu.memory_space<vmem_shared>>
        tpu.wait_indirect_dma semaphore(%run_scoped3A_290 : memref<!tpu.dma_semaphore, #tpu.memory_space<semaphore_mem>>) src(%dma_wait3A_304 : memref<128x128xf32, #tpu.memory_space<vmem>>) dst(%dma_wait3A_310 : memref<10240x128xf32, #tpu.memory_space<vmem_shared>>)
        tpu.yield
      }) : () -> ()
      %add3A_277 = arith.constant 1 : i32
      %add3A_278 = arith.addi %add3A_264, %add3A_277 : i32
      %dma_start3A_279 = arith.constant 0 : i32
      %dma_start3A_280 = arith.constant 0 : i32
      %dma_start3A_281 = arith.constant 0 : i32
      %dma_start3A_282 = tpu.memref_slice %arg8[%dma_start3A_279, %dma_start3A_280, %dma_start3A_281] : memref<1x128x128xf32, #tpu.memory_space<vmem>> -> memref<1x128x128xf32, #tpu.memory_space<vmem>>
      %dma_start3A_283 = tpu.memref_squeeze %dma_start3A_282 : memref<1x128x128xf32, #tpu.memory_space<vmem>> -> memref<128x128xf32, #tpu.memory_space<vmem>>
      %dma_start3A_284 = arith.constant 0 : i32
      %dma_start3A_285 = tpu.memref_slice %arg6[%add3A_278, %dma_start3A_284] : memref<84x128xi32, #tpu.memory_space<vmem>> -> memref<1x128xi32, #tpu.memory_space<vmem>>
      %dma_start3A_286 = tpu.memref_squeeze %dma_start3A_285 : memref<1x128xi32, #tpu.memory_space<vmem>> -> memref<128xi32, #tpu.memory_space<vmem>>
      %dma_start3A_287 = arith.constant 0 : i32
      %dma_start3A_288 = arith.constant 0 : i32
      %dma_start3A_289 = tpu.memref_slice %arg2[%dma_start3A_287, %dma_start3A_288] : memref<40960x128xf32, #tpu.memory_space<hbm>> -> memref<40960x128xf32, #tpu.memory_space<hbm>>
      tpu.enqueue_indirect_dma source(%dma_start3A_289 : memref<40960x128xf32, #tpu.memory_space<hbm>>) target(%dma_start3A_283 : memref<128x128xf32, #tpu.memory_space<vmem>>) offsets(%dma_start3A_286 : memref<128xi32, #tpu.memory_space<vmem>>) semaphore(%arg11 : memref<!tpu.dma_semaphore, #tpu.memory_space<semaphore_mem>>)
    }
    %scan3A_231 = arith.constant 83 : i32
    %dma_wait3A_232 = arith.constant 83 : i32
    %dma_wait3A_233 = arith.constant 0 : i32
    %dma_wait3A_234 = arith.constant 0 : i32
    %dma_wait3A_235 = arith.constant 0 : i32
    %dma_wait3A_236 = tpu.memref_slice %arg8[%dma_wait3A_233, %dma_wait3A_234, %dma_wait3A_235] : memref<1x128x128xf32, #tpu.memory_space<vmem>> -> memref<1x128x128xf32, #tpu.memory_space<vmem>>
    %dma_wait3A_237 = tpu.memref_squeeze %dma_wait3A_236 : memref<1x128x128xf32, #tpu.memory_space<vmem>> -> memref<128x128xf32, #tpu.memory_space<vmem>>
    %dma_wait3A_238 = arith.constant 0 : i32
    %dma_wait3A_239 = tpu.memref_slice %arg6[%dma_wait3A_232, %dma_wait3A_238] : memref<84x128xi32, #tpu.memory_space<vmem>> -> memref<1x128xi32, #tpu.memory_space<vmem>>
    %dma_wait3A_240 = tpu.memref_squeeze %dma_wait3A_239 : memref<1x128xi32, #tpu.memory_space<vmem>> -> memref<128xi32, #tpu.memory_space<vmem>>
    %dma_wait3A_241 = arith.constant 0 : i32
    %dma_wait3A_242 = arith.constant 0 : i32
    %dma_wait3A_243 = tpu.memref_slice %arg2[%dma_wait3A_241, %dma_wait3A_242] : memref<40960x128xf32, #tpu.memory_space<hbm>> -> memref<40960x128xf32, #tpu.memory_space<hbm>>
    tpu.wait_indirect_dma semaphore(%arg11 : memref<!tpu.dma_semaphore, #tpu.memory_space<semaphore_mem>>) src(%dma_wait3A_243 : memref<40960x128xf32, #tpu.memory_space<hbm>>) dst(%dma_wait3A_237 : memref<128x128xf32, #tpu.memory_space<vmem>>)
    %run_scoped3A_244 = arith.constant 0 : i32
    %run_scoped3A_245 = arith.constant 83 : i32
    "tpu.region"() ({
      %run_scoped3A_256 = tpu.sem_alloc : memref<!tpu.dma_semaphore, #tpu.memory_space<semaphore_mem>>
      %dma_start3A_257 = arith.constant 0 : i32
      %dma_start3A_258 = arith.constant 0 : i32
      %dma_start3A_259 = tpu.memref_slice %arg8[%run_scoped3A_244, %dma_start3A_257, %dma_start3A_258] : memref<1x128x128xf32, #tpu.memory_space<vmem>> -> memref<1x128x128xf32, #tpu.memory_space<vmem>>
      %dma_start3A_260 = tpu.memref_squeeze %dma_start3A_259 : memref<1x128x128xf32, #tpu.memory_space<vmem>> -> memref<128x128xf32, #tpu.memory_space<vmem>>
      %dma_start3A_261 = arith.constant 0 : i32
      %dma_start3A_262 = tpu.memref_slice %arg7[%run_scoped3A_245, %dma_start3A_261] : memref<84x128xi32, #tpu.memory_space<vmem>> -> memref<1x128xi32, #tpu.memory_space<vmem>>
      %dma_start3A_263 = tpu.memref_squeeze %dma_start3A_262 : memref<1x128xi32, #tpu.memory_space<vmem>> -> memref<128xi32, #tpu.memory_space<vmem>>
      %dma_start3A_264 = arith.constant 0 : i32
      %dma_start3A_265 = arith.constant 0 : i32
      %dma_start3A_266 = tpu.memref_slice %arg10[%dma_start3A_264, %dma_start3A_265] : memref<10240x128xf32, #tpu.memory_space<vmem_shared>> -> memref<10240x128xf32, #tpu.memory_space<vmem_shared>>
      tpu.enqueue_indirect_dma source(%dma_start3A_260 : memref<128x128xf32, #tpu.memory_space<vmem>>) target(%dma_start3A_266 : memref<10240x128xf32, #tpu.memory_space<vmem_shared>>) offsets(%dma_start3A_263 : memref<128xi32, #tpu.memory_space<vmem>>) semaphore(%run_scoped3A_256 : memref<!tpu.dma_semaphore, #tpu.memory_space<semaphore_mem>>) {add = true}
      %dma_wait3A_267 = arith.constant 0 : i32
      %dma_wait3A_268 = arith.constant 0 : i32
      %dma_wait3A_269 = tpu.memref_slice %arg8[%run_scoped3A_244, %dma_wait3A_267, %dma_wait3A_268] : memref<1x128x128xf32, #tpu.memory_space<vmem>> -> memref<1x128x128xf32, #tpu.memory_space<vmem>>
      %dma_wait3A_270 = tpu.memref_squeeze %dma_wait3A_269 : memref<1x128x128xf32, #tpu.memory_space<vmem>> -> memref<128x128xf32, #tpu.memory_space<vmem>>
      %dma_wait3A_271 = arith.constant 0 : i32
      %dma_wait3A_272 = tpu.memref_slice %arg7[%run_scoped3A_245, %dma_wait3A_271] : memref<84x128xi32, #tpu.memory_space<vmem>> -> memref<1x128xi32, #tpu.memory_space<vmem>>
      %dma_wait3A_273 = tpu.memref_squeeze %dma_wait3A_272 : memref<1x128xi32, #tpu.memory_space<vmem>> -> memref<128xi32, #tpu.memory_space<vmem>>
      %dma_wait3A_274 = arith.constant 0 : i32
      %dma_wait3A_275 = arith.constant 0 : i32
      %dma_wait3A_276 = tpu.memref_slice %arg10[%dma_wait3A_274, %dma_wait3A_275] : memref<10240x128xf32, #tpu.memory_space<vmem_shared>> -> memref<10240x128xf32, #tpu.memory_space<vmem_shared>>
      tpu.wait_indirect_dma semaphore(%run_scoped3A_256 : memref<!tpu.dma_semaphore, #tpu.memory_space<semaphore_mem>>) src(%dma_wait3A_270 : memref<128x128xf32, #tpu.memory_space<vmem>>) dst(%dma_wait3A_276 : memref<10240x128xf32, #tpu.memory_space<vmem_shared>>)
      tpu.yield
    }) : () -> ()
    %barrier3A_246 = arith.constant 0 : index
    tpu.barrier barrier_id(%barrier3A_246)
    %mul3A_247 = arith.constant 640 : i32
    %mul3A_248 = arith.muli %arg1, %mul3A_247 : i32
    %add3A_249 = arith.constant 2 : i32
    %add3A_250 = arith.addi %add3A_249, %arg0 : i32
    %mul3A_251 = arith.constant 10240 : i32
    %mul3A_252 = arith.muli %add3A_250, %mul3A_251 : i32
    %mul3A_253 = arith.constant 640 : i32
    %mul3A_254 = arith.muli %arg1, %mul3A_253 : i32
    %add3A_255 = arith.addi %mul3A_252, %mul3A_254 : i32
    "tpu.region"() ({
      %run_scoped3A_256 = tpu.sem_alloc : memref<!tpu.dma_semaphore, #tpu.memory_space<semaphore_mem>>
      %dma_start3A_257 = arith.constant 0 : i32
      %dma_start3A_258 = tpu.memref_slice %arg5[%add3A_255, %dma_start3A_257] : memref<40960x128xf32, #tpu.memory_space<hbm>> -> memref<640x128xf32, #tpu.memory_space<hbm>>
      %dma_start3A_259 = arith.constant 0 : i32
      %dma_start3A_260 = tpu.memref_slice %arg10[%mul3A_248, %dma_start3A_259] : memref<10240x128xf32, #tpu.memory_space<vmem_shared>> -> memref<640x128xf32, #tpu.memory_space<vmem_shared>>
      tpu.enqueue_dma source(%dma_start3A_260 : memref<640x128xf32, #tpu.memory_space<vmem_shared>>) target(%dma_start3A_258 : memref<640x128xf32, #tpu.memory_space<hbm>>) target_semaphore(%run_scoped3A_256 : memref<!tpu.dma_semaphore, #tpu.memory_space<semaphore_mem>>)
      %dma_wait3A_261 = arith.constant 0 : i32
      %dma_wait3A_262 = tpu.memref_slice %arg5[%add3A_255, %dma_wait3A_261] : memref<40960x128xf32, #tpu.memory_space<hbm>> -> memref<640x128xf32, #tpu.memory_space<hbm>>
      %dma_wait3A_263 = arith.constant 0 : i32
      %dma_wait3A_264 = tpu.memref_slice %arg10[%mul3A_248, %dma_wait3A_263] : memref<10240x128xf32, #tpu.memory_space<vmem_shared>> -> memref<640x128xf32, #tpu.memory_space<vmem_shared>>
      tpu.wait_dma2 semaphore(%run_scoped3A_256 : memref<!tpu.dma_semaphore, #tpu.memory_space<semaphore_mem>>) src(%dma_wait3A_264 : memref<640x128xf32, #tpu.memory_space<vmem_shared>>) dst(%dma_wait3A_262 : memref<640x128xf32, #tpu.memory_space<hbm>>)
      tpu.yield
    }) : () -> ()
    return
  }
}

module attributes {stable_mosaic.version = 14 : i64} {
  func.func @_tc1_body(%arg0: i32, %arg1: memref<32x512xf32, #tpu.memory_space<vmem>>, %arg2: memref<512x256xf32, #tpu.memory_space<vmem>>, %arg3: memref<256x512xf32, #tpu.memory_space<vmem>>, %arg4: memref<1x512xf32, #tpu.memory_space<vmem>>, %arg5: memref<4x512x128xf32, #tpu.memory_space<vmem>>) attributes {dimension_semantics = [#tpu.dimension_semantics<arbitrary>], iteration_bounds = array<i64: 20>, scalar_prefetch = 0 : i64, scratch_operands = 0 : i64, tpu.core_type = #tpu.core_type<tc>, window_params = [{transform_indices = @transform_0, window_bounds = array<i64: 32, 512>}, {transform_indices = @transform_1, window_bounds = array<i64: 512, 256>}, {pipeline_mode = #tpu.pipeline_mode<synchronous>, transform_indices = @transform_2, window_bounds = array<i64: 256, 512>}, {transform_indices = @transform_3, window_bounds = array<i64: 1, 512>}, {transform_indices = @transform_4, window_bounds = array<i64: 4, 512, 128>}]} {
    %get3A = arith.constant 0 : index
    %get3A_0 = arith.constant 0 : index
    %get3A_1 = vector.load %arg1[%get3A, %get3A_0] : memref<32x512xf32, #tpu.memory_space<vmem>>, vector<32x512xf32>
    %reduce_sum3A = arith.constant dense<0.000000e+00> : vector<512xf32>
    %reduce_sum3A_2 = vector.multi_reduction <add>, %get3A_1, %reduce_sum3A [0] : vector<32x512xf32> to vector<512xf32>
    %gt3A = arith.constant 0.000000e+00 : f32
    %gt3A_3 = vector.broadcast %gt3A : f32 to vector<512xf32>
    %gt3A_4 = arith.cmpf ogt, %reduce_sum3A_2, %gt3A_3 : vector<512xf32>
    %rsqrt3A = math.rsqrt %reduce_sum3A_2 : vector<512xf32>
    %jit3A = arith.constant 0.000000e+00 : f32
    %broadcast_in_dim3A = vector.broadcast %jit3A : f32 to vector<512xf32>
    %select_n3A = arith.select %gt3A_4, %rsqrt3A, %broadcast_in_dim3A : vector<512xi1>, vector<512xf32>
    %swap3A = arith.constant 0 : index
    %swap3A_5 = arith.constant 0 : index
    %swap3A_6 = vector.load %arg4[%swap3A, %swap3A_5] : memref<1x512xf32, #tpu.memory_space<vmem>>, vector<1x512xf32>
    %swap3A_7 = vector.shape_cast %swap3A_6 : vector<1x512xf32> to vector<512xf32>
    %swap3A_8 = vector.shape_cast %select_n3A : vector<512xf32> to vector<1x512xf32>
    tpu.vector_store %arg4[%swap3A, %swap3A_5], %swap3A_8 {strides = array<i32>} : memref<1x512xf32, #tpu.memory_space<vmem>>, vector<1x512xf32>,
    %get3A_9 = arith.constant 0 : index
    %get3A_10 = arith.constant 0 : index
    %get3A_11 = vector.load %arg2[%get3A_9, %get3A_10] : memref<512x256xf32, #tpu.memory_space<vmem>>, vector<512x256xf32>
    %get3A_12 = arith.constant 0 : index
    %get3A_13 = arith.constant 0 : index
    %get3A_14 = vector.load %arg3[%get3A_12, %get3A_13] : memref<256x512xf32, #tpu.memory_space<vmem>>, vector<256x512xf32>
    %dot_general3A = arith.constant dense<0.000000e+00> : vector<512x512xf32>
    %dot_general3A_15 = tpu.matmul %get3A_11, %get3A_14, %dot_general3A {dimension_numbers = #tpu.dot_dimension_numbers<[1], [0], [0], [1], [0, 0, 1, 1], [], []>, transpose_lhs_hint = false} : vector<512x256xf32>, vector<256x512xf32>, vector<512x512xf32> -> vector<512x512xf32>
    %slice3A = vector.extract_strided_slice %dot_general3A_15 {offsets = [0, 0], sizes = [512, 128], strides = [1, 1]} : vector<512x512xf32> to vector<512x128xf32>
    %broadcast_in_dim3A_16 = vector.shape_cast %select_n3A : vector<512xf32> to vector<512x1xf32>
    %mul3A = vector.broadcast %broadcast_in_dim3A_16 : vector<512x1xf32> to vector<512x128xf32>
    %mul3A_17 = arith.mulf %slice3A, %mul3A : vector<512x128xf32>
    %swap3A_18 = arith.constant 0 : index
    %swap3A_19 = arith.constant 0 : index
    %swap3A_20 = arith.constant 0 : index
    %swap3A_21 = vector.load %arg5[%swap3A_18, %swap3A_19, %swap3A_20] : memref<4x512x128xf32, #tpu.memory_space<vmem>>, vector<1x512x128xf32>
    %swap3A_22 = vector.shape_cast %swap3A_21 : vector<1x512x128xf32> to vector<512x128xf32>
    %swap3A_23 = vector.shape_cast %mul3A_17 : vector<512x128xf32> to vector<1x512x128xf32>
    tpu.vector_store %arg5[%swap3A_18, %swap3A_19, %swap3A_20], %swap3A_23 {strides = array<i32>} : memref<4x512x128xf32, #tpu.memory_space<vmem>>, vector<1x512x128xf32>,
    %slice3A_24 = vector.extract_strided_slice %dot_general3A_15 {offsets = [0, 128], sizes = [512, 128], strides = [1, 1]} : vector<512x512xf32> to vector<512x128xf32>
    %broadcast_in_dim3A_25 = vector.shape_cast %select_n3A : vector<512xf32> to vector<512x1xf32>
    %mul3A_26 = vector.broadcast %broadcast_in_dim3A_25 : vector<512x1xf32> to vector<512x128xf32>
    %mul3A_27 = arith.mulf %slice3A_24, %mul3A_26 : vector<512x128xf32>
    %swap3A_28 = arith.constant 1 : index
    %swap3A_29 = arith.constant 0 : index
    %swap3A_30 = arith.constant 0 : index
    %swap3A_31 = vector.load %arg5[%swap3A_28, %swap3A_29, %swap3A_30] : memref<4x512x128xf32, #tpu.memory_space<vmem>>, vector<1x512x128xf32>
    %swap3A_32 = vector.shape_cast %swap3A_31 : vector<1x512x128xf32> to vector<512x128xf32>
    %swap3A_33 = vector.shape_cast %mul3A_27 : vector<512x128xf32> to vector<1x512x128xf32>
    tpu.vector_store %arg5[%swap3A_28, %swap3A_29, %swap3A_30], %swap3A_33 {strides = array<i32>} : memref<4x512x128xf32, #tpu.memory_space<vmem>>, vector<1x512x128xf32>,
    %slice3A_34 = vector.extract_strided_slice %dot_general3A_15 {offsets = [0, 256], sizes = [512, 128], strides = [1, 1]} : vector<512x512xf32> to vector<512x128xf32>
    %broadcast_in_dim3A_35 = vector.shape_cast %select_n3A : vector<512xf32> to vector<512x1xf32>
    %mul3A_36 = vector.broadcast %broadcast_in_dim3A_35 : vector<512x1xf32> to vector<512x128xf32>
    %mul3A_37 = arith.mulf %slice3A_34, %mul3A_36 : vector<512x128xf32>
    %swap3A_38 = arith.constant 2 : index
    %swap3A_39 = arith.constant 0 : index
    %swap3A_40 = arith.constant 0 : index
    %swap3A_41 = vector.load %arg5[%swap3A_38, %swap3A_39, %swap3A_40] : memref<4x512x128xf32, #tpu.memory_space<vmem>>, vector<1x512x128xf32>
    %swap3A_42 = vector.shape_cast %swap3A_41 : vector<1x512x128xf32> to vector<512x128xf32>
    %swap3A_43 = vector.shape_cast %mul3A_37 : vector<512x128xf32> to vector<1x512x128xf32>
    tpu.vector_store %arg5[%swap3A_38, %swap3A_39, %swap3A_40], %swap3A_43 {strides = array<i32>} : memref<4x512x128xf32, #tpu.memory_space<vmem>>, vector<1x512x128xf32>,
    %slice3A_44 = vector.extract_strided_slice %dot_general3A_15 {offsets = [0, 384], sizes = [512, 128], strides = [1, 1]} : vector<512x512xf32> to vector<512x128xf32>
    %broadcast_in_dim3A_45 = vector.shape_cast %select_n3A : vector<512xf32> to vector<512x1xf32>
    %mul3A_46 = vector.broadcast %broadcast_in_dim3A_45 : vector<512x1xf32> to vector<512x128xf32>
    %mul3A_47 = arith.mulf %slice3A_44, %mul3A_46 : vector<512x128xf32>
    %swap3A_48 = arith.constant 3 : index
    %swap3A_49 = arith.constant 0 : index
    %swap3A_50 = arith.constant 0 : index
    %swap3A_51 = vector.load %arg5[%swap3A_48, %swap3A_49, %swap3A_50] : memref<4x512x128xf32, #tpu.memory_space<vmem>>, vector<1x512x128xf32>
    %swap3A_52 = vector.shape_cast %swap3A_51 : vector<1x512x128xf32> to vector<512x128xf32>
    %swap3A_53 = vector.shape_cast %mul3A_47 : vector<512x128xf32> to vector<1x512x128xf32>
    tpu.vector_store %arg5[%swap3A_48, %swap3A_49, %swap3A_50], %swap3A_53 {strides = array<i32>} : memref<4x512x128xf32, #tpu.memory_space<vmem>>, vector<1x512x128xf32>,
    return
  }
  func.func @transform_0(%arg0: i32) -> (i32, i32) {
    %c0_i32 = arith.constant 0 : i32
    %c0_i32_0 = arith.constant 0 : i32
    return %c0_i32, %arg0 : i32, i32
  }
  func.func @transform_1(%arg0: i32) -> (i32, i32) {
    %c0_i32 = arith.constant 0 : i32
    %c0_i32_0 = arith.constant 0 : i32
    return %arg0, %c0_i32 : i32, i32
  }
  func.func @transform_2(%arg0: i32) -> (i32, i32) {
    %c0_i32 = arith.constant 0 : i32
    %c0_i32_0 = arith.constant 0 : i32
    %c0_i32_1 = arith.constant 0 : i32
    return %c0_i32, %c0_i32_0 : i32, i32
  }
  func.func @transform_3(%arg0: i32) -> (i32, i32) {
    %c0_i32 = arith.constant 0 : i32
    %c0_i32_0 = arith.constant 0 : i32
    return %c0_i32, %arg0 : i32, i32
  }
  func.func @transform_4(%arg0: i32) -> (i32, i32, i32) {
    %c0_i32 = arith.constant 0 : i32
    %c0_i32_0 = arith.constant 0 : i32
    %c0_i32_1 = arith.constant 0 : i32
    return %c0_i32, %arg0, %c0_i32_0 : i32, i32, i32
  }
}

module attributes {stable_mosaic.version = 14 : i64} {
  func.func @_tc2_body(%arg0: i32, %arg1: memref<4x512x128xf32, #tpu.memory_space<vmem>>, %arg2: memref<1x512xf32, #tpu.memory_space<vmem>>, %arg3: memref<1x512xf32, #tpu.memory_space<vmem>>, %arg4: memref<512x256xf32, #tpu.memory_space<vmem>>, %arg5: memref<2x512x128xf32, #tpu.memory_space<vmem>>) attributes {dimension_semantics = [#tpu.dimension_semantics<arbitrary>], iteration_bounds = array<i64: 20>, scalar_prefetch = 0 : i64, scratch_operands = 0 : i64, tpu.core_type = #tpu.core_type<tc>, window_params = [{transform_indices = @transform_0, window_bounds = array<i64: 4, 512, 128>}, {transform_indices = @transform_1, window_bounds = array<i64: 1, 512>}, {pipeline_mode = #tpu.pipeline_mode<synchronous>, transform_indices = @transform_2, window_bounds = array<i64: 1, 512>}, {pipeline_mode = #tpu.pipeline_mode<synchronous>, transform_indices = @transform_3, window_bounds = array<i64: 512, 256>}, {transform_indices = @transform_4, window_bounds = array<i64: 2, 512, 128>}]} {
    %get3A = arith.constant 0 : index
    %get3A_0 = arith.constant 0 : index
    %get3A_1 = vector.load %arg2[%get3A, %get3A_0] : memref<1x512xf32, #tpu.memory_space<vmem>>, vector<1x512xf32>
    %get3A_2 = vector.shape_cast %get3A_1 : vector<1x512xf32> to vector<512xf32>
    %get3A_3 = arith.constant 0 : index
    %get3A_4 = arith.constant 0 : index
    %get3A_5 = arith.constant 0 : index
    %get3A_6 = vector.load %arg1[%get3A_3, %get3A_4, %get3A_5] : memref<4x512x128xf32, #tpu.memory_space<vmem>>, vector<1x512x128xf32>
    %get3A_7 = vector.shape_cast %get3A_6 : vector<1x512x128xf32> to vector<512x128xf32>
    %get3A_8 = arith.constant 1 : index
    %get3A_9 = arith.constant 0 : index
    %get3A_10 = arith.constant 0 : index
    %get3A_11 = vector.load %arg1[%get3A_8, %get3A_9, %get3A_10] : memref<4x512x128xf32, #tpu.memory_space<vmem>>, vector<1x512x128xf32>
    %get3A_12 = vector.shape_cast %get3A_11 : vector<1x512x128xf32> to vector<512x128xf32>
    %get3A_13 = arith.constant 2 : index
    %get3A_14 = arith.constant 0 : index
    %get3A_15 = arith.constant 0 : index
    %get3A_16 = vector.load %arg1[%get3A_13, %get3A_14, %get3A_15] : memref<4x512x128xf32, #tpu.memory_space<vmem>>, vector<1x512x128xf32>
    %get3A_17 = vector.shape_cast %get3A_16 : vector<1x512x128xf32> to vector<512x128xf32>
    %get3A_18 = arith.constant 3 : index
    %get3A_19 = arith.constant 0 : index
    %get3A_20 = arith.constant 0 : index
    %get3A_21 = vector.load %arg1[%get3A_18, %get3A_19, %get3A_20] : memref<4x512x128xf32, #tpu.memory_space<vmem>>, vector<1x512x128xf32>
    %get3A_22 = vector.shape_cast %get3A_21 : vector<1x512x128xf32> to vector<512x128xf32>
    %concatenate3A = tpu.concatenate %get3A_7, %get3A_12, %get3A_17, %get3A_22 in 1 : vector<512x128xf32>, vector<512x128xf32>, vector<512x128xf32>, vector<512x128xf32> -> vector<512x512xf32>
    %broadcast_in_dim3A = vector.shape_cast %get3A_2 : vector<512xf32> to vector<512x1xf32>
    %mul3A = vector.broadcast %broadcast_in_dim3A : vector<512x1xf32> to vector<512x512xf32>
    %mul3A_23 = arith.mulf %concatenate3A, %mul3A : vector<512x512xf32>
    %get3A_24 = arith.constant 0 : index
    %get3A_25 = arith.constant 0 : index
    %get3A_26 = vector.load %arg3[%get3A_24, %get3A_25] : memref<1x512xf32, #tpu.memory_space<vmem>>, vector<1x512xf32>
    %add3A = vector.broadcast %get3A_26 : vector<1x512xf32> to vector<512x512xf32>
    %add3A_27 = arith.addf %mul3A_23, %add3A : vector<512x512xf32>
    %max3A = arith.constant 0.000000e+00 : f32
    %max3A_28 = vector.broadcast %max3A : f32 to vector<512x512xf32>
    %max3A_29 = arith.maximumf %add3A_27, %max3A_28 : vector<512x512xf32>
    %get3A_30 = arith.constant 0 : index
    %get3A_31 = arith.constant 0 : index
    %get3A_32 = vector.load %arg4[%get3A_30, %get3A_31] : memref<512x256xf32, #tpu.memory_space<vmem>>, vector<512x256xf32>
    %dot_general3A = arith.constant dense<0.000000e+00> : vector<512x256xf32>
    %dot_general3A_33 = tpu.matmul %max3A_29, %get3A_32, %dot_general3A {dimension_numbers = #tpu.dot_dimension_numbers<[1], [0], [0], [1], [0, 0, 1, 1], [], []>, transpose_lhs_hint = false} : vector<512x512xf32>, vector<512x256xf32>, vector<512x256xf32> -> vector<512x256xf32>
    %slice3A = vector.extract_strided_slice %dot_general3A_33 {offsets = [0, 0], sizes = [512, 128], strides = [1, 1]} : vector<512x256xf32> to vector<512x128xf32>
    %broadcast_in_dim3A_34 = vector.shape_cast %get3A_2 : vector<512xf32> to vector<512x1xf32>
    %mul3A_35 = vector.broadcast %broadcast_in_dim3A_34 : vector<512x1xf32> to vector<512x128xf32>
    %mul3A_36 = arith.mulf %slice3A, %mul3A_35 : vector<512x128xf32>
    %swap3A = arith.constant 0 : index
    %swap3A_37 = arith.constant 0 : index
    %swap3A_38 = arith.constant 0 : index
    %swap3A_39 = vector.load %arg5[%swap3A, %swap3A_37, %swap3A_38] : memref<2x512x128xf32, #tpu.memory_space<vmem>>, vector<1x512x128xf32>
    %swap3A_40 = vector.shape_cast %swap3A_39 : vector<1x512x128xf32> to vector<512x128xf32>
    %swap3A_41 = vector.shape_cast %mul3A_36 : vector<512x128xf32> to vector<1x512x128xf32>
    tpu.vector_store %arg5[%swap3A, %swap3A_37, %swap3A_38], %swap3A_41 {strides = array<i32>} : memref<2x512x128xf32, #tpu.memory_space<vmem>>, vector<1x512x128xf32>,
    %slice3A_42 = vector.extract_strided_slice %dot_general3A_33 {offsets = [0, 128], sizes = [512, 128], strides = [1, 1]} : vector<512x256xf32> to vector<512x128xf32>
    %broadcast_in_dim3A_43 = vector.shape_cast %get3A_2 : vector<512xf32> to vector<512x1xf32>
    %mul3A_44 = vector.broadcast %broadcast_in_dim3A_43 : vector<512x1xf32> to vector<512x128xf32>
    %mul3A_45 = arith.mulf %slice3A_42, %mul3A_44 : vector<512x128xf32>
    %swap3A_46 = arith.constant 1 : index
    %swap3A_47 = arith.constant 0 : index
    %swap3A_48 = arith.constant 0 : index
    %swap3A_49 = vector.load %arg5[%swap3A_46, %swap3A_47, %swap3A_48] : memref<2x512x128xf32, #tpu.memory_space<vmem>>, vector<1x512x128xf32>
    %swap3A_50 = vector.shape_cast %swap3A_49 : vector<1x512x128xf32> to vector<512x128xf32>
    %swap3A_51 = vector.shape_cast %mul3A_45 : vector<512x128xf32> to vector<1x512x128xf32>
    tpu.vector_store %arg5[%swap3A_46, %swap3A_47, %swap3A_48], %swap3A_51 {strides = array<i32>} : memref<2x512x128xf32, #tpu.memory_space<vmem>>, vector<1x512x128xf32>,
    return
  }
  func.func @transform_0(%arg0: i32) -> (i32, i32, i32) {
    %c0_i32 = arith.constant 0 : i32
    %c0_i32_0 = arith.constant 0 : i32
    %c0_i32_1 = arith.constant 0 : i32
    return %c0_i32, %arg0, %c0_i32_0 : i32, i32, i32
  }
  func.func @transform_1(%arg0: i32) -> (i32, i32) {
    %c0_i32 = arith.constant 0 : i32
    %c0_i32_0 = arith.constant 0 : i32
    return %c0_i32, %arg0 : i32, i32
  }
  func.func @transform_2(%arg0: i32) -> (i32, i32) {
    %c0_i32 = arith.constant 0 : i32
    %c0_i32_0 = arith.constant 0 : i32
    %c0_i32_1 = arith.constant 0 : i32
    return %c0_i32, %c0_i32_0 : i32, i32
  }
  func.func @transform_3(%arg0: i32) -> (i32, i32) {
    %c0_i32 = arith.constant 0 : i32
    %c0_i32_0 = arith.constant 0 : i32
    %c0_i32_1 = arith.constant 0 : i32
    return %c0_i32, %c0_i32_0 : i32, i32
  }
  func.func @transform_4(%arg0: i32) -> (i32, i32, i32) {
    %c0_i32 = arith.constant 0 : i32
    %c0_i32_0 = arith.constant 0 : i32
    %c0_i32_1 = arith.constant 0 : i32
    return %c0_i32, %arg0, %c0_i32_0 : i32, i32, i32
  }
}

module attributes {stable_mosaic.version = 14 : i64} {
  func.func @_tc3_body(%arg0: i32, %arg1: memref<2x512x128xf32, #tpu.memory_space<vmem>>, %arg2: memref<1x512xf32, #tpu.memory_space<vmem>>, %arg3: memref<1x256xf32, #tpu.memory_space<vmem>>, %arg4: memref<512x256xf32, #tpu.memory_space<vmem>>) attributes {dimension_semantics = [#tpu.dimension_semantics<arbitrary>], iteration_bounds = array<i64: 20>, scalar_prefetch = 0 : i64, scratch_operands = 0 : i64, tpu.core_type = #tpu.core_type<tc>, window_params = [{transform_indices = @transform_0, window_bounds = array<i64: 2, 512, 128>}, {transform_indices = @transform_1, window_bounds = array<i64: 1, 512>}, {pipeline_mode = #tpu.pipeline_mode<synchronous>, transform_indices = @transform_2, window_bounds = array<i64: 1, 256>}, {transform_indices = @transform_3, window_bounds = array<i64: 512, 256>}]} {
    %get3A = arith.constant 0 : index
    %get3A_0 = arith.constant 0 : index
    %get3A_1 = vector.load %arg2[%get3A, %get3A_0] : memref<1x512xf32, #tpu.memory_space<vmem>>, vector<1x512xf32>
    %get3A_2 = vector.shape_cast %get3A_1 : vector<1x512xf32> to vector<512xf32>
    %get3A_3 = arith.constant 0 : index
    %get3A_4 = arith.constant 0 : index
    %get3A_5 = arith.constant 0 : index
    %get3A_6 = vector.load %arg1[%get3A_3, %get3A_4, %get3A_5] : memref<2x512x128xf32, #tpu.memory_space<vmem>>, vector<1x512x128xf32>
    %get3A_7 = vector.shape_cast %get3A_6 : vector<1x512x128xf32> to vector<512x128xf32>
    %get3A_8 = arith.constant 1 : index
    %get3A_9 = arith.constant 0 : index
    %get3A_10 = arith.constant 0 : index
    %get3A_11 = vector.load %arg1[%get3A_8, %get3A_9, %get3A_10] : memref<2x512x128xf32, #tpu.memory_space<vmem>>, vector<1x512x128xf32>
    %get3A_12 = vector.shape_cast %get3A_11 : vector<1x512x128xf32> to vector<512x128xf32>
    %concatenate3A = tpu.concatenate %get3A_7, %get3A_12 in 1 : vector<512x128xf32>, vector<512x128xf32> -> vector<512x256xf32>
    %broadcast_in_dim3A = vector.shape_cast %get3A_2 : vector<512xf32> to vector<512x1xf32>
    %mul3A = vector.broadcast %broadcast_in_dim3A : vector<512x1xf32> to vector<512x256xf32>
    %mul3A_13 = arith.mulf %concatenate3A, %mul3A : vector<512x256xf32>
    %get3A_14 = arith.constant 0 : index
    %get3A_15 = arith.constant 0 : index
    %get3A_16 = vector.load %arg3[%get3A_14, %get3A_15] : memref<1x256xf32, #tpu.memory_space<vmem>>, vector<1x256xf32>
    %add3A = vector.broadcast %get3A_16 : vector<1x256xf32> to vector<512x256xf32>
    %add3A_17 = arith.addf %mul3A_13, %add3A : vector<512x256xf32>
    %swap3A = arith.constant 0 : index
    %swap3A_18 = arith.constant 0 : index
    %swap3A_19 = vector.load %arg4[%swap3A, %swap3A_18] : memref<512x256xf32, #tpu.memory_space<vmem>>, vector<512x256xf32>
    tpu.vector_store %arg4[%swap3A, %swap3A_18], %add3A_17 {strides = array<i32>} : memref<512x256xf32, #tpu.memory_space<vmem>>, vector<512x256xf32>,
    return
  }
  func.func @transform_0(%arg0: i32) -> (i32, i32, i32) {
    %c0_i32 = arith.constant 0 : i32
    %c0_i32_0 = arith.constant 0 : i32
    %c0_i32_1 = arith.constant 0 : i32
    return %c0_i32, %arg0, %c0_i32_0 : i32, i32, i32
  }
  func.func @transform_1(%arg0: i32) -> (i32, i32) {
    %c0_i32 = arith.constant 0 : i32
    %c0_i32_0 = arith.constant 0 : i32
    return %c0_i32, %arg0 : i32, i32
  }
  func.func @transform_2(%arg0: i32) -> (i32, i32) {
    %c0_i32 = arith.constant 0 : i32
    %c0_i32_0 = arith.constant 0 : i32
    %c0_i32_1 = arith.constant 0 : i32
    return %c0_i32, %c0_i32_0 : i32, i32
  }
  func.func @transform_3(%arg0: i32) -> (i32, i32) {
    %c0_i32 = arith.constant 0 : i32
    %c0_i32_0 = arith.constant 0 : i32
    return %arg0, %c0_i32 : i32, i32
  }
}

</mosaic_0001>

<sc_bundles>
// kernel: kernel.11.cloned.1.call-start
scs
__scs_entry_jumppad:
0x0: {  	(pc) =	sbr.rel $0x88, $3  }
0x1: {  	(tag) =	ssettag $0x0;
	lr =	simm.s32 $0x1  }
0x2: {  	[smem:$0x3F9B] =	sst lr;
	_ =	strace $0xD0000000  }
0x3: {  	_ = 	snop  }
0x4: {  	_ = 	snop  }
0x5: {  	_ = 	snop  }
0x6: {  	_ = 	snop  }
0x7: {  	_ = 	snop  }
__scs_overlays_trampoline_lowered:
0x8: {  	[smem:$0x3FAA] =	sst s0  }
0x9: {  	[smem:$0x3FAB] =	sst s1  }
0xa: {  	[smem:$0x3FAC] =	sst s2  }
0xb: {  	[smem:$0x3FAD] =	sst s3  }
0xc: {  	[smem:$0x3FAE] =	sst s4  }
0xd: {  	[smem:$0x3FAF] =	sst s5  }
0xe: {  	[smem:$0x3FB0] =	sst s6  }
0xf: {  	[smem:$0x3FB1] =	sst s7  }
0x10: {  	[smem:$0x3FB2] =	sst s8  }
0x11: {  	[smem:$0x3FB3] =	sst s9;
	s0 =	simm.s32 @!p0 $0x0  }
0x12: {  	s1 =	sld [smem:$0x3F99];
	s0 =	simm.s32 @p0 $0x1  }
0x13: {  	[smem:$0x3FB4] =	sst s0;
	s0 =	simm.s32 @!p1 $0x0  }
0x14: {  	s2 =	sld [smem:$0x3F98];
	s0 =	simm.s32 @p1 $0x1  }
0x15: {  	[smem:$0x3FB5] =	sst s0;
	s0 =	simm.s32 @!p2 $0x0  }
0x16: {  	s3 =	sld [smem:$0x3FDB];
	s0 =	simm.s32 @p2 $0x1  }
0x17: {  	s4 =	simm.s32 $0x1BF5;
	[smem:$0x3FB7] =	sst s0  }
0x18: {  	s0 =	sld [smem:$0x3F9A];
	_ =	swait.ge [sflag:s4], $0x0  }
0x19: {  	s7 =	sld [smem:$0x3F9B]  }
0x1a: {  	s8 =	sadd.s32 $0xFFFFE003, lr  }
0x1b: {  	s9 =	sadd.s32 $0xFFFFFEF7, lr;
	s5 =	simm.s32 $0xFFFFFFFF;
	p2 =	slt.u32 s8, $0xFFFFF086  }
0x1c: {  	p1 =	slt.u32 s9, $0xF7A;
	s5 =	simm.s32 @!p2 $0x0  }
0x1d: {  	s5 =	simm.s32 @p1 $0x1;
	p0 =	seq.s32 s7, s2  }
0x1e: {  	s7 =	smul.u32 @!p0 $0xF7A, s2;
	p2 =	seq.s32 @!p0 s5, $0x0  }
0x1f: {  	s9 =	smul.u32 $0xF7A, s1;
	s8 =	simm.s32 @!p0 $0x1BF5;
	p2 =	por !p2, p0  }
0x20: {  	[sflag:s8] =	ssyncset.s32 @!p0 $0xFFFFF086;
	s6 =	sadd.s32 @!p0 s3, s7;
	s7 =	simm.s32 @!p0 $0x108  }
0x21: {  	s3 =	sadd.s32 s3, s9;
	s6 =	sadd.s32 @!p0 $0x88, s6;
	s7 =	simm.s32 @p2 $0x1082  }
0x22: {  	[simem:s7], [sflag:s8] =	dma.local @!p0 [hbm:s6], $0xF7A  }
0x23: {  	s9 =	sor.u32 $0xD0000000, s2;
	s6 =	simm.s32 $0x108;
	_ =	swait.ge @!p0 [sflag:s8], $0x0  }
0x24: {  	s3 =	sadd.s32 $0x88, s3;
	s6 =	simm.s32 @!p1 $0x1082;
	[sflag:s4] =	ssyncset.s32 $0xFFFFF086  }
0x25: {  	[simem:s6], [sflag:s4] =	dma.local [hbm:s3], $0xF7A  }
0x26: {  	[smem:$0x3F9B] =	sst s1;
	(tag) =	ssettag s2;
	_ =	strace s9  }
0x27: {  	s1 =	sld [smem:$0x3FAB]  }
0x28: {  	s2 =	sld [smem:$0x3FAC]  }
0x29: {  	s4 =	sld [smem:$0x3FAE]  }
0x2a: {  	p0 =	seq.s32 s5, $0x0;
	s5 =	sld [smem:$0x3FAF]  }
0x2b: {  	s6 =	sld [smem:$0x3FB0]  }
0x2c: {  	s7 =	sld [smem:$0x3FB1]  }
0x2d: {  	s3 =	simm.s32 $0x108;
	s8 =	sld [smem:$0x3FB2]  }
0x2e: {  	s3 =	simm.s32 @!p0 $0x1082;
	s9 =	sld [smem:$0x3FB3]  }
0x2f: {  	lr =	sadd.s32 s0, s3;
	s0 =	sld [smem:$0x3FAA]  }
0x30: {  	s3 =	sld [smem:$0x3FAD]  }
0x31: {  	[smem:$0x3FB6] =	sst s10  }
0x32: {  	s10 =	sld [smem:$0x3FB4];
	_ =	sdelay $0x3  }
0x33: {  	p0 =	seq.s32 s10, $0x1;
	s10 =	sld [smem:$0x3FB6];
	_ =	sdelay $0x3  }
0x34: {  	[smem:$0x3FB6] =	sst s10  }
0x35: {  	s10 =	sld [smem:$0x3FB5];
	_ =	sdelay $0x3  }
0x36: {  	p1 =	seq.s32 s10, $0x1;
	s10 =	sld [smem:$0x3FB6];
	_ =	sdelay $0x3  }
0x37: {  	[smem:$0x3FB6] =	sst s10  }
0x38: {  	s10 =	sld [smem:$0x3FB7]  }
0x39: {  	_ = 	snop;
	(pc) =	sbr.ind lr, $3  }
0x3a: {  	_ = 	snop  }
0x3b: {  	_ = 	snop  }
0x3c: {  	p2 =	seq.s32 s10, $0x1;
	s10 =	sld [smem:$0x3FB6]  }
0x3d: {  	_ =	shalt  }
0x3e: {  	_ =	shalt  }
0x3f: {  	_ =	shalt  }
0x40: {  	_ =	shalt  }
0x41: {  	_ =	shalt  }
0x42: {  	_ =	shalt  }
0x43: {  	_ =	shalt  }
0x44: {  	_ =	shalt  }
0x45: {  	_ =	shalt  }
0x46: {  	_ =	shalt  }
0x47: {  	_ =	shalt  }
0x48: {  	_ =	shalt  }
0x49: {  	_ =	shalt  }
0x4a: {  	_ =	shalt  }
0x4b: {  	_ =	shalt  }
0x4c: {  	_ =	shalt  }
0x4d: {  	_ =	shalt  }
0x4e: {  	_ =	shalt  }
0x4f: {  	_ =	shalt  }
0x50: {  	_ =	shalt  }
0x51: {  	_ =	shalt  }
0x52: {  	_ =	shalt  }
0x53: {  	_ =	shalt  }
0x54: {  	_ =	shalt  }
0x55: {  	_ =	shalt  }
0x56: {  	_ =	shalt  }
0x57: {  	_ =	shalt  }
0x58: {  	_ =	shalt  }
0x59: {  	_ =	shalt  }
0x5a: {  	_ =	shalt  }
0x5b: {  	_ =	shalt  }
0x5c: {  	_ =	shalt  }
0x5d: {  	_ =	shalt  }
0x5e: {  	_ =	shalt  }
0x5f: {  	_ =	shalt  }
0x60: {  	_ =	shalt  }
0x61: {  	_ =	shalt  }
0x62: {  	_ =	shalt  }
0x63: {  	_ =	shalt  }
0x64: {  	_ =	shalt  }
0x65: {  	_ =	shalt  }
0x66: {  	_ =	shalt  }
0x67: {  	_ =	shalt  }
0x68: {  	_ =	shalt  }
0x69: {  	_ =	shalt  }
0x6a: {  	_ =	shalt  }
0x6b: {  	_ =	shalt  }
0x6c: {  	_ =	shalt  }
0x6d: {  	_ =	shalt  }
0x6e: {  	_ =	shalt  }
0x6f: {  	_ =	shalt  }
0x70: {  	_ =	shalt  }
0x71: {  	_ =	shalt  }
0x72: {  	_ =	shalt  }
0x73: {  	_ =	shalt  }
0x74: {  	_ =	shalt  }
0x75: {  	_ =	shalt  }
0x76: {  	_ =	shalt  }
0x77: {  	_ =	shalt  }
0x78: {  	_ =	shalt  }
0x79: {  	_ =	shalt  }
0x7a: {  	_ =	shalt  }
0x7b: {  	_ =	shalt  }
0x7c: {  	_ =	shalt  }
0x7d: {  	_ =	shalt  }
0x7e: {  	_ =	shalt  }
0x7f: {  	_ =	shalt  }
0x80: {  	_ =	shalt  }
0x81: {  	_ =	shalt  }
0x82: {  	_ =	shalt  }
0x83: {  	_ =	shalt  }
0x84: {  	_ =	shalt  }
0x85: {  	_ =	shalt  }
0x86: {  	_ =	shalt  }
0x87: {  	_ =	shalt  }
.Lfunc_end0:
.L_simem_size_0:
called_computation.1_lowered:
.L_overlay_start_0:
0x88: {  	s2 =	sld [smem:$0x3FD9]  }
0x89: {  	s3 =	sld [smem:$0x3FFE];
	_ =	sdelay $0x1  }
0x8a: {  	s1 =	srdreg.scid  }
0x8b: {  	s0 =	sand.u32 $0x1, s1  }
0x8c: {  	s16 =	sshll.u32 s0, $0xA;
	s2 =	sadd.s32 s3, s2  }
0x8d: {  	s2 =	sadd.s32 s2, s16  }
0x8e: {  	[smem:$0x3FC2] =	sst s2  }
0x8f: {  	_ = 	snop  }
0x90: {  	(tm) =	ssettm $0x1  }
0x91: {  	s17 =	sld [smem:$0x3FFB];
	_ =	sdelay $0x3  }
0x92: {  	_ =	strace s17  }
0x93: {  	s2 =	sld [smem:$0x3FFC];
	_ =	sdelay $0x3  }
0x94: {  	_ =	strace s2  }
0x95: {  	s2 =	sld [smem:$0x3FFD];
	_ =	sdelay $0x3  }
0x96: {  	_ =	strace s2  }
0x97: {  	_ =	strace $0x8FFFFFFF  }
0x98: {  	s18 =	sld [smem:$0x3FDB];
	_ =	sdelay $0x1  }
0x99: {  	s19 =	simm.s32 $_scs_section_size  }
0x9a: {  	s4 =	simm.s32 $_size__tile_overlayer_lowered;
	s5 =	simm.s32 $_tile_overlayer_lowered  }
0x9b: {  	s22 =	simm.s32 $0x1BFF;
	s21 =	sshll.u32 s5, $0x1;
	s2 =	sadd.s32 s19, s18  }
0x9c: {  	s6 =	simm.s32 $0x0;
	s20 =	sshll.u32 s4, $0x1;
	s4 =	sadd.s32 s21, s2  }
0x9d: {  	[timem:s6], [sflag:s22] =	dma.local [hbm:s4], s20  }
0x9e: {  	_ =	swait.ge [sflag:s22], s20  }
0x9f: {  	s3 =	ssub.s32 $0x0, s20;
	[sflag:s22] =	ssyncset.done $0x0  }
0xa0: {  	[sflag:s22] =	ssyncadd.s32 s3;
	_ =	sdelay $0x1  }
0xa1: {  	s23 =	simm.s32 $0x1B8B  }
0xa2: {  	_ =	swait.ge [sflag:s23], $0x1  }
0xa3: {  	[sflag:s23] =	ssyncset.done $0x0  }
0xa4: {  	s25 =	simm.s32 $0x1B8E;
	s24 =	sld [smem:$0x3FFE];
	[sflag:s23] =	ssyncadd.s32 $0xFFFFFFFF  }
0xa5: {  	s26 =	simm.s32 $execute0_lowered;
	[smem:$0x3FD2] =	sst s25  }
0xa6: {  	s4 =	sshll.u32 s26, $0x1;
	_ =	strace $0x80000049;
	[dreg:$0x1] =	wrdreg $0xFFFFFFFF  }
0xa7: {  	s28 =	simm.s32 $_size_execute0_lowered;
	s2 =	sadd.s32 s2, s4;
	[dreg:$0x0] =	wrdreg $0x0  }
0xa8: {  	s4 =	sshll.u32 s28, $0x1;
	[dreg:$0x2] =	wrdreg s2  }
0xa9: {  	[dreg:$0x3] =	wrdreg s4  }
0xaa: {  	[dreg:$0x4] =	wrdreg $0xC0  }
0xab: {  	_ =	task [dreg:s6], $0x5FFFF  }
0xac: {  	[dreg:$0x1] =	wrdreg $0xFFFFFFFF  }
0xad: {  	[dreg:$0x0] =	wrdreg $0x60  }
0xae: {  	[dreg:$0x2] =	wrdreg s24  }
0xaf: {  	[dreg:$0x3] =	wrdreg $0xA8000  }
0xb0: {  	[dreg:$0x4] =	wrdreg $0x9  }
0xb1: {  	_ =	task.clear_ibuf [dreg:s6], $0x5FFFF;
	_ =	strace $0x90000049  }
0xb2: {  	s29 =	simm.s32 $0x9;
	_ =	strace $0x8000004B  }
0xb3: {  	_ =	swait.ge [sflag:s29], $0x1  }
0xb4: {  	[sflag:s29] =	ssyncadd.s32 $0xFFFFFFFF  }
0xb5: {  	_ =	strace $0x9000004B  }
0xb6: {  	_ =	sfence  }
0xb7: {  	s30 =	sld [smem:$0x0];
	_ =	sdelay $0x2  }
0xb8: {  	s31 =	sshll.u32 s1, $0xD;
	s1 =	sshrl.u32 s1, $0x2  }
0xb9: {  	s3 =	sand.u32 $0x4000, s31;
	s1 =	sadd.s32 s1, s30  }
0xba: {  	s0 =	sor.u32 s3, s0;
	s1 =	sshll.u32 s1, $0x11  }
0xbb: {  	s0 =	sor.u32 s1, s0  }
0xbc: {  	s0 =	sadd.s32 $0x8F2B, s0  }
0xbd: {  	[sflag:s0] =	ssyncadd.remote.s32 $0x1  }
0xbe: {  	_ =	sfence.sel $0xFFFF  }
0xbf: {  	[dreg:$0x0] =	wrdreg $0xFFFFFFFF;
	(pc) =	sbr.abs _section_cstart, $3  }
0xc0: {  	[dreg:$0x1] =	wrdreg $0xFFFFFFFF  }
0xc1: {  	_ =	task.clear_ibuf [dreg:s6], $0x2FFFF;
	_ =	strace $0x9FFFFFFF  }
0xc2: {  	(tm) =	ssettm $0x7FFFFFFF  }
0xc3: {  	_ =	shalt  }
tec
execute0_lowered:
.L_overlay_start_1:
0x0: {  	(tag) =	ssettag $0x1  }
0x1: {  	s0 =	rddreg [dreg:$0x0];
	s7 =	stileid.u32  }
0x2: {  	s1 =	rddreg [dreg:$0x1];
	s19 =	smul.u32 $0x280, s7  }
0x3: {  	s2 =	srdreg.scid;
	s3 =	simm.s32 $0x0;
	s6 =	smul.u32 $0x580, s7  }
0x4: {  	s31 =	simm.s32 $0x2;
	s2 =	sand.u32 $0x1, s2;
	s7 =	smul.u32 $0x50000, s7  }
0x5: {  	[smem:$0x7FF] =	sst s3;
	s4 =	sadd.s32 $0x11A00, s0;
	s5 =	smul.u32 $0x2800, s2  }
0x6: {  	_ =	strace $0x8000004A;
	s2 =	ssub.s32 $0x2, s2;
	s6 =	sadd.s32 s6, s0  }
0x7: {  	s8 =	sshrl.u32 s2, $0x1;
	s20 =	sshrl.u32 s7, $0x2;
	s3 =	sadd.s32 s19, s5  }
0x8: {  	s2 =	ssub.s32 s2, s8;
	s21 =	sadd.s32 $0xC200, s6;
	s6 =	sadd.s32 $0x6A00, s6  }
0x9: {  	s7 =	sadd.s32 s20, s1;
	v0 =	vmov s5;
	s5 =	simm.s32 $0x1;
	[dreg:$0x3] =	wrdreg s21  }
0xa: {  	s3 =	sshll.u32 s3, $0x4;
	[dreg:$0x4] =	wrdreg s6;
	s11 =	sadd.s32 $0x1000, s7  }
0xb: {  	s22 =	sadd.s32 $0x3000, s7;
	s23 =	sadd.s32 $0x4000, s7;
	s24 =	sadd.s32 $0x5000, s7  }
0xc: {  	s13 =	sadd.s32 $0x6000, s7;
	s14 =	sadd.s32 $0x7000, s7;
	s15 =	sadd.s32 $0x8000, s7  }
0xd: {  	s16 =	sadd.s32 $0x9000, s7;
	s17 =	sadd.s32 $0xA000, s7;
	s18 =	sadd.s32 $0xB000, s7  }
0xe: {  	s19 =	sadd.s32 $0xC000, s7;
	s20 =	sadd.s32 $0xD000, s7;
	s21 =	sadd.s32 $0xE000, s7  }
0xf: {  	s26 =	smax.u32 s2, $0x1;
	s28 =	sadd.s32 $0x11000, s7;
	[dreg:$0x6] =	wrdreg s22  }
0x10: {  	s29 =	sadd.s32 $0x12000, s7;
	s30 =	sadd.s32 $0x13000, s7;
	[dreg:$0x7] =	wrdreg s23  }
0x11: {  	s2 =	simm.s32 $0x80;
	s0 =	sadd.s32 s3, s0;
	[dreg:$0x8] =	wrdreg s24  }
0x12: {  	s3 =	sadd.s32 $0x2000, s7;
	[dreg:$0xb] =	wrdreg s26;
	s26 =	sadd.s32 $0x10000, s7  }
0x13: {  	s22 =	simm.s32 $0x0;
	[dreg:$0x5] =	wrdreg s3;
	s25 =	sadd.s32 $0xB1A00, s0  }
0x14: {  	s0 =	sadd.s32 $0x101A00, s0;
	s3 =	simm.s32 $0x5800;
	[dreg:$0x9] =	wrdreg s25  }
0x15: {  	v1 =	vimm.f32 $0.0e+00;
	[dreg:$0xa] =	wrdreg s0;
	s25 =	sadd.s32 $0xF000, s7;
	s0 =	simm.s32 $0x9800  }
.LBB2_1:
0x16: {  	s6 =	simm.s32 $0x0;
	s8 =	rddreg [dreg:$0x3]  }
0x17: {  	[tilespmem:s6], [sflag:$0x2] =	stream.linear.gather [hbm4b:s8+s6], $0x2A00, $0x38;
	[tilespmem:$0x1E800] =	vst v63  }
0x18: {  	_ =	swait.ge [sflag:s31], $0x2A00  }
0x19: {  	[sflag:s31] =	ssyncset.done $0x0  }
0x1a: {  	s9 =	simm.s32 $0x2C00;
	s24 =	rddreg [dreg:$0x4];
	[sflag:s31] =	ssyncadd.s32 $0xFFFFD600  }
0x1b: {  	[tilespmem:s9], [sflag:$0x2] =	stream.linear.gather [hbm4b:s24+s6], $0x2A00, $0x38;
	[tilespmem:$0x1E800] =	vst v63  }
0x1c: {  	_ =	swait.ge [sflag:s31], $0x2A00  }
0x1d: {  	[sflag:s31] =	ssyncset.done $0x0  }
0x1e: {  	s8 =	simm.s32 $0x0;
	s6 =	simm.s32 $0x0;
	[sflag:s31] =	ssyncadd.s32 $0xFFFFD600  }
.LBB2_2:
0x1f: {  	p0 =	sne.s32 s8, $0x3FC0  }
.Ltmp0:
0x20: {  	_ = 	snop;
	(pc) =	sbr.rel @p0 .LBB2_2-.Ltmp0, $4  }
0x21: {  	s9 =	sand.u32 $0x3E00, s8  }
0x22: {  	s10 =	sand.u32 $0x70, s6;
	s9 =	sshrl.u32 s9, $0x2  }
0x23: {  	s9 =	sor.u32 s10, s9  }
0x24: {  	s6 =	sadd.s32 $0x10, s6;
	s8 =	sadd.s32 $0x40, s8;
	[tilespmem:s9+$0x9800] =	vst v1  }
0x25: {  	s6 =	simm.s32 $0x0  }
0x26: {  	s8 =	sand.u32 $0xFE00, s6  }
0x27: {  	s6 =	sand.u32 $0x70, s6;
	s8 =	sshrl.u32 s8, $0x2  }
0x28: {  	s23 =	sor.u32 s6, s8  }
0x29: {  	v2 =	vld [tilespmem:s23+$0x0];
	_ =	sdelay $0x2  }
0x2a: {  	s9 =	simm.s32 $0x40  }
0x2b: {  	s9 =	sand.u32 $0xFE00, s9;
	s8 =	simm.s32 $0x80;
	s6 =	simm.s32 $0x10  }
.LBB2_4:
0x2c: {  	p0 =	sne.s32 s8, $0xA7C0;
	s10 =	sand.u32 $0x70, s6;
	s9 =	sshrl.u32 s9, $0x2;
	v2 =	vadd.s32 v0, v2  }
0x2d: {  	[tilespmem:s23+$0x0] =	vst v2;
	s23 =	sor.u32 s10, s9  }
.Ltmp1:
0x2e: {  	v2 =	vld [tilespmem:s23+$0x0];
	(pc) =	sbr.rel @p0 .LBB2_4-.Ltmp1, $2  }
0x2f: {  	_ =	sdelay $0x2  }
0x30: {  	s6 =	sadd.s32 $0x10, s6;
	s9 =	sand.u32 $0xFE00, s8;
	s8 =	sadd.s32 $0x40, s8  }
0x31: {  	s6 =	sand.u32 $0x70, s6;
	s8 =	sshrl.u32 s9, $0x2;
	v2 =	vadd.s32 v0, v2  }
0x32: {  	s6 =	sor.u32 s6, s8;
	[tilespmem:s23+$0x0] =	vst v2  }
0x33: {  	v2 =	vld [tilespmem:s6+$0x0];
	_ =	sdelay $0x4  }
0x34: {  	v2 =	vadd.s32 v0, v2  }
0x35: {  	[tilespmem:s6+$0x0] =	vst v2  }
0x36: {  	[spmem:s7] =	stream.linear.scatter [tilespmem:s0], [sflag:$0x2], $0x1000, $0x38;
	[tilespmem:$0x1E800] =	vst v63  }
0x37: {  	_ =	swait.ge [sflag:s31], $0x1000  }
0x38: {  	[sflag:s31] =	ssyncset.done $0x0  }
0x39: {  	[sflag:s31] =	ssyncadd.s32 $0xFFFFF000  }
0x3a: {  	[spmem:s11] =	stream.linear.scatter [tilespmem:s0], [sflag:$0x2], $0x1000, $0x38;
	[tilespmem:$0x1E800] =	vst v63  }
0x3b: {  	_ =	swait.ge [sflag:s31], $0x1000  }
0x3c: {  	[sflag:s31] =	ssyncset.done $0x0  }
0x3d: {  	s8 =	rddreg [dreg:$0x5];
	[sflag:s31] =	ssyncadd.s32 $0xFFFFF000  }
0x3e: {  	[spmem:s8] =	stream.linear.scatter [tilespmem:s0], [sflag:$0x2], $0x1000, $0x38;
	[tilespmem:$0x1E800] =	vst v63  }
0x3f: {  	_ =	swait.ge [sflag:s31], $0x1000  }
0x40: {  	[sflag:s31] =	ssyncset.done $0x0  }
0x41: {  	s9 =	rddreg [dreg:$0x6];
	[sflag:s31] =	ssyncadd.s32 $0xFFFFF000  }
0x42: {  	[spmem:s9] =	stream.linear.scatter [tilespmem:s0], [sflag:$0x2], $0x1000, $0x38;
	[tilespmem:$0x1E800] =	vst v63  }
0x43: {  	_ =	swait.ge [sflag:s31], $0x1000  }
0x44: {  	[sflag:s31] =	ssyncset.done $0x0  }
0x45: {  	s10 =	rddreg [dreg:$0x7];
	[sflag:s31] =	ssyncadd.s32 $0xFFFFF000  }
0x46: {  	[spmem:s10] =	stream.linear.scatter [tilespmem:s0], [sflag:$0x2], $0x1000, $0x38;
	[tilespmem:$0x1E800] =	vst v63  }
0x47: {  	_ =	swait.ge [sflag:s31], $0x1000  }
0x48: {  	[sflag:s31] =	ssyncset.done $0x0  }
0x49: {  	s12 =	smov.u32 s11;
	s11 =	rddreg [dreg:$0x8];
	[sflag:s31] =	ssyncadd.s32 $0xFFFFF000  }
0x4a: {  	[spmem:s11] =	stream.linear.scatter [tilespmem:s0], [sflag:$0x2], $0x1000, $0x38;
	[tilespmem:$0x1E800] =	vst v63  }
0x4b: {  	_ =	swait.ge [sflag:s31], $0x1000  }
0x4c: {  	[sflag:s31] =	ssyncset.done $0x0  }
0x4d: {  	[sflag:s31] =	ssyncadd.s32 $0xFFFFF000  }
0x4e: {  	[spmem:s13] =	stream.linear.scatter [tilespmem:s0], [sflag:$0x2], $0x1000, $0x38;
	[tilespmem:$0x1E800] =	vst v63  }
0x4f: {  	_ =	swait.ge [sflag:s31], $0x1000  }
0x50: {  	[sflag:s31] =	ssyncset.done $0x0  }
0x51: {  	[sflag:s31] =	ssyncadd.s32 $0xFFFFF000  }
0x52: {  	[spmem:s14] =	stream.linear.scatter [tilespmem:s0], [sflag:$0x2], $0x1000, $0x38;
	[tilespmem:$0x1E800] =	vst v63  }
0x53: {  	_ =	swait.ge [sflag:s31], $0x1000  }
0x54: {  	[sflag:s31] =	ssyncset.done $0x0  }
0x55: {  	[sflag:s31] =	ssyncadd.s32 $0xFFFFF000  }
0x56: {  	[spmem:s15] =	stream.linear.scatter [tilespmem:s0], [sflag:$0x2], $0x1000, $0x38;
	[tilespmem:$0x1E800] =	vst v63  }
0x57: {  	_ =	swait.ge [sflag:s31], $0x1000  }
0x58: {  	[sflag:s31] =	ssyncset.done $0x0  }
0x59: {  	[sflag:s31] =	ssyncadd.s32 $0xFFFFF000  }
0x5a: {  	[spmem:s16] =	stream.linear.scatter [tilespmem:s0], [sflag:$0x2], $0x1000, $0x38;
	[tilespmem:$0x1E800] =	vst v63  }
0x5b: {  	_ =	swait.ge [sflag:s31], $0x1000  }
0x5c: {  	[sflag:s31] =	ssyncset.done $0x0  }
0x5d: {  	[sflag:s31] =	ssyncadd.s32 $0xFFFFF000  }
0x5e: {  	[spmem:s17] =	stream.linear.scatter [tilespmem:s0], [sflag:$0x2], $0x1000, $0x38;
	[tilespmem:$0x1E800] =	vst v63  }
0x5f: {  	_ =	swait.ge [sflag:s31], $0x1000  }
0x60: {  	[sflag:s31] =	ssyncset.done $0x0  }
0x61: {  	[sflag:s31] =	ssyncadd.s32 $0xFFFFF000  }
0x62: {  	[spmem:s18] =	stream.linear.scatter [tilespmem:s0], [sflag:$0x2], $0x1000, $0x38;
	[tilespmem:$0x1E800] =	vst v63  }
0x63: {  	_ =	swait.ge [sflag:s31], $0x1000  }
0x64: {  	[sflag:s31] =	ssyncset.done $0x0  }
0x65: {  	[sflag:s31] =	ssyncadd.s32 $0xFFFFF000  }
0x66: {  	[spmem:s19] =	stream.linear.scatter [tilespmem:s0], [sflag:$0x2], $0x1000, $0x38;
	[tilespmem:$0x1E800] =	vst v63  }
0x67: {  	_ =	swait.ge [sflag:s31], $0x1000  }
0x68: {  	[sflag:s31] =	ssyncset.done $0x0  }
0x69: {  	[sflag:s31] =	ssyncadd.s32 $0xFFFFF000  }
0x6a: {  	[spmem:s20] =	stream.linear.scatter [tilespmem:s0], [sflag:$0x2], $0x1000, $0x38;
	[tilespmem:$0x1E800] =	vst v63  }
0x6b: {  	_ =	swait.ge [sflag:s31], $0x1000  }
0x6c: {  	[sflag:s31] =	ssyncset.done $0x0  }
0x6d: {  	[sflag:s31] =	ssyncadd.s32 $0xFFFFF000  }
0x6e: {  	[spmem:s21] =	stream.linear.scatter [tilespmem:s0], [sflag:$0x2], $0x1000, $0x38;
	[tilespmem:$0x1E800] =	vst v63  }
0x6f: {  	_ =	swait.ge [sflag:s31], $0x1000  }
0x70: {  	[sflag:s31] =	ssyncset.done $0x0  }
0x71: {  	[sflag:s31] =	ssyncadd.s32 $0xFFFFF000  }
0x72: {  	[spmem:s25] =	stream.linear.scatter [tilespmem:s0], [sflag:$0x2], $0x1000, $0x38;
	[tilespmem:$0x1E800] =	vst v63  }
0x73: {  	_ =	swait.ge [sflag:s31], $0x1000  }
0x74: {  	[sflag:s31] =	ssyncset.done $0x0  }
0x75: {  	[sflag:s31] =	ssyncadd.s32 $0xFFFFF000  }
0x76: {  	[spmem:s26] =	stream.linear.scatter [tilespmem:s0], [sflag:$0x2], $0x1000, $0x38;
	[tilespmem:$0x1E800] =	vst v63  }
0x77: {  	_ =	swait.ge [sflag:s31], $0x1000  }
0x78: {  	[sflag:s31] =	ssyncset.done $0x0  }
0x79: {  	[sflag:s31] =	ssyncadd.s32 $0xFFFFF000  }
0x7a: {  	[spmem:s28] =	stream.linear.scatter [tilespmem:s0], [sflag:$0x2], $0x1000, $0x38;
	[tilespmem:$0x1E800] =	vst v63  }
0x7b: {  	_ =	swait.ge [sflag:s31], $0x1000  }
0x7c: {  	[sflag:s31] =	ssyncset.done $0x0  }
0x7d: {  	[sflag:s31] =	ssyncadd.s32 $0xFFFFF000  }
0x7e: {  	[spmem:s29] =	stream.linear.scatter [tilespmem:s0], [sflag:$0x2], $0x1000, $0x38;
	[tilespmem:$0x1E800] =	vst v63  }
0x7f: {  	_ =	swait.ge [sflag:s31], $0x1000  }
0x80: {  	[sflag:s31] =	ssyncset.done $0x0  }
0x81: {  	[sflag:s31] =	ssyncadd.s32 $0xFFFFF000  }
0x82: {  	[spmem:s30] =	stream.linear.scatter [tilespmem:s0], [sflag:$0x2], $0x1000, $0x38;
	[tilespmem:$0x1E800] =	vst v63  }
0x83: {  	_ =	swait.ge [sflag:s31], $0x1000  }
0x84: {  	[sflag:s31] =	ssyncset.done $0x0  }
0x85: {  	[sflag:s31] =	ssyncadd.s32 $0xFFFFF000  }
0x86: {  	s23 =	simm.s32 $0x0;
	[bflag:$0x0] =	sbarrier.arrive $0xFFFF  }
0x87: {  	[tilespmem:s3], [sflag:$0x1] =	stream.indirect.gather [hbm4b:s4+s2], $0x80, s23, s2, $0xb8;
	[tilespmem:$0x1E800] =	vst v63  }
0x88: {  	_ =	swait.ge [sflag:s5], $0x4000  }
0x89: {  	[sflag:s5] =	ssyncset.done $0x0  }
0x8a: {  	s24 =	simm.s32 $0x2C00;
	[sflag:s5] =	ssyncadd.s32 $0xFFFFC000  }
0x8b: {  	[spmem:s1] =	stream.indirect.scatter.add.f32 [tilespmem:s3], [sflag:$0x2], $0x80, s24, s2, $0xb8;
	[tilespmem:$0x1E800] =	vst v63  }
0x8c: {  	_ =	swait.ge [sflag:s31], $0x4000  }
0x8d: {  	[sflag:s31] =	ssyncset.done $0x0  }
0x8e: {  	s6 =	simm.s32 $0x200;
	s8 =	simm.s32 $0x80;
	[sflag:s31] =	ssyncadd.s32 $0xFFFFC000  }
.LBB2_6:
0x8f: {  	[tilespmem:s3], [sflag:$0x1] =	stream.indirect.gather [hbm4b:s4+s2], $0x80, s8, s2, $0xb8;
	[tilespmem:$0x1E800] =	vst v63  }
0x90: {  	s8 =	smov.u32 s6  }
0x91: {  	p0 =	sne.s32 s6, $0xA400;
	s6 =	sadd.s32 $0x200, s6;
	_ =	swait.ge [sflag:s5], $0x4000  }
0x92: {  	s8 =	sshra.s32 s8, $0x2;
	[sflag:s5] =	ssyncset.done $0x0  }
.Ltmp2:
0x93: {  	s9 =	sadd.s32 $0x2C00, s8;
	[sflag:s5] =	ssyncadd.s32 $0xFFFFC000;
	(pc) =	sbr.rel @p0 .LBB2_6-.Ltmp2, $4  }
0x94: {  	[spmem:s1] =	stream.indirect.scatter.add.f32 [tilespmem:s3], [sflag:$0x2], $0x80, s9, s2, $0xb8;
	[tilespmem:$0x1E800] =	vst v63  }
0x95: {  	_ =	swait.ge [sflag:s31], $0x4000  }
0x96: {  	[sflag:s31] =	ssyncset.done $0x0  }
0x97: {  	s8 =	sadd.s32 $0x80, s8;
	[sflag:s31] =	ssyncadd.s32 $0xFFFFC000  }
0x98: {  	[tilespmem:s3], [sflag:$0x1] =	stream.indirect.gather [hbm4b:s4+s2], $0x80, s8, s2, $0xb8;
	[tilespmem:$0x1E800] =	vst v63  }
0x99: {  	_ =	swait.ge [sflag:s5], $0x4000  }
0x9a: {  	[sflag:s5] =	ssyncset.done $0x0  }
0x9b: {  	s6 =	simm.s32 $0x5580;
	[sflag:s5] =	ssyncadd.s32 $0xFFFFC000  }
0x9c: {  	[spmem:s1] =	stream.indirect.scatter.add.f32 [tilespmem:s3], [sflag:$0x2], $0x80, s6, s2, $0xb8;
	[tilespmem:$0x1E800] =	vst v63  }
0x9d: {  	_ =	swait.ge [sflag:s31], $0x4000  }
0x9e: {  	[sflag:s31] =	ssyncset.done $0x0  }
0x9f: {  	s8 =	stileid.u32;
	[sflag:s31] =	ssyncadd.s32 $0xFFFFC000  }
0xa0: {  	s6 =	sshll.u32 s8, $0x6;
	[bflag:$0x0] =	sbarrier.arrive $0xFFFF  }
0xa1: {  	s24 =	sshrl.u32 s7, $0x3;
	s23 =	sor.u32 $0x1C02, s6;
	s9 =	rddreg [dreg:$0x9]  }
0xa2: {  	[hbm:s9], [sflag:s23] =	dma.local [spmem:s24], $0x2800  }
0xa3: {  	s10 =	simm.s32 $0x0;
	_ =	swait.ge [sflag:s31], $0x2800  }
0xa4: {  	s11 =	sand.u32 $0xFE00, s10;
	[sflag:s31] =	ssyncset.done $0x0  }
0xa5: {  	s8 =	sshrl.u32 s11, $0x2;
	s6 =	sand.u32 $0x70, s10;
	[sflag:s31] =	ssyncadd.s32 $0xFFFFD800  }
0xa6: {  	s6 =	sor.u32 s6, s8;
	[bflag:$0x0] =	sbarrier.arrive $0xFFFF  }
0xa7: {  	v2 =	vld [tilespmem:s6+$0x0];
	_ =	sdelay $0x2  }
0xa8: {  	s9 =	simm.s32 $0x40  }
0xa9: {  	s8 =	simm.s32 $0x10;
	s10 =	sand.u32 $0xFE00, s9;
	s9 =	simm.s32 $0x80  }
.LBB2_8:
0xaa: {  	p0 =	sne.s32 s9, $0xA7C0;
	s11 =	sand.u32 $0x70, s8;
	s10 =	sshrl.u32 s10, $0x2;
	v2 =	vadd.s32 $0x5000, v2  }
0xab: {  	[tilespmem:s6+$0x0] =	vst v2;
	s6 =	sor.u32 s11, s10  }
.Ltmp3:
0xac: {  	v2 =	vld [tilespmem:s6+$0x0];
	(pc) =	sbr.rel @p0 .LBB2_8-.Ltmp3, $2  }
0xad: {  	_ =	sdelay $0x2  }
0xae: {  	s8 =	sadd.s32 $0x10, s8;
	s10 =	sand.u32 $0xFE00, s9;
	s9 =	sadd.s32 $0x40, s9  }
0xaf: {  	s8 =	sand.u32 $0x70, s8;
	s9 =	sshrl.u32 s10, $0x2;
	v2 =	vadd.s32 $0x5000, v2  }
0xb0: {  	s8 =	sor.u32 s8, s9;
	[tilespmem:s6+$0x0] =	vst v2  }
0xb1: {  	v2 =	vld [tilespmem:s8+$0x0];
	_ =	sdelay $0x4  }
0xb2: {  	v2 =	vadd.s32 $0x5000, v2  }
0xb3: {  	[tilespmem:s8+$0x0] =	vst v2  }
0xb4: {  	[spmem:s7] =	stream.linear.scatter [tilespmem:s0], [sflag:$0x2], $0x1000, $0x38;
	[tilespmem:$0x1E800] =	vst v63  }
0xb5: {  	_ =	swait.ge [sflag:s31], $0x1000  }
0xb6: {  	[sflag:s31] =	ssyncset.done $0x0  }
0xb7: {  	[sflag:s31] =	ssyncadd.s32 $0xFFFFF000  }
0xb8: {  	[spmem:s12] =	stream.linear.scatter [tilespmem:s0], [sflag:$0x2], $0x1000, $0x38;
	[tilespmem:$0x1E800] =	vst v63  }
0xb9: {  	_ =	swait.ge [sflag:s31], $0x1000  }
0xba: {  	[sflag:s31] =	ssyncset.done $0x0  }
0xbb: {  	s10 =	rddreg [dreg:$0x5];
	[sflag:s31] =	ssyncadd.s32 $0xFFFFF000  }
0xbc: {  	[spmem:s10] =	stream.linear.scatter [tilespmem:s0], [sflag:$0x2], $0x1000, $0x38;
	[tilespmem:$0x1E800] =	vst v63  }
0xbd: {  	_ =	swait.ge [sflag:s31], $0x1000  }
0xbe: {  	[sflag:s31] =	ssyncset.done $0x0  }
0xbf: {  	s11 =	smov.u32 s12;
	s12 =	rddreg [dreg:$0x6];
	[sflag:s31] =	ssyncadd.s32 $0xFFFFF000  }
0xc0: {  	[spmem:s12] =	stream.linear.scatter [tilespmem:s0], [sflag:$0x2], $0x1000, $0x38;
	[tilespmem:$0x1E800] =	vst v63  }
0xc1: {  	_ =	swait.ge [sflag:s31], $0x1000  }
0xc2: {  	[sflag:s31] =	ssyncset.done $0x0  }
0xc3: {  	s8 =	rddreg [dreg:$0x7];
	[sflag:s31] =	ssyncadd.s32 $0xFFFFF000  }
0xc4: {  	[spmem:s8] =	stream.linear.scatter [tilespmem:s0], [sflag:$0x2], $0x1000, $0x38;
	[tilespmem:$0x1E800] =	vst v63  }
0xc5: {  	_ =	swait.ge [sflag:s31], $0x1000  }
0xc6: {  	[sflag:s31] =	ssyncset.done $0x0  }
0xc7: {  	s9 =	rddreg [dreg:$0x8];
	[sflag:s31] =	ssyncadd.s32 $0xFFFFF000  }
0xc8: {  	[spmem:s9] =	stream.linear.scatter [tilespmem:s0], [sflag:$0x2], $0x1000, $0x38;
	[tilespmem:$0x1E800] =	vst v63  }
0xc9: {  	_ =	swait.ge [sflag:s31], $0x1000  }
0xca: {  	[sflag:s31] =	ssyncset.done $0x0  }
0xcb: {  	[sflag:s31] =	ssyncadd.s32 $0xFFFFF000  }
0xcc: {  	[spmem:s13] =	stream.linear.scatter [tilespmem:s0], [sflag:$0x2], $0x1000, $0x38;
	[tilespmem:$0x1E800] =	vst v63  }
0xcd: {  	_ =	swait.ge [sflag:s31], $0x1000  }
0xce: {  	[sflag:s31] =	ssyncset.done $0x0  }
0xcf: {  	[sflag:s31] =	ssyncadd.s32 $0xFFFFF000  }
0xd0: {  	[spmem:s14] =	stream.linear.scatter [tilespmem:s0], [sflag:$0x2], $0x1000, $0x38;
	[tilespmem:$0x1E800] =	vst v63  }
0xd1: {  	_ =	swait.ge [sflag:s31], $0x1000  }
0xd2: {  	[sflag:s31] =	ssyncset.done $0x0  }
0xd3: {  	[sflag:s31] =	ssyncadd.s32 $0xFFFFF000  }
0xd4: {  	[spmem:s15] =	stream.linear.scatter [tilespmem:s0], [sflag:$0x2], $0x1000, $0x38;
	[tilespmem:$0x1E800] =	vst v63  }
0xd5: {  	_ =	swait.ge [sflag:s31], $0x1000  }
0xd6: {  	[sflag:s31] =	ssyncset.done $0x0  }
0xd7: {  	[sflag:s31] =	ssyncadd.s32 $0xFFFFF000  }
0xd8: {  	[spmem:s16] =	stream.linear.scatter [tilespmem:s0], [sflag:$0x2], $0x1000, $0x38;
	[tilespmem:$0x1E800] =	vst v63  }
0xd9: {  	_ =	swait.ge [sflag:s31], $0x1000  }
0xda: {  	[sflag:s31] =	ssyncset.done $0x0  }
0xdb: {  	[sflag:s31] =	ssyncadd.s32 $0xFFFFF000  }
0xdc: {  	[spmem:s17] =	stream.linear.scatter [tilespmem:s0], [sflag:$0x2], $0x1000, $0x38;
	[tilespmem:$0x1E800] =	vst v63  }
0xdd: {  	_ =	swait.ge [sflag:s31], $0x1000  }
0xde: {  	[sflag:s31] =	ssyncset.done $0x0  }
0xdf: {  	[sflag:s31] =	ssyncadd.s32 $0xFFFFF000  }
0xe0: {  	[spmem:s18] =	stream.linear.scatter [tilespmem:s0], [sflag:$0x2], $0x1000, $0x38;
	[tilespmem:$0x1E800] =	vst v63  }
0xe1: {  	_ =	swait.ge [sflag:s31], $0x1000  }
0xe2: {  	[sflag:s31] =	ssyncset.done $0x0  }
0xe3: {  	[sflag:s31] =	ssyncadd.s32 $0xFFFFF000  }
0xe4: {  	[spmem:s19] =	stream.linear.scatter [tilespmem:s0], [sflag:$0x2], $0x1000, $0x38;
	[tilespmem:$0x1E800] =	vst v63  }
0xe5: {  	_ =	swait.ge [sflag:s31], $0x1000  }
0xe6: {  	[sflag:s31] =	ssyncset.done $0x0  }
0xe7: {  	[sflag:s31] =	ssyncadd.s32 $0xFFFFF000  }
0xe8: {  	[spmem:s20] =	stream.linear.scatter [tilespmem:s0], [sflag:$0x2], $0x1000, $0x38;
	[tilespmem:$0x1E800] =	vst v63  }
0xe9: {  	_ =	swait.ge [sflag:s31], $0x1000  }
0xea: {  	[sflag:s31] =	ssyncset.done $0x0  }
0xeb: {  	[sflag:s31] =	ssyncadd.s32 $0xFFFFF000  }
0xec: {  	[spmem:s21] =	stream.linear.scatter [tilespmem:s0], [sflag:$0x2], $0x1000, $0x38;
	[tilespmem:$0x1E800] =	vst v63  }
0xed: {  	_ =	swait.ge [sflag:s31], $0x1000  }
0xee: {  	[sflag:s31] =	ssyncset.done $0x0  }
0xef: {  	[sflag:s31] =	ssyncadd.s32 $0xFFFFF000  }
0xf0: {  	[spmem:s25] =	stream.linear.scatter [tilespmem:s0], [sflag:$0x2], $0x1000, $0x38;
	[tilespmem:$0x1E800] =	vst v63  }
0xf1: {  	_ =	swait.ge [sflag:s31], $0x1000  }
0xf2: {  	[sflag:s31] =	ssyncset.done $0x0  }
0xf3: {  	[sflag:s31] =	ssyncadd.s32 $0xFFFFF000  }
0xf4: {  	[spmem:s26] =	stream.linear.scatter [tilespmem:s0], [sflag:$0x2], $0x1000, $0x38;
	[tilespmem:$0x1E800] =	vst v63  }
0xf5: {  	_ =	swait.ge [sflag:s31], $0x1000  }
0xf6: {  	[sflag:s31] =	ssyncset.done $0x0  }
0xf7: {  	[sflag:s31] =	ssyncadd.s32 $0xFFFFF000  }
0xf8: {  	[spmem:s28] =	stream.linear.scatter [tilespmem:s0], [sflag:$0x2], $0x1000, $0x38;
	[tilespmem:$0x1E800] =	vst v63  }
0xf9: {  	_ =	swait.ge [sflag:s31], $0x1000  }
0xfa: {  	[sflag:s31] =	ssyncset.done $0x0  }
0xfb: {  	[sflag:s31] =	ssyncadd.s32 $0xFFFFF000  }
0xfc: {  	[spmem:s29] =	stream.linear.scatter [tilespmem:s0], [sflag:$0x2], $0x1000, $0x38;
	[tilespmem:$0x1E800] =	vst v63  }
0xfd: {  	_ =	swait.ge [sflag:s31], $0x1000  }
0xfe: {  	[sflag:s31] =	ssyncset.done $0x0  }
0xff: {  	[sflag:s31] =	ssyncadd.s32 $0xFFFFF000  }
0x100: {  	[spmem:s30] =	stream.linear.scatter [tilespmem:s0], [sflag:$0x2], $0x1000, $0x38;
	[tilespmem:$0x1E800] =	vst v63  }
0x101: {  	_ =	swait.ge [sflag:s31], $0x1000  }
0x102: {  	[sflag:s31] =	ssyncset.done $0x0  }
0x103: {  	[sflag:s31] =	ssyncadd.s32 $0xFFFFF000  }
0x104: {  	s10 =	simm.s32 $0x0;
	[bflag:$0x0] =	sbarrier.arrive $0xFFFF  }
0x105: {  	[tilespmem:s3], [sflag:$0x1] =	stream.indirect.gather [hbm4b:s4+s2], $0x80, s10, s2, $0xb8;
	[tilespmem:$0x1E800] =	vst v63  }
0x106: {  	_ =	swait.ge [sflag:s5], $0x4000  }
0x107: {  	[sflag:s5] =	ssyncset.done $0x0  }
0x108: {  	s12 =	simm.s32 $0x2C00;
	[sflag:s5] =	ssyncadd.s32 $0xFFFFC000  }
0x109: {  	[spmem:s1] =	stream.indirect.scatter.add.f32 [tilespmem:s3], [sflag:$0x2], $0x80, s12, s2, $0xb8;
	[tilespmem:$0x1E800] =	vst v63  }
0x10a: {  	_ =	swait.ge [sflag:s31], $0x4000  }
0x10b: {  	[sflag:s31] =	ssyncset.done $0x0  }
0x10c: {  	s6 =	simm.s32 $0x200;
	s8 =	simm.s32 $0x80;
	[sflag:s31] =	ssyncadd.s32 $0xFFFFC000  }
.LBB2_10:
0x10d: {  	[tilespmem:s3], [sflag:$0x1] =	stream.indirect.gather [hbm4b:s4+s2], $0x80, s8, s2, $0xb8;
	[tilespmem:$0x1E800] =	vst v63  }
0x10e: {  	s8 =	smov.u32 s6  }
0x10f: {  	p0 =	sne.s32 s6, $0xA400;
	s6 =	sadd.s32 $0x200, s6;
	_ =	swait.ge [sflag:s5], $0x4000  }
0x110: {  	s8 =	sshra.s32 s8, $0x2;
	[sflag:s5] =	ssyncset.done $0x0  }
.Ltmp4:
0x111: {  	s9 =	sadd.s32 $0x2C00, s8;
	[sflag:s5] =	ssyncadd.s32 $0xFFFFC000;
	(pc) =	sbr.rel @p0 .LBB2_10-.Ltmp4, $4  }
0x112: {  	[spmem:s1] =	stream.indirect.scatter.add.f32 [tilespmem:s3], [sflag:$0x2], $0x80, s9, s2, $0xb8;
	[tilespmem:$0x1E800] =	vst v63  }
0x113: {  	_ =	swait.ge [sflag:s31], $0x4000  }
0x114: {  	[sflag:s31] =	ssyncset.done $0x0  }
0x115: {  	s8 =	sadd.s32 $0x80, s8;
	[sflag:s31] =	ssyncadd.s32 $0xFFFFC000  }
0x116: {  	[tilespmem:s3], [sflag:$0x1] =	stream.indirect.gather [hbm4b:s4+s2], $0x80, s8, s2, $0xb8;
	[tilespmem:$0x1E800] =	vst v63  }
0x117: {  	_ =	swait.ge [sflag:s5], $0x4000  }
0x118: {  	[sflag:s5] =	ssyncset.done $0x0  }
0x119: {  	s6 =	simm.s32 $0x5580;
	[sflag:s5] =	ssyncadd.s32 $0xFFFFC000  }
0x11a: {  	[spmem:s1] =	stream.indirect.scatter.add.f32 [tilespmem:s3], [sflag:$0x2], $0x80, s6, s2, $0xb8;
	[tilespmem:$0x1E800] =	vst v63  }
0x11b: {  	_ =	swait.ge [sflag:s31], $0x4000  }
0x11c: {  	[sflag:s31] =	ssyncset.done $0x0  }
0x11d: {  	[sflag:s31] =	ssyncadd.s32 $0xFFFFC000  }
0x11e: {  	[bflag:$0x0] =	sbarrier.arrive $0xFFFF  }
0x11f: {  	s12 =	rddreg [dreg:$0xa]  }
0x120: {  	[hbm:s12], [sflag:s23] =	dma.local [spmem:s24], $0x2800  }
0x121: {  	_ =	swait.ge [sflag:s31], $0x2800  }
0x122: {  	s22 =	sadd.s32 $0x1, s22;
	s24 =	rddreg [dreg:$0xb]  }
0x123: {  	p0 =	sne.s32 s22, s24  }
.Ltmp5:
0x124: {  	_ = 	snop;
	(pc) =	sbr.rel @p0 .LBB2_1-.Ltmp5, $3  }
0x125: {  	_ =	sdelay $0x1  }
0x126: {  	[sflag:s31] =	ssyncset.done $0x0  }
0x127: {  	[sflag:s31] =	ssyncadd.s32 $0xFFFFD800  }
0x128: {  	_ =	sfence.sel $0x180000  }
0x129: {  	[bflag:$0x0] =	sbarrier.arrive $0xFFFF  }
0x12a: {  	_ =	strace $0x9000004A  }
0x12b: {  	s0 =	stileid.u32;
	[bflag:$0x2] =	sbarrier.arrive $0xFFFF  }
0x12c: {  	p0 =	sne.s32 s0, $0x0;
	s0 =	rddreg [dreg:$0x2]  }
0x12d: {  	s0 =	sadd.s32 @!p0 $0x100000, s0  }
0x12e: {  	[sflag:s0] =	ssyncadd.tile.s32 @!p0 $0x1;
	_ =	shalt  }
.Lfunc_end2:
_tile_overlayer_lowered:
.L_overlay_start_2:
0x12f: {  	(tag) =	ssettag $0x2  }
0x130: {  	s0 =	rddreg [dreg:$0x0];
	s2 =	stileid.u32  }
0x131: {  	s1 =	rddreg [dreg:$0x1];
	p0 =	sne.s32 s2, $0x0  }
0x132: {  	s3 =	rddreg [dreg:$0x2];
	[bflag:$0x3] =	sbarrier.arrive $0xFFFF;
	s2 =	simm.s32 @!p0 $0x1C02  }
0x133: {  	[timem:s3], [sflag:s2] =	dma.local @!p0 [hbm:s0], s1  }
0x134: {  	s0 =	simm.s32 @!p0 $0x2  }
0x135: {  	_ =	swait.ge @!p0 [sflag:s0], s1  }
0x136: {  	s1 =	ssub.s32 @!p0 $0x0, s1;
	[sflag:s0] =	ssyncset.done @!p0 $0x0  }
0x137: {  	[sflag:s0] =	ssyncadd.s32 @!p0 s1  }
0x138: {  	[bflag:$0x3] =	sbarrier.arrive $0xFFFF  }
0x139: {  	_ =	shalt  }

// kernel: kernel.14.cloned.1.call-start
scs
__scs_entry_jumppad:
0x0: {  	(pc) =	sbr.rel $0x88, $3  }
0x1: {  	(tag) =	ssettag $0x0;
	lr =	simm.s32 $0x1  }
0x2: {  	[smem:$0x3F9B] =	sst lr;
	_ =	strace $0xD0000000  }
0x3: {  	_ = 	snop  }
0x4: {  	_ = 	snop  }
0x5: {  	_ = 	snop  }
0x6: {  	_ = 	snop  }
0x7: {  	_ = 	snop  }
__scs_overlays_trampoline_lowered:
0x8: {  	[smem:$0x3FAA] =	sst s0  }
0x9: {  	[smem:$0x3FAB] =	sst s1  }
0xa: {  	[smem:$0x3FAC] =	sst s2  }
0xb: {  	[smem:$0x3FAD] =	sst s3  }
0xc: {  	[smem:$0x3FAE] =	sst s4  }
0xd: {  	[smem:$0x3FAF] =	sst s5  }
0xe: {  	[smem:$0x3FB0] =	sst s6  }
0xf: {  	[smem:$0x3FB1] =	sst s7  }
0x10: {  	[smem:$0x3FB2] =	sst s8  }
0x11: {  	[smem:$0x3FB3] =	sst s9;
	s0 =	simm.s32 @!p0 $0x0  }
0x12: {  	s1 =	sld [smem:$0x3F99];
	s0 =	simm.s32 @p0 $0x1  }
0x13: {  	[smem:$0x3FB4] =	sst s0;
	s0 =	simm.s32 @!p1 $0x0  }
0x14: {  	s2 =	sld [smem:$0x3F98];
	s0 =	simm.s32 @p1 $0x1  }
0x15: {  	[smem:$0x3FB5] =	sst s0;
	s0 =	simm.s32 @!p2 $0x0  }
0x16: {  	s3 =	sld [smem:$0x3FDB];
	s0 =	simm.s32 @p2 $0x1  }
0x17: {  	s4 =	simm.s32 $0x1BF5;
	[smem:$0x3FB7] =	sst s0  }
0x18: {  	s0 =	sld [smem:$0x3F9A];
	_ =	swait.ge [sflag:s4], $0x0  }
0x19: {  	s7 =	sld [smem:$0x3F9B]  }
0x1a: {  	s8 =	sadd.s32 $0xFFFFE003, lr  }
0x1b: {  	s9 =	sadd.s32 $0xFFFFFEF7, lr;
	s5 =	simm.s32 $0xFFFFFFFF;
	p2 =	slt.u32 s8, $0xFFFFF086  }
0x1c: {  	p1 =	slt.u32 s9, $0xF7A;
	s5 =	simm.s32 @!p2 $0x0  }
0x1d: {  	s5 =	simm.s32 @p1 $0x1;
	p0 =	seq.s32 s7, s2  }
0x1e: {  	s7 =	smul.u32 @!p0 $0xF7A, s2;
	p2 =	seq.s32 @!p0 s5, $0x0  }
0x1f: {  	s9 =	smul.u32 $0xF7A, s1;
	s8 =	simm.s32 @!p0 $0x1BF5;
	p2 =	por !p2, p0  }
0x20: {  	[sflag:s8] =	ssyncset.s32 @!p0 $0xFFFFF086;
	s6 =	sadd.s32 @!p0 s3, s7;
	s7 =	simm.s32 @!p0 $0x108  }
0x21: {  	s3 =	sadd.s32 s3, s9;
	s6 =	sadd.s32 @!p0 $0x88, s6;
	s7 =	simm.s32 @p2 $0x1082  }
0x22: {  	[simem:s7], [sflag:s8] =	dma.local @!p0 [hbm:s6], $0xF7A  }
0x23: {  	s9 =	sor.u32 $0xD0000000, s2;
	s6 =	simm.s32 $0x108;
	_ =	swait.ge @!p0 [sflag:s8], $0x0  }
0x24: {  	s3 =	sadd.s32 $0x88, s3;
	s6 =	simm.s32 @!p1 $0x1082;
	[sflag:s4] =	ssyncset.s32 $0xFFFFF086  }
0x25: {  	[simem:s6], [sflag:s4] =	dma.local [hbm:s3], $0xF7A  }
0x26: {  	[smem:$0x3F9B] =	sst s1;
	(tag) =	ssettag s2;
	_ =	strace s9  }
0x27: {  	s1 =	sld [smem:$0x3FAB]  }
0x28: {  	s2 =	sld [smem:$0x3FAC]  }
0x29: {  	s4 =	sld [smem:$0x3FAE]  }
0x2a: {  	p0 =	seq.s32 s5, $0x0;
	s5 =	sld [smem:$0x3FAF]  }
0x2b: {  	s6 =	sld [smem:$0x3FB0]  }
0x2c: {  	s7 =	sld [smem:$0x3FB1]  }
0x2d: {  	s3 =	simm.s32 $0x108;
	s8 =	sld [smem:$0x3FB2]  }
0x2e: {  	s3 =	simm.s32 @!p0 $0x1082;
	s9 =	sld [smem:$0x3FB3]  }
0x2f: {  	lr =	sadd.s32 s0, s3;
	s0 =	sld [smem:$0x3FAA]  }
0x30: {  	s3 =	sld [smem:$0x3FAD]  }
0x31: {  	[smem:$0x3FB6] =	sst s10  }
0x32: {  	s10 =	sld [smem:$0x3FB4];
	_ =	sdelay $0x3  }
0x33: {  	p0 =	seq.s32 s10, $0x1;
	s10 =	sld [smem:$0x3FB6];
	_ =	sdelay $0x3  }
0x34: {  	[smem:$0x3FB6] =	sst s10  }
0x35: {  	s10 =	sld [smem:$0x3FB5];
	_ =	sdelay $0x3  }
0x36: {  	p1 =	seq.s32 s10, $0x1;
	s10 =	sld [smem:$0x3FB6];
	_ =	sdelay $0x3  }
0x37: {  	[smem:$0x3FB6] =	sst s10  }
0x38: {  	s10 =	sld [smem:$0x3FB7]  }
0x39: {  	_ = 	snop;
	(pc) =	sbr.ind lr, $3  }
0x3a: {  	_ = 	snop  }
0x3b: {  	_ = 	snop  }
0x3c: {  	p2 =	seq.s32 s10, $0x1;
	s10 =	sld [smem:$0x3FB6]  }
0x3d: {  	_ =	shalt  }
0x3e: {  	_ =	shalt  }
0x3f: {  	_ =	shalt  }
0x40: {  	_ =	shalt  }
0x41: {  	_ =	shalt  }
0x42: {  	_ =	shalt  }
0x43: {  	_ =	shalt  }
0x44: {  	_ =	shalt  }
0x45: {  	_ =	shalt  }
0x46: {  	_ =	shalt  }
0x47: {  	_ =	shalt  }
0x48: {  	_ =	shalt  }
0x49: {  	_ =	shalt  }
0x4a: {  	_ =	shalt  }
0x4b: {  	_ =	shalt  }
0x4c: {  	_ =	shalt  }
0x4d: {  	_ =	shalt  }
0x4e: {  	_ =	shalt  }
0x4f: {  	_ =	shalt  }
0x50: {  	_ =	shalt  }
0x51: {  	_ =	shalt  }
0x52: {  	_ =	shalt  }
0x53: {  	_ =	shalt  }
0x54: {  	_ =	shalt  }
0x55: {  	_ =	shalt  }
0x56: {  	_ =	shalt  }
0x57: {  	_ =	shalt  }
0x58: {  	_ =	shalt  }
0x59: {  	_ =	shalt  }
0x5a: {  	_ =	shalt  }
0x5b: {  	_ =	shalt  }
0x5c: {  	_ =	shalt  }
0x5d: {  	_ =	shalt  }
0x5e: {  	_ =	shalt  }
0x5f: {  	_ =	shalt  }
0x60: {  	_ =	shalt  }
0x61: {  	_ =	shalt  }
0x62: {  	_ =	shalt  }
0x63: {  	_ =	shalt  }
0x64: {  	_ =	shalt  }
0x65: {  	_ =	shalt  }
0x66: {  	_ =	shalt  }
0x67: {  	_ =	shalt  }
0x68: {  	_ =	shalt  }
0x69: {  	_ =	shalt  }
0x6a: {  	_ =	shalt  }
0x6b: {  	_ =	shalt  }
0x6c: {  	_ =	shalt  }
0x6d: {  	_ =	shalt  }
0x6e: {  	_ =	shalt  }
0x6f: {  	_ =	shalt  }
0x70: {  	_ =	shalt  }
0x71: {  	_ =	shalt  }
0x72: {  	_ =	shalt  }
0x73: {  	_ =	shalt  }
0x74: {  	_ =	shalt  }
0x75: {  	_ =	shalt  }
0x76: {  	_ =	shalt  }
0x77: {  	_ =	shalt  }
0x78: {  	_ =	shalt  }
0x79: {  	_ =	shalt  }
0x7a: {  	_ =	shalt  }
0x7b: {  	_ =	shalt  }
0x7c: {  	_ =	shalt  }
0x7d: {  	_ =	shalt  }
0x7e: {  	_ =	shalt  }
0x7f: {  	_ =	shalt  }
0x80: {  	_ =	shalt  }
0x81: {  	_ =	shalt  }
0x82: {  	_ =	shalt  }
0x83: {  	_ =	shalt  }
0x84: {  	_ =	shalt  }
0x85: {  	_ =	shalt  }
0x86: {  	_ =	shalt  }
0x87: {  	_ =	shalt  }
.Lfunc_end0:
.L_simem_size_0:
called_computation.2_lowered:
.L_overlay_start_0:
0x88: {  	s2 =	sld [smem:$0x3FD9]  }
0x89: {  	s3 =	sld [smem:$0x3FFE];
	_ =	sdelay $0x1  }
0x8a: {  	s1 =	srdreg.scid  }
0x8b: {  	s0 =	sand.u32 $0x1, s1  }
0x8c: {  	s16 =	sshll.u32 s0, $0xA;
	s2 =	sadd.s32 s3, s2  }
0x8d: {  	s2 =	sadd.s32 s2, s16  }
0x8e: {  	[smem:$0x3FC2] =	sst s2  }
0x8f: {  	_ = 	snop  }
0x90: {  	(tm) =	ssettm $0x1  }
0x91: {  	s17 =	sld [smem:$0x3FFB];
	_ =	sdelay $0x3  }
0x92: {  	_ =	strace s17  }
0x93: {  	s2 =	sld [smem:$0x3FFC];
	_ =	sdelay $0x3  }
0x94: {  	_ =	strace s2  }
0x95: {  	s2 =	sld [smem:$0x3FFD];
	_ =	sdelay $0x3  }
0x96: {  	_ =	strace s2  }
0x97: {  	_ =	strace $0x8FFFFFFF  }
0x98: {  	s18 =	sld [smem:$0x3FDB];
	_ =	sdelay $0x1  }
0x99: {  	s19 =	simm.s32 $_scs_section_size  }
0x9a: {  	s4 =	simm.s32 $_size__tile_overlayer_lowered;
	s5 =	simm.s32 $_tile_overlayer_lowered  }
0x9b: {  	s22 =	simm.s32 $0x1BFF;
	s21 =	sshll.u32 s5, $0x1;
	s2 =	sadd.s32 s19, s18  }
0x9c: {  	s6 =	simm.s32 $0x0;
	s20 =	sshll.u32 s4, $0x1;
	s4 =	sadd.s32 s21, s2  }
0x9d: {  	[timem:s6], [sflag:s22] =	dma.local [hbm:s4], s20  }
0x9e: {  	_ =	swait.ge [sflag:s22], s20  }
0x9f: {  	s3 =	ssub.s32 $0x0, s20;
	[sflag:s22] =	ssyncset.done $0x0  }
0xa0: {  	[sflag:s22] =	ssyncadd.s32 s3;
	_ =	sdelay $0x1  }
0xa1: {  	s23 =	simm.s32 $0x1B8B  }
0xa2: {  	_ =	swait.ge [sflag:s23], $0x1  }
0xa3: {  	[sflag:s23] =	ssyncset.done $0x0  }
0xa4: {  	s25 =	simm.s32 $0x1B8E;
	s24 =	sld [smem:$0x3FFE];
	[sflag:s23] =	ssyncadd.s32 $0xFFFFFFFF  }
0xa5: {  	s26 =	simm.s32 $execute0_lowered;
	[smem:$0x3FD2] =	sst s25  }
0xa6: {  	s4 =	sshll.u32 s26, $0x1;
	_ =	strace $0x8000004C;
	[dreg:$0x1] =	wrdreg $0xFFFFFFFF  }
0xa7: {  	s28 =	simm.s32 $_size_execute0_lowered;
	s2 =	sadd.s32 s2, s4;
	[dreg:$0x0] =	wrdreg $0x0  }
0xa8: {  	s4 =	sshll.u32 s28, $0x1;
	[dreg:$0x2] =	wrdreg s2  }
0xa9: {  	[dreg:$0x3] =	wrdreg s4  }
0xaa: {  	[dreg:$0x4] =	wrdreg $0xC0  }
0xab: {  	_ =	task [dreg:s6], $0x5FFFF  }
0xac: {  	[dreg:$0x1] =	wrdreg $0xFFFFFFFF  }
0xad: {  	[dreg:$0x0] =	wrdreg $0x60  }
0xae: {  	[dreg:$0x2] =	wrdreg s24  }
0xaf: {  	[dreg:$0x3] =	wrdreg $0xA8000  }
0xb0: {  	[dreg:$0x4] =	wrdreg $0x9  }
0xb1: {  	_ =	task.clear_ibuf [dreg:s6], $0x5FFFF;
	_ =	strace $0x9000004C  }
0xb2: {  	s29 =	simm.s32 $0x9;
	_ =	strace $0x8000004E  }
0xb3: {  	_ =	swait.ge [sflag:s29], $0x1  }
0xb4: {  	[sflag:s29] =	ssyncadd.s32 $0xFFFFFFFF  }
0xb5: {  	_ =	strace $0x9000004E  }
0xb6: {  	_ =	sfence  }
0xb7: {  	s30 =	sld [smem:$0x0];
	_ =	sdelay $0x2  }
0xb8: {  	s31 =	sshll.u32 s1, $0xD;
	s1 =	sshrl.u32 s1, $0x2  }
0xb9: {  	s3 =	sand.u32 $0x4000, s31;
	s1 =	sadd.s32 s1, s30  }
0xba: {  	s0 =	sor.u32 s3, s0;
	s1 =	sshll.u32 s1, $0x11  }
0xbb: {  	s0 =	sor.u32 s1, s0  }
0xbc: {  	s0 =	sadd.s32 $0x8F2B, s0  }
0xbd: {  	[sflag:s0] =	ssyncadd.remote.s32 $0x1  }
0xbe: {  	_ =	sfence.sel $0xFFFF  }
0xbf: {  	[dreg:$0x0] =	wrdreg $0xFFFFFFFF;
	(pc) =	sbr.abs _section_cstart, $3  }
0xc0: {  	[dreg:$0x1] =	wrdreg $0xFFFFFFFF  }
0xc1: {  	_ =	task.clear_ibuf [dreg:s6], $0x2FFFF;
	_ =	strace $0x9FFFFFFF  }
0xc2: {  	(tm) =	ssettm $0x7FFFFFFF  }
0xc3: {  	_ =	shalt  }
tec
execute0_lowered:
.L_overlay_start_1:
0x0: {  	(tag) =	ssettag $0x1  }
0x1: {  	s0 =	rddreg [dreg:$0x0]  }
0x2: {  	s1 =	rddreg [dreg:$0x1];
	s7 =	stileid.u32  }
0x3: {  	s2 =	srdreg.scid;
	s4 =	simm.s32 $0x0;
	s5 =	smul.u32 $0x280, s7  }
0x4: {  	s30 =	simm.s32 $0x2;
	s31 =	simm.s32 $0x5800;
	s6 =	smul.u32 $0x580, s7  }
0x5: {  	s2 =	sand.u32 $0x1, s2;
	[smem:$0x7FF] =	sst s4;
	s7 =	smul.u32 $0x50000, s7  }
0x6: {  	s4 =	sadd.s32 $0x11A00, s0;
	s3 =	smul.u32 $0x2800, s2;
	s2 =	ssub.s32 $0x2, s2  }
0x7: {  	_ =	strace $0x8000004D;
	s8 =	sadd.s32 s6, s0;
	s19 =	sshrl.u32 s2, $0x1  }
0x8: {  	s20 =	sshrl.u32 s7, $0x2;
	s5 =	sadd.s32 s5, s3;
	s2 =	ssub.s32 s2, s19  }
0x9: {  	s21 =	sadd.s32 $0xC200, s8;
	s6 =	sadd.s32 s20, s1;
	s22 =	sadd.s32 $0x6A00, s8  }
0xa: {  	v0 =	vmov s3;
	s3 =	simm.s32 $0x1;
	s5 =	sshll.u32 s5, $0x4;
	[dreg:$0x3] =	wrdreg s21  }
0xb: {  	[dreg:$0x4] =	wrdreg s22;
	s23 =	sadd.s32 $0x1000, s6;
	s24 =	sadd.s32 $0x2000, s6  }
0xc: {  	s25 =	sadd.s32 $0x3000, s6;
	s26 =	sadd.s32 $0x4000, s6;
	s12 =	sadd.s32 $0x5000, s6  }
0xd: {  	s13 =	sadd.s32 $0x6000, s6;
	s14 =	sadd.s32 $0x7000, s6;
	s15 =	sadd.s32 $0x8000, s6  }
0xe: {  	s16 =	sadd.s32 $0x9000, s6;
	s17 =	sadd.s32 $0xA000, s6;
	s18 =	sadd.s32 $0xB000, s6  }
0xf: {  	s19 =	sadd.s32 $0xC000, s6;
	s20 =	sadd.s32 $0xD000, s6;
	[dreg:$0x5] =	wrdreg s23  }
0x10: {  	s21 =	sadd.s32 $0xE000, s6;
	s22 =	sadd.s32 $0xF000, s6;
	[dreg:$0x6] =	wrdreg s24  }
0x11: {  	s28 =	sadd.s32 $0x12000, s6;
	s29 =	sadd.s32 $0x13000, s6;
	[dreg:$0x7] =	wrdreg s25  }
0x12: {  	s0 =	sadd.s32 s5, s0;
	[dreg:$0x8] =	wrdreg s26;
	s24 =	smax.u32 s2, $0x1  }
0x13: {  	s25 =	sadd.s32 $0x10000, s6;
	s26 =	sadd.s32 $0x11000, s6;
	s2 =	simm.s32 $0x80  }
0x14: {  	v1 =	vimm.f32 $0.0e+00;
	s5 =	simm.s32 $0x0;
	s23 =	sadd.s32 $0x61A00, s0;
	s0 =	simm.s32 $0x9800  }
.LBB2_1:
0x15: {  	s7 =	simm.s32 $0x0;
	s8 =	rddreg [dreg:$0x3]  }
0x16: {  	[tilespmem:s7], [sflag:$0x2] =	stream.linear.gather [hbm4b:s8+s7], $0x2A00, $0x38;
	[tilespmem:$0x1E800] =	vst v63  }
0x17: {  	_ =	swait.ge [sflag:s30], $0x2A00  }
0x18: {  	[sflag:s30] =	ssyncset.done $0x0  }
0x19: {  	s9 =	simm.s32 $0x2C00;
	s11 =	rddreg [dreg:$0x4];
	[sflag:s30] =	ssyncadd.s32 $0xFFFFD600  }
0x1a: {  	[tilespmem:s9], [sflag:$0x2] =	stream.linear.gather [hbm4b:s11+s7], $0x2A00, $0x38;
	[tilespmem:$0x1E800] =	vst v63  }
0x1b: {  	_ =	swait.ge [sflag:s30], $0x2A00  }
0x1c: {  	[sflag:s30] =	ssyncset.done $0x0  }
0x1d: {  	s8 =	simm.s32 $0x0;
	s7 =	simm.s32 $0x0;
	[sflag:s30] =	ssyncadd.s32 $0xFFFFD600  }
.LBB2_2:
0x1e: {  	p0 =	sne.s32 s8, $0x3FC0  }
.Ltmp0:
0x1f: {  	_ = 	snop;
	(pc) =	sbr.rel @p0 .LBB2_2-.Ltmp0, $4  }
0x20: {  	s9 =	sand.u32 $0x3E00, s8  }
0x21: {  	s10 =	sand.u32 $0x70, s7;
	s9 =	sshrl.u32 s9, $0x2  }
0x22: {  	s9 =	sor.u32 s10, s9  }
0x23: {  	s7 =	sadd.s32 $0x10, s7;
	s8 =	sadd.s32 $0x40, s8;
	[tilespmem:s9+$0x9800] =	vst v1  }
0x24: {  	s7 =	simm.s32 $0x0  }
0x25: {  	s8 =	sand.u32 $0xFE00, s7  }
0x26: {  	s7 =	sand.u32 $0x70, s7;
	s8 =	sshrl.u32 s8, $0x2  }
0x27: {  	s7 =	sor.u32 s7, s8  }
0x28: {  	v2 =	vld [tilespmem:s7+$0x0];
	_ =	sdelay $0x2  }
0x29: {  	s9 =	simm.s32 $0x40  }
0x2a: {  	s10 =	sand.u32 $0xFE00, s9;
	s9 =	simm.s32 $0x80;
	s8 =	simm.s32 $0x10  }
.LBB2_4:
0x2b: {  	p0 =	sne.s32 s9, $0xA7C0;
	s11 =	sand.u32 $0x70, s8;
	s10 =	sshrl.u32 s10, $0x2;
	v2 =	vadd.s32 v0, v2  }
0x2c: {  	[tilespmem:s7+$0x0] =	vst v2;
	s7 =	sor.u32 s11, s10  }
.Ltmp1:
0x2d: {  	v2 =	vld [tilespmem:s7+$0x0];
	(pc) =	sbr.rel @p0 .LBB2_4-.Ltmp1, $2  }
0x2e: {  	_ =	sdelay $0x2  }
0x2f: {  	s8 =	sadd.s32 $0x10, s8;
	s10 =	sand.u32 $0xFE00, s9;
	s9 =	sadd.s32 $0x40, s9  }
0x30: {  	s8 =	sand.u32 $0x70, s8;
	s9 =	sshrl.u32 s10, $0x2;
	v2 =	vadd.s32 v0, v2  }
0x31: {  	s8 =	sor.u32 s8, s9;
	[tilespmem:s7+$0x0] =	vst v2  }
0x32: {  	v2 =	vld [tilespmem:s8+$0x0];
	_ =	sdelay $0x4  }
0x33: {  	v2 =	vadd.s32 v0, v2  }
0x34: {  	[tilespmem:s8+$0x0] =	vst v2  }
0x35: {  	[spmem:s6] =	stream.linear.scatter [tilespmem:s0], [sflag:$0x2], $0x1000, $0x38;
	[tilespmem:$0x1E800] =	vst v63  }
0x36: {  	_ =	swait.ge [sflag:s30], $0x1000  }
0x37: {  	[sflag:s30] =	ssyncset.done $0x0  }
0x38: {  	s10 =	rddreg [dreg:$0x5];
	[sflag:s30] =	ssyncadd.s32 $0xFFFFF000  }
0x39: {  	[spmem:s10] =	stream.linear.scatter [tilespmem:s0], [sflag:$0x2], $0x1000, $0x38;
	[tilespmem:$0x1E800] =	vst v63  }
0x3a: {  	_ =	swait.ge [sflag:s30], $0x1000  }
0x3b: {  	[sflag:s30] =	ssyncset.done $0x0  }
0x3c: {  	s11 =	rddreg [dreg:$0x6];
	[sflag:s30] =	ssyncadd.s32 $0xFFFFF000  }
0x3d: {  	[spmem:s11] =	stream.linear.scatter [tilespmem:s0], [sflag:$0x2], $0x1000, $0x38;
	[tilespmem:$0x1E800] =	vst v63  }
0x3e: {  	_ =	swait.ge [sflag:s30], $0x1000  }
0x3f: {  	[sflag:s30] =	ssyncset.done $0x0  }
0x40: {  	s8 =	rddreg [dreg:$0x7];
	[sflag:s30] =	ssyncadd.s32 $0xFFFFF000  }
0x41: {  	[spmem:s8] =	stream.linear.scatter [tilespmem:s0], [sflag:$0x2], $0x1000, $0x38;
	[tilespmem:$0x1E800] =	vst v63  }
0x42: {  	_ =	swait.ge [sflag:s30], $0x1000  }
0x43: {  	[sflag:s30] =	ssyncset.done $0x0  }
0x44: {  	s9 =	rddreg [dreg:$0x8];
	[sflag:s30] =	ssyncadd.s32 $0xFFFFF000  }
0x45: {  	[spmem:s9] =	stream.linear.scatter [tilespmem:s0], [sflag:$0x2], $0x1000, $0x38;
	[tilespmem:$0x1E800] =	vst v63  }
0x46: {  	_ =	swait.ge [sflag:s30], $0x1000  }
0x47: {  	[sflag:s30] =	ssyncset.done $0x0  }
0x48: {  	[sflag:s30] =	ssyncadd.s32 $0xFFFFF000  }
0x49: {  	[spmem:s12] =	stream.linear.scatter [tilespmem:s0], [sflag:$0x2], $0x1000, $0x38;
	[tilespmem:$0x1E800] =	vst v63  }
0x4a: {  	_ =	swait.ge [sflag:s30], $0x1000  }
0x4b: {  	[sflag:s30] =	ssyncset.done $0x0  }
0x4c: {  	[sflag:s30] =	ssyncadd.s32 $0xFFFFF000  }
0x4d: {  	[spmem:s13] =	stream.linear.scatter [tilespmem:s0], [sflag:$0x2], $0x1000, $0x38;
	[tilespmem:$0x1E800] =	vst v63  }
0x4e: {  	_ =	swait.ge [sflag:s30], $0x1000  }
0x4f: {  	[sflag:s30] =	ssyncset.done $0x0  }
0x50: {  	[sflag:s30] =	ssyncadd.s32 $0xFFFFF000  }
0x51: {  	[spmem:s14] =	stream.linear.scatter [tilespmem:s0], [sflag:$0x2], $0x1000, $0x38;
	[tilespmem:$0x1E800] =	vst v63  }
0x52: {  	_ =	swait.ge [sflag:s30], $0x1000  }
0x53: {  	[sflag:s30] =	ssyncset.done $0x0  }
0x54: {  	[sflag:s30] =	ssyncadd.s32 $0xFFFFF000  }
0x55: {  	[spmem:s15] =	stream.linear.scatter [tilespmem:s0], [sflag:$0x2], $0x1000, $0x38;
	[tilespmem:$0x1E800] =	vst v63  }
0x56: {  	_ =	swait.ge [sflag:s30], $0x1000  }
0x57: {  	[sflag:s30] =	ssyncset.done $0x0  }
0x58: {  	[sflag:s30] =	ssyncadd.s32 $0xFFFFF000  }
0x59: {  	[spmem:s16] =	stream.linear.scatter [tilespmem:s0], [sflag:$0x2], $0x1000, $0x38;
	[tilespmem:$0x1E800] =	vst v63  }
0x5a: {  	_ =	swait.ge [sflag:s30], $0x1000  }
0x5b: {  	[sflag:s30] =	ssyncset.done $0x0  }
0x5c: {  	[sflag:s30] =	ssyncadd.s32 $0xFFFFF000  }
0x5d: {  	[spmem:s17] =	stream.linear.scatter [tilespmem:s0], [sflag:$0x2], $0x1000, $0x38;
	[tilespmem:$0x1E800] =	vst v63  }
0x5e: {  	_ =	swait.ge [sflag:s30], $0x1000  }
0x5f: {  	[sflag:s30] =	ssyncset.done $0x0  }
0x60: {  	[sflag:s30] =	ssyncadd.s32 $0xFFFFF000  }
0x61: {  	[spmem:s18] =	stream.linear.scatter [tilespmem:s0], [sflag:$0x2], $0x1000, $0x38;
	[tilespmem:$0x1E800] =	vst v63  }
0x62: {  	_ =	swait.ge [sflag:s30], $0x1000  }
0x63: {  	[sflag:s30] =	ssyncset.done $0x0  }
0x64: {  	[sflag:s30] =	ssyncadd.s32 $0xFFFFF000  }
0x65: {  	[spmem:s19] =	stream.linear.scatter [tilespmem:s0], [sflag:$0x2], $0x1000, $0x38;
	[tilespmem:$0x1E800] =	vst v63  }
0x66: {  	_ =	swait.ge [sflag:s30], $0x1000  }
0x67: {  	[sflag:s30] =	ssyncset.done $0x0  }
0x68: {  	[sflag:s30] =	ssyncadd.s32 $0xFFFFF000  }
0x69: {  	[spmem:s20] =	stream.linear.scatter [tilespmem:s0], [sflag:$0x2], $0x1000, $0x38;
	[tilespmem:$0x1E800] =	vst v63  }
0x6a: {  	_ =	swait.ge [sflag:s30], $0x1000  }
0x6b: {  	[sflag:s30] =	ssyncset.done $0x0  }
0x6c: {  	[sflag:s30] =	ssyncadd.s32 $0xFFFFF000  }
0x6d: {  	[spmem:s21] =	stream.linear.scatter [tilespmem:s0], [sflag:$0x2], $0x1000, $0x38;
	[tilespmem:$0x1E800] =	vst v63  }
0x6e: {  	_ =	swait.ge [sflag:s30], $0x1000  }
0x6f: {  	[sflag:s30] =	ssyncset.done $0x0  }
0x70: {  	[sflag:s30] =	ssyncadd.s32 $0xFFFFF000  }
0x71: {  	[spmem:s22] =	stream.linear.scatter [tilespmem:s0], [sflag:$0x2], $0x1000, $0x38;
	[tilespmem:$0x1E800] =	vst v63  }
0x72: {  	_ =	swait.ge [sflag:s30], $0x1000  }
0x73: {  	[sflag:s30] =	ssyncset.done $0x0  }
0x74: {  	[sflag:s30] =	ssyncadd.s32 $0xFFFFF000  }
0x75: {  	[spmem:s25] =	stream.linear.scatter [tilespmem:s0], [sflag:$0x2], $0x1000, $0x38;
	[tilespmem:$0x1E800] =	vst v63  }
0x76: {  	_ =	swait.ge [sflag:s30], $0x1000  }
0x77: {  	[sflag:s30] =	ssyncset.done $0x0  }
0x78: {  	[sflag:s30] =	ssyncadd.s32 $0xFFFFF000  }
0x79: {  	[spmem:s26] =	stream.linear.scatter [tilespmem:s0], [sflag:$0x2], $0x1000, $0x38;
	[tilespmem:$0x1E800] =	vst v63  }
0x7a: {  	_ =	swait.ge [sflag:s30], $0x1000  }
0x7b: {  	[sflag:s30] =	ssyncset.done $0x0  }
0x7c: {  	[sflag:s30] =	ssyncadd.s32 $0xFFFFF000  }
0x7d: {  	[spmem:s28] =	stream.linear.scatter [tilespmem:s0], [sflag:$0x2], $0x1000, $0x38;
	[tilespmem:$0x1E800] =	vst v63  }
0x7e: {  	_ =	swait.ge [sflag:s30], $0x1000  }
0x7f: {  	[sflag:s30] =	ssyncset.done $0x0  }
0x80: {  	[sflag:s30] =	ssyncadd.s32 $0xFFFFF000  }
0x81: {  	[spmem:s29] =	stream.linear.scatter [tilespmem:s0], [sflag:$0x2], $0x1000, $0x38;
	[tilespmem:$0x1E800] =	vst v63  }
0x82: {  	_ =	swait.ge [sflag:s30], $0x1000  }
0x83: {  	[sflag:s30] =	ssyncset.done $0x0  }
0x84: {  	[sflag:s30] =	ssyncadd.s32 $0xFFFFF000  }
0x85: {  	s10 =	simm.s32 $0x0;
	[bflag:$0x0] =	sbarrier.arrive $0xFFFF  }
0x86: {  	[tilespmem:s31], [sflag:$0x1] =	stream.indirect.gather [hbm4b:s4+s2], $0x80, s10, s2, $0xb8;
	[tilespmem:$0x1E800] =	vst v63  }
0x87: {  	_ =	swait.ge [sflag:s3], $0x4000  }
0x88: {  	[sflag:s3] =	ssyncset.done $0x0  }
0x89: {  	s11 =	simm.s32 $0x2C00;
	[sflag:s3] =	ssyncadd.s32 $0xFFFFC000  }
0x8a: {  	[spmem:s1] =	stream.indirect.scatter.add.f32 [tilespmem:s31], [sflag:$0x2], $0x80, s11, s2, $0xb8;
	[tilespmem:$0x1E800] =	vst v63  }
0x8b: {  	_ =	swait.ge [sflag:s30], $0x4000  }
0x8c: {  	[sflag:s30] =	ssyncset.done $0x0  }
0x8d: {  	s7 =	simm.s32 $0x200;
	s8 =	simm.s32 $0x80;
	[sflag:s30] =	ssyncadd.s32 $0xFFFFC000  }
.LBB2_6:
0x8e: {  	[tilespmem:s31], [sflag:$0x1] =	stream.indirect.gather [hbm4b:s4+s2], $0x80, s8, s2, $0xb8;
	[tilespmem:$0x1E800] =	vst v63  }
0x8f: {  	s8 =	smov.u32 s7  }
0x90: {  	p0 =	sne.s32 s7, $0xA400;
	s7 =	sadd.s32 $0x200, s7;
	_ =	swait.ge [sflag:s3], $0x4000  }
0x91: {  	s8 =	sshra.s32 s8, $0x2;
	[sflag:s3] =	ssyncset.done $0x0  }
.Ltmp2:
0x92: {  	s9 =	sadd.s32 $0x2C00, s8;
	[sflag:s3] =	ssyncadd.s32 $0xFFFFC000;
	(pc) =	sbr.rel @p0 .LBB2_6-.Ltmp2, $4  }
0x93: {  	[spmem:s1] =	stream.indirect.scatter.add.f32 [tilespmem:s31], [sflag:$0x2], $0x80, s9, s2, $0xb8;
	[tilespmem:$0x1E800] =	vst v63  }
0x94: {  	_ =	swait.ge [sflag:s30], $0x4000  }
0x95: {  	[sflag:s30] =	ssyncset.done $0x0  }
0x96: {  	s8 =	sadd.s32 $0x80, s8;
	[sflag:s30] =	ssyncadd.s32 $0xFFFFC000  }
0x97: {  	[tilespmem:s31], [sflag:$0x1] =	stream.indirect.gather [hbm4b:s4+s2], $0x80, s8, s2, $0xb8;
	[tilespmem:$0x1E800] =	vst v63  }
0x98: {  	_ =	swait.ge [sflag:s3], $0x4000  }
0x99: {  	[sflag:s3] =	ssyncset.done $0x0  }
0x9a: {  	s7 =	simm.s32 $0x5580;
	[sflag:s3] =	ssyncadd.s32 $0xFFFFC000  }
0x9b: {  	[spmem:s1] =	stream.indirect.scatter.add.f32 [tilespmem:s31], [sflag:$0x2], $0x80, s7, s2, $0xb8;
	[tilespmem:$0x1E800] =	vst v63  }
0x9c: {  	s10 =	stileid.u32;
	_ =	swait.ge [sflag:s30], $0x4000  }
0x9d: {  	s11 =	sshrl.u32 s6, $0x3;
	s5 =	sadd.s32 $0x1, s5;
	[sflag:s30] =	ssyncset.done $0x0  }
0x9e: {  	p0 =	sne.s32 s5, s24;
	s7 =	sshll.u32 s10, $0x6;
	[sflag:s30] =	ssyncadd.s32 $0xFFFFC000  }
.Ltmp3:
0x9f: {  	s7 =	sor.u32 $0x1C02, s7;
	[bflag:$0x0] =	sbarrier.arrive $0xFFFF;
	(pc) =	sbr.rel @p0 .LBB2_1-.Ltmp3, $4  }
0xa0: {  	[hbm:s23], [sflag:s7] =	dma.local [spmem:s11], $0x2800  }
0xa1: {  	_ =	swait.ge [sflag:s30], $0x2800  }
0xa2: {  	[sflag:s30] =	ssyncset.done $0x0  }
0xa3: {  	[sflag:s30] =	ssyncadd.s32 $0xFFFFD800  }
0xa4: {  	_ =	sfence.sel $0x180000  }
0xa5: {  	[bflag:$0x0] =	sbarrier.arrive $0xFFFF  }
0xa6: {  	_ =	strace $0x9000004D  }
0xa7: {  	s0 =	stileid.u32;
	[bflag:$0x2] =	sbarrier.arrive $0xFFFF  }
0xa8: {  	p0 =	sne.s32 s0, $0x0;
	s0 =	rddreg [dreg:$0x2]  }
0xa9: {  	s0 =	sadd.s32 @!p0 $0x100000, s0  }
0xaa: {  	[sflag:s0] =	ssyncadd.tile.s32 @!p0 $0x1;
	_ =	shalt  }
.Lfunc_end2:
_tile_overlayer_lowered:
.L_overlay_start_2:
0xab: {  	(tag) =	ssettag $0x2  }
0xac: {  	s0 =	rddreg [dreg:$0x0];
	s2 =	stileid.u32  }
0xad: {  	s1 =	rddreg [dreg:$0x1];
	p0 =	sne.s32 s2, $0x0  }
0xae: {  	s3 =	rddreg [dreg:$0x2];
	[bflag:$0x3] =	sbarrier.arrive $0xFFFF;
	s2 =	simm.s32 @!p0 $0x1C02  }
0xaf: {  	[timem:s3], [sflag:s2] =	dma.local @!p0 [hbm:s0], s1  }
0xb0: {  	s0 =	simm.s32 @!p0 $0x2  }
0xb1: {  	_ =	swait.ge @!p0 [sflag:s0], s1  }
0xb2: {  	s1 =	ssub.s32 @!p0 $0x0, s1;
	[sflag:s0] =	ssyncset.done @!p0 $0x0  }
0xb3: {  	[sflag:s0] =	ssyncadd.s32 @!p0 s1  }
0xb4: {  	[bflag:$0x3] =	sbarrier.arrive $0xFFFF  }
0xb5: {  	_ =	shalt  }

// kernel: kernel.8.cloned.1.call-start
scs
__scs_entry_jumppad:
0x0: {  	(pc) =	sbr.rel $0x88, $3  }
0x1: {  	(tag) =	ssettag $0x0;
	lr =	simm.s32 $0x1  }
0x2: {  	[smem:$0x3F9B] =	sst lr;
	_ =	strace $0xD0000000  }
0x3: {  	_ = 	snop  }
0x4: {  	_ = 	snop  }
0x5: {  	_ = 	snop  }
0x6: {  	_ = 	snop  }
0x7: {  	_ = 	snop  }
__scs_overlays_trampoline_lowered:
0x8: {  	[smem:$0x3FAA] =	sst s0  }
0x9: {  	[smem:$0x3FAB] =	sst s1  }
0xa: {  	[smem:$0x3FAC] =	sst s2  }
0xb: {  	[smem:$0x3FAD] =	sst s3  }
0xc: {  	[smem:$0x3FAE] =	sst s4  }
0xd: {  	[smem:$0x3FAF] =	sst s5  }
0xe: {  	[smem:$0x3FB0] =	sst s6  }
0xf: {  	[smem:$0x3FB1] =	sst s7  }
0x10: {  	[smem:$0x3FB2] =	sst s8  }
0x11: {  	[smem:$0x3FB3] =	sst s9;
	s0 =	simm.s32 @!p0 $0x0  }
0x12: {  	s1 =	sld [smem:$0x3F99];
	s0 =	simm.s32 @p0 $0x1  }
0x13: {  	[smem:$0x3FB4] =	sst s0;
	s0 =	simm.s32 @!p1 $0x0  }
0x14: {  	s2 =	sld [smem:$0x3F98];
	s0 =	simm.s32 @p1 $0x1  }
0x15: {  	[smem:$0x3FB5] =	sst s0;
	s0 =	simm.s32 @!p2 $0x0  }
0x16: {  	s3 =	sld [smem:$0x3FDB];
	s0 =	simm.s32 @p2 $0x1  }
0x17: {  	s4 =	simm.s32 $0x1BF5;
	[smem:$0x3FB7] =	sst s0  }
0x18: {  	s0 =	sld [smem:$0x3F9A];
	_ =	swait.ge [sflag:s4], $0x0  }
0x19: {  	s7 =	sld [smem:$0x3F9B]  }
0x1a: {  	s8 =	sadd.s32 $0xFFFFE003, lr  }
0x1b: {  	s9 =	sadd.s32 $0xFFFFFEF7, lr;
	s5 =	simm.s32 $0xFFFFFFFF;
	p2 =	slt.u32 s8, $0xFFFFF086  }
0x1c: {  	p1 =	slt.u32 s9, $0xF7A;
	s5 =	simm.s32 @!p2 $0x0  }
0x1d: {  	s5 =	simm.s32 @p1 $0x1;
	p0 =	seq.s32 s7, s2  }
0x1e: {  	s7 =	smul.u32 @!p0 $0xF7A, s2;
	p2 =	seq.s32 @!p0 s5, $0x0  }
0x1f: {  	s9 =	smul.u32 $0xF7A, s1;
	s8 =	simm.s32 @!p0 $0x1BF5;
	p2 =	por !p2, p0  }
0x20: {  	[sflag:s8] =	ssyncset.s32 @!p0 $0xFFFFF086;
	s6 =	sadd.s32 @!p0 s3, s7;
	s7 =	simm.s32 @!p0 $0x108  }
0x21: {  	s3 =	sadd.s32 s3, s9;
	s6 =	sadd.s32 @!p0 $0x88, s6;
	s7 =	simm.s32 @p2 $0x1082  }
0x22: {  	[simem:s7], [sflag:s8] =	dma.local @!p0 [hbm:s6], $0xF7A  }
0x23: {  	s9 =	sor.u32 $0xD0000000, s2;
	s6 =	simm.s32 $0x108;
	_ =	swait.ge @!p0 [sflag:s8], $0x0  }
0x24: {  	s3 =	sadd.s32 $0x88, s3;
	s6 =	simm.s32 @!p1 $0x1082;
	[sflag:s4] =	ssyncset.s32 $0xFFFFF086  }
0x25: {  	[simem:s6], [sflag:s4] =	dma.local [hbm:s3], $0xF7A  }
0x26: {  	[smem:$0x3F9B] =	sst s1;
	(tag) =	ssettag s2;
	_ =	strace s9  }
0x27: {  	s1 =	sld [smem:$0x3FAB]  }
0x28: {  	s2 =	sld [smem:$0x3FAC]  }
0x29: {  	s4 =	sld [smem:$0x3FAE]  }
0x2a: {  	p0 =	seq.s32 s5, $0x0;
	s5 =	sld [smem:$0x3FAF]  }
0x2b: {  	s6 =	sld [smem:$0x3FB0]  }
0x2c: {  	s7 =	sld [smem:$0x3FB1]  }
0x2d: {  	s3 =	simm.s32 $0x108;
	s8 =	sld [smem:$0x3FB2]  }
0x2e: {  	s3 =	simm.s32 @!p0 $0x1082;
	s9 =	sld [smem:$0x3FB3]  }
0x2f: {  	lr =	sadd.s32 s0, s3;
	s0 =	sld [smem:$0x3FAA]  }
0x30: {  	s3 =	sld [smem:$0x3FAD]  }
0x31: {  	[smem:$0x3FB6] =	sst s10  }
0x32: {  	s10 =	sld [smem:$0x3FB4];
	_ =	sdelay $0x3  }
0x33: {  	p0 =	seq.s32 s10, $0x1;
	s10 =	sld [smem:$0x3FB6];
	_ =	sdelay $0x3  }
0x34: {  	[smem:$0x3FB6] =	sst s10  }
0x35: {  	s10 =	sld [smem:$0x3FB5];
	_ =	sdelay $0x3  }
0x36: {  	p1 =	seq.s32 s10, $0x1;
	s10 =	sld [smem:$0x3FB6];
	_ =	sdelay $0x3  }
0x37: {  	[smem:$0x3FB6] =	sst s10  }
0x38: {  	s10 =	sld [smem:$0x3FB7]  }
0x39: {  	_ = 	snop;
	(pc) =	sbr.ind lr, $3  }
0x3a: {  	_ = 	snop  }
0x3b: {  	_ = 	snop  }
0x3c: {  	p2 =	seq.s32 s10, $0x1;
	s10 =	sld [smem:$0x3FB6]  }
0x3d: {  	_ =	shalt  }
0x3e: {  	_ =	shalt  }
0x3f: {  	_ =	shalt  }
0x40: {  	_ =	shalt  }
0x41: {  	_ =	shalt  }
0x42: {  	_ =	shalt  }
0x43: {  	_ =	shalt  }
0x44: {  	_ =	shalt  }
0x45: {  	_ =	shalt  }
0x46: {  	_ =	shalt  }
0x47: {  	_ =	shalt  }
0x48: {  	_ =	shalt  }
0x49: {  	_ =	shalt  }
0x4a: {  	_ =	shalt  }
0x4b: {  	_ =	shalt  }
0x4c: {  	_ =	shalt  }
0x4d: {  	_ =	shalt  }
0x4e: {  	_ =	shalt  }
0x4f: {  	_ =	shalt  }
0x50: {  	_ =	shalt  }
0x51: {  	_ =	shalt  }
0x52: {  	_ =	shalt  }
0x53: {  	_ =	shalt  }
0x54: {  	_ =	shalt  }
0x55: {  	_ =	shalt  }
0x56: {  	_ =	shalt  }
0x57: {  	_ =	shalt  }
0x58: {  	_ =	shalt  }
0x59: {  	_ =	shalt  }
0x5a: {  	_ =	shalt  }
0x5b: {  	_ =	shalt  }
0x5c: {  	_ =	shalt  }
0x5d: {  	_ =	shalt  }
0x5e: {  	_ =	shalt  }
0x5f: {  	_ =	shalt  }
0x60: {  	_ =	shalt  }
0x61: {  	_ =	shalt  }
0x62: {  	_ =	shalt  }
0x63: {  	_ =	shalt  }
0x64: {  	_ =	shalt  }
0x65: {  	_ =	shalt  }
0x66: {  	_ =	shalt  }
0x67: {  	_ =	shalt  }
0x68: {  	_ =	shalt  }
0x69: {  	_ =	shalt  }
0x6a: {  	_ =	shalt  }
0x6b: {  	_ =	shalt  }
0x6c: {  	_ =	shalt  }
0x6d: {  	_ =	shalt  }
0x6e: {  	_ =	shalt  }
0x6f: {  	_ =	shalt  }
0x70: {  	_ =	shalt  }
0x71: {  	_ =	shalt  }
0x72: {  	_ =	shalt  }
0x73: {  	_ =	shalt  }
0x74: {  	_ =	shalt  }
0x75: {  	_ =	shalt  }
0x76: {  	_ =	shalt  }
0x77: {  	_ =	shalt  }
0x78: {  	_ =	shalt  }
0x79: {  	_ =	shalt  }
0x7a: {  	_ =	shalt  }
0x7b: {  	_ =	shalt  }
0x7c: {  	_ =	shalt  }
0x7d: {  	_ =	shalt  }
0x7e: {  	_ =	shalt  }
0x7f: {  	_ =	shalt  }
0x80: {  	_ =	shalt  }
0x81: {  	_ =	shalt  }
0x82: {  	_ =	shalt  }
0x83: {  	_ =	shalt  }
0x84: {  	_ =	shalt  }
0x85: {  	_ =	shalt  }
0x86: {  	_ =	shalt  }
0x87: {  	_ =	shalt  }
.Lfunc_end0:
.L_simem_size_0:
called_computation_lowered:
.L_overlay_start_0:
0x88: {  	s2 =	sld [smem:$0x3FD9]  }
0x89: {  	s3 =	sld [smem:$0x3FFE];
	_ =	sdelay $0x1  }
0x8a: {  	s1 =	srdreg.scid  }
0x8b: {  	s0 =	sand.u32 $0x1, s1  }
0x8c: {  	s17 =	sshll.u32 s0, $0xA;
	s2 =	sadd.s32 s3, s2  }
0x8d: {  	s2 =	sadd.s32 s2, s17  }
0x8e: {  	[smem:$0x3FC2] =	sst s2  }
0x8f: {  	_ = 	snop  }
0x90: {  	s2 =	sld [smem:$0x3FD0];
	(tm) =	ssettm $0x1  }
0x91: {  	s18 =	sld [smem:$0x3FFB];
	_ =	sdelay $0x3  }
0x92: {  	_ =	strace s18  }
0x93: {  	s3 =	sld [smem:$0x3FFC];
	_ =	sdelay $0x3  }
0x94: {  	_ =	strace s3  }
0x95: {  	s3 =	sld [smem:$0x3FFD];
	_ =	sdelay $0x3  }
0x96: {  	_ =	strace s3  }
0x97: {  	_ =	strace $0x8FFFFFFF  }
0x98: {  	s19 =	sld [smem:$0x3FDB];
	_ =	sdelay $0x1  }
0x99: {  	s4 =	simm.s32 $_scs_section_size  }
0x9a: {  	s5 =	simm.s32 $_size__tile_overlayer_lowered;
	s6 =	simm.s32 $_tile_overlayer_lowered  }
0x9b: {  	s22 =	simm.s32 $0x1BFF;
	s21 =	sshll.u32 s6, $0x1;
	s3 =	sadd.s32 s4, s19  }
0x9c: {  	s7 =	simm.s32 $0x0;
	s20 =	sshll.u32 s5, $0x1;
	s5 =	sadd.s32 s21, s3  }
0x9d: {  	[timem:s7], [sflag:s22] =	dma.local [hbm:s5], s20  }
0x9e: {  	_ =	swait.ge [sflag:s22], s20  }
0x9f: {  	s4 =	ssub.s32 $0x0, s20;
	[sflag:s22] =	ssyncset.done $0x0  }
0xa0: {  	[sflag:s22] =	ssyncadd.s32 s4;
	_ =	sdelay $0x1  }
0xa1: {  	s23 =	simm.s32 $0x1B8B  }
0xa2: {  	_ =	swait.ge [sflag:s23], $0x1  }
0xa3: {  	[sflag:s23] =	ssyncset.done $0x0  }
0xa4: {  	s25 =	simm.s32 $0x1B8E;
	s24 =	sld [smem:$0x3FFE];
	[sflag:s23] =	ssyncadd.s32 $0xFFFFFFFF  }
0xa5: {  	s26 =	simm.s32 $execute0_lowered;
	[smem:$0x3FD2] =	sst s25  }
0xa6: {  	s5 =	sshll.u32 s26, $0x1;
	_ =	strace $0x80000046;
	[dreg:$0x1] =	wrdreg $0xFFFFFFFF  }
0xa7: {  	s28 =	simm.s32 $_size_execute0_lowered;
	s3 =	sadd.s32 s3, s5;
	[dreg:$0x0] =	wrdreg $0x0  }
0xa8: {  	s5 =	sshll.u32 s28, $0x1;
	[dreg:$0x2] =	wrdreg s3  }
0xa9: {  	[dreg:$0x3] =	wrdreg s5  }
0xaa: {  	[dreg:$0x4] =	wrdreg $0xC0  }
0xab: {  	_ =	task [dreg:s7], $0x5FFFF  }
0xac: {  	[dreg:$0x1] =	wrdreg $0xFFFFFFFF  }
0xad: {  	[dreg:$0x0] =	wrdreg $0x60  }
0xae: {  	[dreg:$0x2] =	wrdreg s24  }
0xaf: {  	[dreg:$0x3] =	wrdreg s2  }
0xb0: {  	[dreg:$0x4] =	wrdreg $0x9  }
0xb1: {  	_ =	task.clear_ibuf [dreg:s7], $0x5FFFF;
	_ =	strace $0x90000046  }
0xb2: {  	s29 =	simm.s32 $0x9;
	_ =	strace $0x80000048  }
0xb3: {  	_ =	swait.ge [sflag:s29], $0x1  }
0xb4: {  	[sflag:s29] =	ssyncadd.s32 $0xFFFFFFFF  }
0xb5: {  	_ =	strace $0x90000048  }
0xb6: {  	_ =	sfence  }
0xb7: {  	s30 =	sld [smem:$0x0];
	_ =	sdelay $0x2  }
0xb8: {  	s31 =	sshll.u32 s1, $0xD;
	s1 =	sshrl.u32 s1, $0x2  }
0xb9: {  	s3 =	sand.u32 $0x4000, s31;
	s1 =	sadd.s32 s1, s30  }
0xba: {  	s0 =	sor.u32 s3, s0;
	s1 =	sshll.u32 s1, $0x11  }
0xbb: {  	s0 =	sor.u32 s1, s0  }
0xbc: {  	s0 =	sadd.s32 $0x8F2B, s0  }
0xbd: {  	[sflag:s0] =	ssyncadd.remote.s32 $0x1  }
0xbe: {  	_ =	sfence.sel $0xFFFF  }
0xbf: {  	[dreg:$0x0] =	wrdreg $0xFFFFFFFF;
	(pc) =	sbr.abs _section_cstart, $3  }
0xc0: {  	[dreg:$0x1] =	wrdreg $0xFFFFFFFF  }
0xc1: {  	_ =	task.clear_ibuf [dreg:s7], $0x2FFFF;
	_ =	strace $0x9FFFFFFF  }
0xc2: {  	(tm) =	ssettm $0x7FFFFFFF  }
0xc3: {  	_ =	shalt  }
tec
execute0_lowered:
.L_overlay_start_1:
0x0: {  	(tag) =	ssettag $0x1  }
0x1: {  	s3 =	rddreg [dreg:$0x0]  }
0x2: {  	s1 =	srdreg.scid;
	s0 =	stileid.u32  }
0x3: {  	s4 =	rddreg [dreg:$0x1];
	s9 =	simm.s32 $0x400;
	s10 =	simm.s32 $0x0  }
0x4: {  	s5 =	sand.u32 $0x1, s1;
	s2 =	sshll.u32 s0, $0x1;
	s1 =	rddreg [dreg:$0x2]  }
0x5: {  	s7 =	sshrl.u32 s0, $0x2;
	s6 =	sor.u32 s5, s2;
	s2 =	simm.s32 $0x0  }
0x6: {  	s7 =	smul.u32 $0x14000, s7;
	s5 =	ssub.s32 $0x2, s5;
	s8 =	sshll.u32 s6, $0x7  }
0x7: {  	[smem:$0x7FF] =	sst s2;
	s6 =	smul.u32 $0x2A0, s6;
	s31 =	sshrl.u32 s5, $0x1  }
0x8: {  	s8 =	sand.u32 $0x380, s8;
	_ =	strace $0x80000047;
	s5 =	ssub.s32 s5, s31  }
0x9: {  	s7 =	sor.u32 s7, s8;
	s3 =	sadd.s32 s6, s3;
	s5 =	smax.u32 s5, $0x1  }
0xa: {  	s6 =	simm.s32 $0x1;
	s8 =	simm.s32 $0x80;
	s7 =	sshrl.u32 s7, $0x3  }
0xb: {  	v0 =	vimm.f32 $0.0e+00;
	v1 =	vimm.f32 $1.000000000e+00;
	s3 =	sadd.s32 $0x1600, s3;
	s4 =	sadd.s32 s4, s7;
	s7 =	simm.s32 $0x1500  }
.LBB2_1:
0xc: {  	[tilespmem:s2], [sflag:$0x1] =	stream.linear.gather [hbm4b:s3+s2], $0x1500, $0x38;
	[tilespmem:$0x3D00] =	vst v63  }
0xd: {  	_ =	swait.ge [sflag:s6], $0x1500  }
0xe: {  	[sflag:s6] =	ssyncset.done $0x0  }
0xf: {  	s11 =	simm.s32 $0x0;
	[sflag:s6] =	ssyncadd.s32 $0xFFFFEB00  }
.LBB2_2:
0x10: {  	p0 =	sne.s32 s11, $0x9FC0  }
.Ltmp0:
0x11: {  	_ = 	snop;
	(pc) =	sbr.rel @p0 .LBB2_2-.Ltmp0, $3  }
0x12: {  	_ =	sdelay $0x1  }
0x13: {  	s12 =	sshra.s32 s11, $0x2  }
0x14: {  	s11 =	sadd.s32 $0x40, s11;
	[tilespmem:s12+$0x1500] =	vst v0  }
0x15: {  	s12 =	simm.s32 $0x0;
	s11 =	simm.s32 $0x40  }
.LBB2_4:
0x16: {  	p0 =	sne.s32 s11, $0x53C0;
	v2 =	vld [tilespmem:s12+$0x0];
	_ =	sdelay $0x3  }
.Ltmp1:
0x17: {  	(pc) =	sbr.rel @p0 .LBB2_4-.Ltmp1, $2  }
0x18: {  	_ =	sdelay $0x2  }
0x19: {  	s12 =	sshra.s32 s11, $0x2;
	s11 =	sadd.s32 $0x40, s11;
	[tilespmem:v2+s7+$0x0] =	vst.idx.add.f32.msk $0xffff, v1  }
0x1a: {  	v2 =	vld [tilespmem:s12+$0x0];
	_ =	sdelay $0x5  }
0x1b: {  	s10 =	sadd.s32 $0x1, s10  }
0x1c: {  	p0 =	sne.s32 s10, s5  }
.Ltmp2:
0x1d: {  	[tilespmem:v2+s7+$0x0] =	vst.idx.add.f32.msk $0xffff, v1;
	(pc) =	sbr.rel @p0 .LBB2_1-.Ltmp2, $4  }
0x1e: {  	[hbm4b:s4+s8] =	stream.strided.scatter [tilespmem:s7], [sflag:$0x1], $0x2800, s9, s8, $0x38;
	[tilespmem:$0x3D00] =	vst v63  }
0x1f: {  	_ =	swait.ge [sflag:s6], $0x2800  }
0x20: {  	[sflag:s6] =	ssyncset.done $0x0  }
0x21: {  	[sflag:s6] =	ssyncadd.s32 $0xFFFFD800  }
0x22: {  	_ =	sfence.sel $0x180000  }
0x23: {  	[bflag:$0x0] =	sbarrier.arrive $0xFFFF  }
0x24: {  	p0 =	sne.s32 s0, $0x0;
	_ =	strace $0x90000047  }
0x25: {  	s0 =	sadd.s32 @!p0 $0x100000, s1;
	[bflag:$0x2] =	sbarrier.arrive $0xFFFF  }
0x26: {  	[sflag:s0] =	ssyncadd.tile.s32 @!p0 $0x1;
	_ =	shalt  }
.Lfunc_end2:
_tile_overlayer_lowered:
.L_overlay_start_2:
0x27: {  	(tag) =	ssettag $0x2  }
0x28: {  	s0 =	rddreg [dreg:$0x0];
	s2 =	stileid.u32  }
0x29: {  	s1 =	rddreg [dreg:$0x1];
	p0 =	sne.s32 s2, $0x0  }
0x2a: {  	s3 =	rddreg [dreg:$0x2];
	[bflag:$0x3] =	sbarrier.arrive $0xFFFF;
	s2 =	simm.s32 @!p0 $0x1C01  }
0x2b: {  	[timem:s3], [sflag:s2] =	dma.local @!p0 [hbm:s0], s1  }
0x2c: {  	s0 =	simm.s32 @!p0 $0x1  }
0x2d: {  	_ =	swait.ge @!p0 [sflag:s0], s1  }
0x2e: {  	s1 =	ssub.s32 @!p0 $0x0, s1;
	[sflag:s0] =	ssyncset.done @!p0 $0x0  }
0x2f: {  	[sflag:s0] =	ssyncadd.s32 @!p0 s1  }
0x30: {  	[bflag:$0x3] =	sbarrier.arrive $0xFFFF  }
0x31: {  	_ =	shalt  }

</sc_bundles>
